<compile_context>
chip_gen: v7x
topology: tpu7x:2x2x1
jax: 0.10.2.dev20260603
libtpu: 0.0.44.dev20260713+nightly
codegen_flags: <defaults>
</compile_context>

<pallas_src>
import functools

import jax
import jax.numpy as jnp
from jax import lax
from jax.experimental import pallas as pl
from jax.experimental.pallas import tpu as pltpu
from jax.experimental.pallas import tpu_sc as plsc

NN = 10000
EE = 320000
FF = 128
CC = 16

NTILES = 32
EPT = EE // NTILES
FPT = FF // NTILES
CH = 4000
NCH = EE // CH

_mesh = plsc.VectorSubcoreMesh(core_axis_name="c", subcore_axis_name="s")
_sc_params = pltpu.CompilerParams(use_tc_tiling_on_sc=False,
                                  needs_layout_passes=False,
                                  disable_bounds_checks=True)


def _wid():
    return lax.axis_index("s") * 2 + lax.axis_index("c")


def _zero_1d(ref, n):
    z = jnp.zeros((16,), jnp.float32)

    @plsc.parallel_loop(0, n // 16, unroll=8)
    def _(i):
        ref[pl.ds(i * 16, 16)] = z


@functools.partial(
    pl.kernel,
    out_type=(
        jax.ShapeDtypeStruct((EE,), jnp.int32),
        jax.ShapeDtypeStruct((NTILES, NN), jnp.float32),
        jax.ShapeDtypeStruct((NTILES, NN), jnp.float32),
    ),
    mesh=_mesh,
    scratch_types=[
        pltpu.VMEM((EPT,), jnp.int32),
        pltpu.VMEM((EPT,), jnp.int32),
        pltpu.VMEM((EPT,), jnp.int32),
        pltpu.VMEM((NN,), jnp.float32),
        pltpu.VMEM((NN,), jnp.float32),
    ],
    compiler_params=_sc_params,
)
def _sc_pack_deg(edge_hbm, ep_hbm, dego_hbm, degi_hbm,
                 srcv, dstv, epv, ho, hi):
    w = _wid()
    base = w * EPT
    pltpu.sync_copy(edge_hbm.at[0, pl.ds(base, EPT)], srcv)
    pltpu.sync_copy(edge_hbm.at[1, pl.ds(base, EPT)], dstv)
    _zero_1d(ho, NN)
    _zero_1d(hi, NN)
    ones = jnp.full((16,), 1.0, jnp.float32)

    @plsc.parallel_loop(0, EPT // 16, unroll=5)
    def _(j):
        s = srcv[pl.ds(j * 16, 16)]
        d = dstv[pl.ds(j * 16, 16)]
        epv[pl.ds(j * 16, 16)] = s | (d << 16)
        plsc.addupdate_scatter(ho, [s], ones)
        plsc.addupdate_scatter(hi, [d], ones)
    pltpu.sync_copy(epv, ep_hbm.at[pl.ds(base, EPT)])
    pltpu.sync_copy(ho, dego_hbm.at[w])
    pltpu.sync_copy(hi, degi_hbm.at[w])


def _make_sc_layer(with_wsum):
    out_type = [jax.ShapeDtypeStruct((FF, NN), jnp.float32)]
    scratch = (
        [pltpu.VMEM((NN,), jnp.int32)] * 2
        + [pltpu.VMEM((NN,), jnp.float32)] * FPT
        + [
            pltpu.VMEM((CH,), jnp.int32),
            pltpu.VMEM((CH,), jnp.int32),
            pltpu.SemaphoreType.DMA,
            pltpu.SemaphoreType.DMA,
        ]
    )
    if with_wsum:
        out_type.append(jax.ShapeDtypeStruct((NTILES, NN), jnp.float32))
        scratch += [
            pltpu.VMEM((NN,), jnp.float32),
            pltpu.VMEM((NN,), jnp.float32),
        ]

    def body(hp_hbm, ep_hbm, *rest):
        if with_wsum:
            (normd_hbm, aggT_hbm, wsum_hbm, hp0, hp1, a0, a1, a2, a3,
             ebA, ebB, semA, semB, nd_l, ws_l) = rest
        else:
            (aggT_hbm, hp0, hp1, a0, a1, a2, a3,
             ebA, ebB, semA, semB) = rest
        hp_refs = (hp0, hp1)
        a_refs = (a0, a1, a2, a3)
        w = _wid()
        for k in range(2):
            pltpu.sync_copy(hp_hbm.at[2 * w + k], hp_refs[k])
        if with_wsum:
            pltpu.sync_copy(normd_hbm, nd_l)
            _zero_1d(ws_l, NN)
        for f in range(FPT):
            _zero_1d(a_refs[f], NN)
        himask = jnp.int32(-65536)

        def start(cidx, buf, sem):
            return pltpu.async_copy(ep_hbm.at[pl.ds(cidx * CH, CH)], buf, sem)

        def wait(buf, sem):
            pltpu.make_async_copy(ep_hbm.at[pl.ds(0, CH)], buf, sem).wait()

        def do_edges(ebuf, j, wsum):
            ep = ebuf[pl.ds(j * 16, 16)]
            s = ep & 0xFFFF
            d = ep >> 16
            for k in range(2):
                g = plsc.load_gather(hp_refs[k], [s])
                vlo = plsc.bitcast(g << 16, jnp.float32)
                vhi = plsc.bitcast(g & himask, jnp.float32)
                plsc.addupdate_scatter(a_refs[2 * k], [d], vlo)
                plsc.addupdate_scatter(a_refs[2 * k + 1], [d], vhi)
            if wsum:
                nd = plsc.load_gather(nd_l, [d])
                plsc.addupdate_scatter(ws_l, [s], nd)

        def edges_plain(ebuf):
            @plsc.parallel_loop(0, CH // 16, unroll=3)
            def _(j):
                do_edges(ebuf, j, False)

        def edges_wsum(ebuf):
            @plsc.parallel_loop(0, CH // 16, unroll=3)
            def _(j):
                do_edges(ebuf, j, True)

        def process(cidx, ebuf):
            if with_wsum:
                mine = (cidx % NTILES) == w

                @pl.when(mine)
                def _():
                    edges_wsum(ebuf)

                @pl.when(jnp.logical_not(mine))
                def _():
                    edges_plain(ebuf)
            else:
                edges_plain(ebuf)

        start(0, ebA, semA)
        start(1, ebB, semB)

        def outer(i, _):
            wait(ebA, semA)

            @pl.when(i < NCH // 2 - 1)
            def _():
                start(2 * i + 2, ebA, semA)

            process(2 * i, ebA)
            wait(ebB, semB)

            @pl.when(i < NCH // 2 - 1)
            def _():
                start(2 * i + 3, ebB, semB)

            process(2 * i + 1, ebB)
            return 0

        lax.fori_loop(0, NCH // 2, outer, 0)

        pltpu.sync_copy(a_refs[0], aggT_hbm.at[2 * w])
        pltpu.sync_copy(a_refs[1], aggT_hbm.at[64 + 2 * w])
        pltpu.sync_copy(a_refs[2], aggT_hbm.at[2 * w + 1])
        pltpu.sync_copy(a_refs[3], aggT_hbm.at[64 + 2 * w + 1])
        if with_wsum:
            pltpu.sync_copy(ws_l, wsum_hbm.at[w])

    return pl.kernel(
        body,
        out_type=tuple(out_type) if with_wsum else out_type[0],
        mesh=_mesh,
        scratch_types=scratch,
        compiler_params=_sc_params,
    )


_sc_layer_wsum = _make_sc_layer(True)
_sc_layer = _make_sc_layer(False)


def _pack_bf16_pairs(h):
    lo = h[:64, :].astype(jnp.bfloat16)
    hi = h[64:, :].astype(jnp.bfloat16)
    lob = lax.bitcast_convert_type(lo, jnp.uint16).astype(jnp.uint32)
    hib = lax.bitcast_convert_type(hi, jnp.uint16).astype(jnp.uint32)
    return lax.bitcast_convert_type(lob | (hib << 16), jnp.int32)


def _tcA_body(x_in, dego, degi, h_out, ns_out, nd_out):
    deg_o = jnp.sum(dego[...], axis=0, keepdims=True)
    deg_i = jnp.sum(degi[...], axis=0, keepdims=True)
    ns = jnp.where(deg_o > 0, lax.rsqrt(jnp.maximum(deg_o, 1.0)), 0.0)
    nd = jnp.where(deg_i > 0, lax.rsqrt(jnp.maximum(deg_i, 1.0)), 0.0)
    ns_out[...] = ns
    nd_out[...] = nd
    inT = jnp.transpose(x_in[...], (1, 0))
    h_out[...] = _pack_bf16_pairs(inT * ns)


def _tc_norms(inT, dego_p, degi_p):
    return pl.pallas_call(
        _tcA_body,
        out_shape=[
            jax.ShapeDtypeStruct((FF // 2, NN), jnp.int32),
            jax.ShapeDtypeStruct((1, NN), jnp.float32),
            jax.ShapeDtypeStruct((1, NN), jnp.float32),
        ],
    )(inT, dego_p, degi_p)


def _tcB_body(agg, nd, ns, W, b, h_out):
    x = agg[...] * nd[...]
    y = lax.dot_general(W[...], x, (((0,), (0,)), ((), ())),
                        preferred_element_type=jnp.float32)
    h_out[...] = _pack_bf16_pairs(jnp.maximum(y + b[...], 0.0) * ns[...])


def _tc_layer(aggT, nd, ns, W, b2d):
    return pl.pallas_call(
        _tcB_body,
        out_shape=jax.ShapeDtypeStruct((FF // 2, NN), jnp.int32),
    )(aggT, nd, ns, W, b2d)


def _tcC_body(agg, nd, wsp, ns, W2, b2, W3, b3, out):
    x = agg[...] * nd[...]
    y = lax.dot_general(W2[...], x, (((0,), (0,)), ((), ())),
                        preferred_element_type=jnp.float32)
    h2 = jnp.maximum(y + b2[...], 0.0)
    wv = ns[...] * jnp.sum(wsp[...], axis=0, keepdims=True)
    g = lax.dot_general(h2, wv, (((1,), (1,)), ((), ())),
                        preferred_element_type=jnp.float32) * (1.0 / NN)
    p = lax.dot_general(W3[...], g, (((0,), (0,)), ((), ())),
                        preferred_element_type=jnp.float32) + b3[...]
    m = jnp.max(p, axis=0, keepdims=True)
    e = jnp.exp(p - m)
    out[...] = e / jnp.sum(e, axis=0, keepdims=True)


def _tc_final(aggT, nd, wsum_p, ns, W2, b2d, W3, b3d):
    return pl.pallas_call(
        _tcC_body,
        out_shape=jax.ShapeDtypeStruct((CC, 1), jnp.float32),
    )(aggT, nd, wsum_p, ns, W2, b2d, W3, b3d)


def kernel(in_feat, edge_index, W1, b1, W2, b2, W3, b3):
    ep, dego_p, degi_p = _sc_pack_deg(edge_index)
    h0sT, ns, nd = _tc_norms(in_feat, dego_p, degi_p)
    aggT1, wsum_p = _sc_layer_wsum(h0sT, ep, nd.reshape(NN))
    h1sT = _tc_layer(aggT1, nd, ns, W1, b1.reshape(FF, 1))
    aggT2 = _sc_layer(h1sT, ep)
    out = _tc_final(aggT2, nd, wsum_p, ns, W2, b2.reshape(FF, 1),
                    W3, b3.reshape(CC, 1))
    return out.reshape(CC)

# --- scband reference (transcript-rebuilt; emitter-appended) ---
"""Pipeline reference for scband-gcn-19026705121451 (READ-ONLY COPY).

The authoritative reference and input builder live on the scoring server;
editing this copy changes nothing except your own understanding.
"""

import jax, jax.numpy as jnp
import numpy as np

N = 10000
E = 320000
F_IN = 128
H = 128
C = 16

def _glorot(key, shape):
    fan_in, fan_out = shape[0], shape[1]
    lim = np.sqrt(6.0 / (fan_in + fan_out))
    return jax.random.uniform(key, shape, dtype=jnp.float32, minval=-lim, maxval=lim)

def setup_inputs(seed: int = 0) -> dict:
    key = jax.random.key(seed)
    ks = jax.random.split(key, 8)
    in_feat = jax.random.normal(ks[0], (N, F_IN), dtype=jnp.float32)
    edge_index = jax.random.randint(ks[1], (2, E), 0, N)
    W1 = _glorot(ks[2], (F_IN, H)); b1 = jnp.zeros((H,), dtype=jnp.float32)
    W2 = _glorot(ks[3], (H, H));    b2 = jnp.zeros((H,), dtype=jnp.float32)
    W3 = _glorot(ks[4], (H, C));    b3 = jnp.zeros((C,), dtype=jnp.float32)
    return {"in_feat": in_feat, "edge_index": edge_index,
            "W1": W1, "b1": b1, "W2": W2, "b2": b2, "W3": W3, "b3": b3}

def _graph_conv(x, src, dst, W, b):
    # DGL GraphConv with norm='both': D_dst^{-1/2} A D_src^{-1/2} X W + b
    ones = jnp.ones((src.shape[0],), dtype=x.dtype)
    deg_out = jnp.zeros((N,), dtype=x.dtype).at[src].add(ones)
    deg_in = jnp.zeros((N,), dtype=x.dtype).at[dst].add(ones)
    norm_s = jnp.where(deg_out > 0, jax.lax.rsqrt(jnp.maximum(deg_out, 1.0)), 0.0)
    norm_d = jnp.where(deg_in > 0, jax.lax.rsqrt(jnp.maximum(deg_in, 1.0)), 0.0)
    h = x * norm_s[:, None]
    msg = jnp.take(h, src, axis=0)
    agg = jnp.zeros((N, x.shape[1]), dtype=x.dtype).at[dst].add(msg)
    agg = agg * norm_d[:, None]
    return agg @ W + b

def reference(in_feat, edge_index, W1, b1, W2, b2, W3, b3):
    src = edge_index[0]
    dst = edge_index[1]
    h = jax.nn.relu(_graph_conv(in_feat, src, dst, W1, b1))
    h = jax.nn.relu(_graph_conv(h, src, dst, W2, b2))
    h = _graph_conv(h, src, dst, W3, b3)
    # dgl.mean_nodes over a single graph -> [C], then softmax
    g_mean = jnp.mean(h, axis=0)
    return jax.nn.softmax(g_mean, axis=-1)

if __name__ == "__main__":
    import jax
    _d = setup_inputs()
    print(jax.jit(kernel)(*tuple(_d.values())))

</pallas_src>

<mosaic_0001>
#map = affine_map<(d0, d1) -> (0, 0)>
#map1 = affine_map<(d0, d1) -> (0)>
module attributes {stable_mosaic.version = 14 : i64} {
  func.func @body(%arg0: i32, %arg1: i32, %arg2: memref<64x10000xi32, #tpu.memory_space<hbm>>, %arg3: memref<320000xi32, #tpu.memory_space<hbm>>, %arg4: memref<10000xf32, #tpu.memory_space<hbm>>, %arg5: memref<128x10000xf32, #tpu.memory_space<hbm>>, %arg6: memref<32x10000xf32, #tpu.memory_space<hbm>>, %arg7: memref<10000xi32, #tpu.memory_space<vmem>>, %arg8: memref<10000xi32, #tpu.memory_space<vmem>>, %arg9: memref<10000xf32, #tpu.memory_space<vmem>>, %arg10: memref<10000xf32, #tpu.memory_space<vmem>>, %arg11: memref<10000xf32, #tpu.memory_space<vmem>>, %arg12: memref<10000xf32, #tpu.memory_space<vmem>>, %arg13: memref<4000xi32, #tpu.memory_space<vmem>>, %arg14: memref<4000xi32, #tpu.memory_space<vmem>>, %arg15: memref<!tpu.dma_semaphore, #tpu.memory_space<semaphore_mem>>, %arg16: memref<!tpu.dma_semaphore, #tpu.memory_space<semaphore_mem>>, %arg17: memref<10000xf32, #tpu.memory_space<vmem>>, %arg18: memref<10000xf32, #tpu.memory_space<vmem>>) attributes {dimension_semantics = [#tpu.dimension_semantics<core_parallel>, #tpu.dimension_semantics<subcore_parallel>], iteration_bounds = array<i64: 2, 16>, scalar_prefetch = 0 : i64, scratch_operands = 12 : i64, tpu.core_type = #tpu.core_type<sc_vector_subcore>, window_params = [{transform_indices = #map}, {transform_indices = #map1}, {transform_indices = #map1}, {transform_indices = #map}, {transform_indices = #map}]} {
    %mul3A = arith.constant 2 : i32
    %mul3A_0 = arith.muli %arg1, %mul3A : i32
    %add3A = arith.addi %mul3A_0, %arg0 : i32
    %mul3A_1 = arith.constant 2 : i32
    %mul3A_2 = arith.muli %mul3A_1, %add3A : i32
    %add3A_3 = arith.constant 0 : i32
    %add3A_4 = arith.addi %mul3A_2, %add3A_3 : i32
    "tpu.region"() ({
      %run_scoped3A = tpu.sem_alloc : memref<!tpu.dma_semaphore, #tpu.memory_space<semaphore_mem>>
      %dma_start3A_62 = arith.constant 0 : i32
      %dma_start3A_63 = tpu.memref_slice %arg2[%add3A_4, %dma_start3A_62] : memref<64x10000xi32, #tpu.memory_space<hbm>> -> memref<1x10000xi32, #tpu.memory_space<hbm>>
      %dma_start3A_64 = tpu.memref_squeeze %dma_start3A_63 : memref<1x10000xi32, #tpu.memory_space<hbm>> -> memref<10000xi32, #tpu.memory_space<hbm>>
      %dma_start3A_65 = arith.constant 0 : i32
      %dma_start3A_66 = tpu.memref_slice %arg2[%add3A_4, %dma_start3A_65] : memref<64x10000xi32, #tpu.memory_space<hbm>> -> memref<1x10000xi32, #tpu.memory_space<hbm>>
      %dma_start3A_67 = tpu.memref_squeeze %dma_start3A_66 : memref<1x10000xi32, #tpu.memory_space<hbm>> -> memref<10000xi32, #tpu.memory_space<hbm>>
      tpu.enqueue_dma source(%dma_start3A_67 : memref<10000xi32, #tpu.memory_space<hbm>>) target(%arg7 : memref<10000xi32, #tpu.memory_space<vmem>>) target_semaphore(%run_scoped3A : memref<!tpu.dma_semaphore, #tpu.memory_space<semaphore_mem>>)
      %dma_wait3A = arith.constant 0 : i32
      %dma_wait3A_68 = tpu.memref_slice %arg2[%add3A_4, %dma_wait3A] : memref<64x10000xi32, #tpu.memory_space<hbm>> -> memref<1x10000xi32, #tpu.memory_space<hbm>>
      %dma_wait3A_69 = tpu.memref_squeeze %dma_wait3A_68 : memref<1x10000xi32, #tpu.memory_space<hbm>> -> memref<10000xi32, #tpu.memory_space<hbm>>
      %dma_wait3A_70 = arith.constant 0 : i32
      %dma_wait3A_71 = tpu.memref_slice %arg2[%add3A_4, %dma_wait3A_70] : memref<64x10000xi32, #tpu.memory_space<hbm>> -> memref<1x10000xi32, #tpu.memory_space<hbm>>
      %dma_wait3A_72 = tpu.memref_squeeze %dma_wait3A_71 : memref<1x10000xi32, #tpu.memory_space<hbm>> -> memref<10000xi32, #tpu.memory_space<hbm>>
      tpu.wait_dma2 semaphore(%run_scoped3A : memref<!tpu.dma_semaphore, #tpu.memory_space<semaphore_mem>>) src(%dma_wait3A_72 : memref<10000xi32, #tpu.memory_space<hbm>>) dst(%arg7 : memref<10000xi32, #tpu.memory_space<vmem>>)
      tpu.yield
    }) : () -> ()
    %mul3A_5 = arith.constant 2 : i32
    %mul3A_6 = arith.muli %mul3A_5, %add3A : i32
    %add3A_7 = arith.constant 1 : i32
    %add3A_8 = arith.addi %mul3A_6, %add3A_7 : i32
    "tpu.region"() ({
      %run_scoped3A = tpu.sem_alloc : memref<!tpu.dma_semaphore, #tpu.memory_space<semaphore_mem>>
      %dma_start3A_62 = arith.constant 0 : i32
      %dma_start3A_63 = tpu.memref_slice %arg2[%add3A_8, %dma_start3A_62] : memref<64x10000xi32, #tpu.memory_space<hbm>> -> memref<1x10000xi32, #tpu.memory_space<hbm>>
      %dma_start3A_64 = tpu.memref_squeeze %dma_start3A_63 : memref<1x10000xi32, #tpu.memory_space<hbm>> -> memref<10000xi32, #tpu.memory_space<hbm>>
      %dma_start3A_65 = arith.constant 0 : i32
      %dma_start3A_66 = tpu.memref_slice %arg2[%add3A_8, %dma_start3A_65] : memref<64x10000xi32, #tpu.memory_space<hbm>> -> memref<1x10000xi32, #tpu.memory_space<hbm>>
      %dma_start3A_67 = tpu.memref_squeeze %dma_start3A_66 : memref<1x10000xi32, #tpu.memory_space<hbm>> -> memref<10000xi32, #tpu.memory_space<hbm>>
      tpu.enqueue_dma source(%dma_start3A_67 : memref<10000xi32, #tpu.memory_space<hbm>>) target(%arg8 : memref<10000xi32, #tpu.memory_space<vmem>>) target_semaphore(%run_scoped3A : memref<!tpu.dma_semaphore, #tpu.memory_space<semaphore_mem>>)
      %dma_wait3A = arith.constant 0 : i32
      %dma_wait3A_68 = tpu.memref_slice %arg2[%add3A_8, %dma_wait3A] : memref<64x10000xi32, #tpu.memory_space<hbm>> -> memref<1x10000xi32, #tpu.memory_space<hbm>>
      %dma_wait3A_69 = tpu.memref_squeeze %dma_wait3A_68 : memref<1x10000xi32, #tpu.memory_space<hbm>> -> memref<10000xi32, #tpu.memory_space<hbm>>
      %dma_wait3A_70 = arith.constant 0 : i32
      %dma_wait3A_71 = tpu.memref_slice %arg2[%add3A_8, %dma_wait3A_70] : memref<64x10000xi32, #tpu.memory_space<hbm>> -> memref<1x10000xi32, #tpu.memory_space<hbm>>
      %dma_wait3A_72 = tpu.memref_squeeze %dma_wait3A_71 : memref<1x10000xi32, #tpu.memory_space<hbm>> -> memref<10000xi32, #tpu.memory_space<hbm>>
      tpu.wait_dma2 semaphore(%run_scoped3A : memref<!tpu.dma_semaphore, #tpu.memory_space<semaphore_mem>>) src(%dma_wait3A_72 : memref<10000xi32, #tpu.memory_space<hbm>>) dst(%arg8 : memref<10000xi32, #tpu.memory_space<vmem>>)
      tpu.yield
    }) : () -> ()
    "tpu.region"() ({
      %run_scoped3A = tpu.sem_alloc : memref<!tpu.dma_semaphore, #tpu.memory_space<semaphore_mem>>
      tpu.enqueue_dma source(%arg4 : memref<10000xf32, #tpu.memory_space<hbm>>) target(%arg17 : memref<10000xf32, #tpu.memory_space<vmem>>) target_semaphore(%run_scoped3A : memref<!tpu.dma_semaphore, #tpu.memory_space<semaphore_mem>>)
      tpu.wait_dma2 semaphore(%run_scoped3A : memref<!tpu.dma_semaphore, #tpu.memory_space<semaphore_mem>>) src(%arg4 : memref<10000xf32, #tpu.memory_space<hbm>>) dst(%arg17 : memref<10000xf32, #tpu.memory_space<vmem>>)
      tpu.yield
    }) : () -> ()
    %broadcast_in_dim3A = arith.constant 0.000000e+00 : f32
    %broadcast_in_dim3A_9 = vector.broadcast %broadcast_in_dim3A : f32 to vector<16xf32>
    %parallel_loop3A = arith.constant 0 : i32
    %parallel_loop3A_10 = arith.constant 625 : i32
    %parallel_loop3A_11 = arith.constant 1 : i32
    scf.for %parallel_loop3A_62 = %parallel_loop3A to %parallel_loop3A_10 step %parallel_loop3A_11  : i32 {
      %parallel_loop3A_63 = arith.constant 16 : i32
      %parallel_loop3A_64 = arith.muli %parallel_loop3A_62, %parallel_loop3A_63 : i32
      %parallel_loop3A_65 = arith.index_cast %parallel_loop3A_64 : i32 to index
      %parallel_loop3A_66 = tpu.vector_load %arg18[%parallel_loop3A_65] {strides = array<i32>} : memref<10000xf32, #tpu.memory_space<vmem>>, vector<16xf32>,
      tpu.vector_store %arg18[%parallel_loop3A_65], %broadcast_in_dim3A_9 {strides = array<i32>} : memref<10000xf32, #tpu.memory_space<vmem>>, vector<16xf32>,
    } {sc.loop_unroll_factor = 8 : i64, sc.parallel_access}
    %broadcast_in_dim3A_12 = arith.constant 0.000000e+00 : f32
    %broadcast_in_dim3A_13 = vector.broadcast %broadcast_in_dim3A_12 : f32 to vector<16xf32>
    %parallel_loop3A_14 = arith.constant 0 : i32
    %parallel_loop3A_15 = arith.constant 625 : i32
    %parallel_loop3A_16 = arith.constant 1 : i32
    scf.for %parallel_loop3A_62 = %parallel_loop3A_14 to %parallel_loop3A_15 step %parallel_loop3A_16  : i32 {
      %parallel_loop3A_63 = arith.constant 16 : i32
      %parallel_loop3A_64 = arith.muli %parallel_loop3A_62, %parallel_loop3A_63 : i32
      %parallel_loop3A_65 = arith.index_cast %parallel_loop3A_64 : i32 to index
      %parallel_loop3A_66 = tpu.vector_load %arg9[%parallel_loop3A_65] {strides = array<i32>} : memref<10000xf32, #tpu.memory_space<vmem>>, vector<16xf32>,
      tpu.vector_store %arg9[%parallel_loop3A_65], %broadcast_in_dim3A_13 {strides = array<i32>} : memref<10000xf32, #tpu.memory_space<vmem>>, vector<16xf32>,
    } {sc.loop_unroll_factor = 8 : i64, sc.parallel_access}
    %broadcast_in_dim3A_17 = arith.constant 0.000000e+00 : f32
    %broadcast_in_dim3A_18 = vector.broadcast %broadcast_in_dim3A_17 : f32 to vector<16xf32>
    %parallel_loop3A_19 = arith.constant 0 : i32
    %parallel_loop3A_20 = arith.constant 625 : i32
    %parallel_loop3A_21 = arith.constant 1 : i32
    scf.for %parallel_loop3A_62 = %parallel_loop3A_19 to %parallel_loop3A_20 step %parallel_loop3A_21  : i32 {
      %parallel_loop3A_63 = arith.constant 16 : i32
      %parallel_loop3A_64 = arith.muli %parallel_loop3A_62, %parallel_loop3A_63 : i32
      %parallel_loop3A_65 = arith.index_cast %parallel_loop3A_64 : i32 to index
      %parallel_loop3A_66 = tpu.vector_load %arg10[%parallel_loop3A_65] {strides = array<i32>} : memref<10000xf32, #tpu.memory_space<vmem>>, vector<16xf32>,
      tpu.vector_store %arg10[%parallel_loop3A_65], %broadcast_in_dim3A_18 {strides = array<i32>} : memref<10000xf32, #tpu.memory_space<vmem>>, vector<16xf32>,
    } {sc.loop_unroll_factor = 8 : i64, sc.parallel_access}
    %broadcast_in_dim3A_22 = arith.constant 0.000000e+00 : f32
    %broadcast_in_dim3A_23 = vector.broadcast %broadcast_in_dim3A_22 : f32 to vector<16xf32>
    %parallel_loop3A_24 = arith.constant 0 : i32
    %parallel_loop3A_25 = arith.constant 625 : i32
    %parallel_loop3A_26 = arith.constant 1 : i32
    scf.for %parallel_loop3A_62 = %parallel_loop3A_24 to %parallel_loop3A_25 step %parallel_loop3A_26  : i32 {
      %parallel_loop3A_63 = arith.constant 16 : i32
      %parallel_loop3A_64 = arith.muli %parallel_loop3A_62, %parallel_loop3A_63 : i32
      %parallel_loop3A_65 = arith.index_cast %parallel_loop3A_64 : i32 to index
      %parallel_loop3A_66 = tpu.vector_load %arg11[%parallel_loop3A_65] {strides = array<i32>} : memref<10000xf32, #tpu.memory_space<vmem>>, vector<16xf32>,
      tpu.vector_store %arg11[%parallel_loop3A_65], %broadcast_in_dim3A_23 {strides = array<i32>} : memref<10000xf32, #tpu.memory_space<vmem>>, vector<16xf32>,
    } {sc.loop_unroll_factor = 8 : i64, sc.parallel_access}
    %broadcast_in_dim3A_27 = arith.constant 0.000000e+00 : f32
    %broadcast_in_dim3A_28 = vector.broadcast %broadcast_in_dim3A_27 : f32 to vector<16xf32>
    %parallel_loop3A_29 = arith.constant 0 : i32
    %parallel_loop3A_30 = arith.constant 625 : i32
    %parallel_loop3A_31 = arith.constant 1 : i32
    scf.for %parallel_loop3A_62 = %parallel_loop3A_29 to %parallel_loop3A_30 step %parallel_loop3A_31  : i32 {
      %parallel_loop3A_63 = arith.constant 16 : i32
      %parallel_loop3A_64 = arith.muli %parallel_loop3A_62, %parallel_loop3A_63 : i32
      %parallel_loop3A_65 = arith.index_cast %parallel_loop3A_64 : i32 to index
      %parallel_loop3A_66 = tpu.vector_load %arg12[%parallel_loop3A_65] {strides = array<i32>} : memref<10000xf32, #tpu.memory_space<vmem>>, vector<16xf32>,
      tpu.vector_store %arg12[%parallel_loop3A_65], %broadcast_in_dim3A_28 {strides = array<i32>} : memref<10000xf32, #tpu.memory_space<vmem>>, vector<16xf32>,
    } {sc.loop_unroll_factor = 8 : i64, sc.parallel_access}
    %dma_start3A = arith.constant 0 : i32
    %dma_start3A_32 = tpu.memref_slice %arg3[%dma_start3A] : memref<320000xi32, #tpu.memory_space<hbm>> -> memref<4000xi32, #tpu.memory_space<hbm>>
    %dma_start3A_33 = arith.constant 0 : i32
    %dma_start3A_34 = tpu.memref_slice %arg3[%dma_start3A_33] : memref<320000xi32, #tpu.memory_space<hbm>> -> memref<4000xi32, #tpu.memory_space<hbm>>
    tpu.enqueue_dma source(%dma_start3A_34 : memref<4000xi32, #tpu.memory_space<hbm>>) target(%arg13 : memref<4000xi32, #tpu.memory_space<vmem>>) target_semaphore(%arg15 : memref<!tpu.dma_semaphore, #tpu.memory_space<semaphore_mem>>)
    %dma_start3A_35 = arith.constant 4000 : i32
    %dma_start3A_36 = tpu.memref_slice %arg3[%dma_start3A_35] : memref<320000xi32, #tpu.memory_space<hbm>> -> memref<4000xi32, #tpu.memory_space<hbm>>
    %dma_start3A_37 = arith.constant 4000 : i32
    %dma_start3A_38 = tpu.memref_slice %arg3[%dma_start3A_37] : memref<320000xi32, #tpu.memory_space<hbm>> -> memref<4000xi32, #tpu.memory_space<hbm>>
    tpu.enqueue_dma source(%dma_start3A_38 : memref<4000xi32, #tpu.memory_space<hbm>>) target(%arg14 : memref<4000xi32, #tpu.memory_space<vmem>>) target_semaphore(%arg16 : memref<!tpu.dma_semaphore, #tpu.memory_space<semaphore_mem>>)
    %scan3A = arith.constant -65536 : i32
    %scan3A_39 = arith.constant 0 : i32
    %scan3A_40 = arith.constant 0 : i32
    %scan3A_41 = arith.constant 40 : i32
    %scan3A_42 = arith.addi %scan3A_40, %scan3A_41 : i32
    %scan3A_43 = arith.constant 1 : i32
    %scan3A_44 = scf.for %scan3A_62 = %scan3A_40 to %scan3A_42 step %scan3A_43 iter_args(%scan3A_63 = %scan3A_39) -> (i32)  : i32 {
      %dma_wait3A = arith.constant 0 : i32
      %dma_wait3A_64 = tpu.memref_slice %arg3[%dma_wait3A] : memref<320000xi32, #tpu.memory_space<hbm>> -> memref<4000xi32, #tpu.memory_space<hbm>>
      %dma_wait3A_65 = arith.constant 0 : i32
      %dma_wait3A_66 = tpu.memref_slice %arg3[%dma_wait3A_65] : memref<320000xi32, #tpu.memory_space<hbm>> -> memref<4000xi32, #tpu.memory_space<hbm>>
      tpu.wait_dma2 semaphore(%arg15 : memref<!tpu.dma_semaphore, #tpu.memory_space<semaphore_mem>>) src(%dma_wait3A_66 : memref<4000xi32, #tpu.memory_space<hbm>>) dst(%arg13 : memref<4000xi32, #tpu.memory_space<vmem>>)
      %lt3A = arith.constant 39 : i32
      %lt3A_67 = arith.cmpi slt, %scan3A_62, %lt3A : i32
      %convert_element_type3A = arith.extui %lt3A_67 : i1 to i32
      %cond3A = arith.constant 0 : i32
      %cond3A_68 = arith.cmpi ne, %convert_element_type3A, %cond3A : i32
      scf.if %cond3A_68 {
        %mul3A_128 = arith.constant 2 : i32
        %mul3A_129 = arith.muli %mul3A_128, %scan3A_62 : i32
        %add3A_130 = arith.constant 2 : i32
        %add3A_131 = arith.addi %mul3A_129, %add3A_130 : i32
        %mul3A_132 = arith.constant 4000 : i32
        %mul3A_133 = arith.muli %add3A_131, %mul3A_132 : i32
        %dma_start3A_134 = tpu.memref_slice %arg3[%mul3A_133] : memref<320000xi32, #tpu.memory_space<hbm>> -> memref<4000xi32, #tpu.memory_space<hbm>>
        %dma_start3A_135 = tpu.memref_slice %arg3[%mul3A_133] : memref<320000xi32, #tpu.memory_space<hbm>> -> memref<4000xi32, #tpu.memory_space<hbm>>
        tpu.enqueue_dma source(%dma_start3A_135 : memref<4000xi32, #tpu.memory_space<hbm>>) target(%arg13 : memref<4000xi32, #tpu.memory_space<vmem>>) target_semaphore(%arg15 : memref<!tpu.dma_semaphore, #tpu.memory_space<semaphore_mem>>)
      } else {
      }
      %mul3A_69 = arith.constant 2 : i32
      %mul3A_70 = arith.muli %mul3A_69, %scan3A_62 : i32
      %jit3A = arith.constant 32 : i32
      %eq3A = arith.constant 0 : i32
      %eq3A_71 = arith.cmpi eq, %jit3A, %eq3A : i32
      %jit3A_72 = arith.constant 1 : i32
      %select_n3A = arith.select %eq3A_71, %jit3A_72, %jit3A : i32
      %rem3A = arith.remsi %mul3A_70, %select_n3A : i32
      %ne3A = arith.constant 0 : i32
      %ne3A_73 = arith.cmpi ne, %rem3A, %ne3A : i32
      %lt3A_74 = arith.constant 0 : i32
      %lt3A_75 = arith.cmpi slt, %rem3A, %lt3A_74 : i32
      %lt3A_76 = arith.constant 0 : i32
      %lt3A_77 = arith.cmpi slt, %select_n3A, %lt3A_76 : i32
      %ne3A_78 = arith.xori %lt3A_75, %lt3A_77 : i1
      %and3A = arith.andi %ne3A_78, %ne3A_73 : i1
      %add3A_79 = arith.addi %rem3A, %select_n3A : i32
      %select_n3A_80 = arith.select %and3A, %add3A_79, %rem3A : i32
      %eq3A_81 = arith.cmpi eq, %select_n3A_80, %add3A : i32
      %convert_element_type3A_82 = arith.extui %eq3A_81 : i1 to i32
      %cond3A_83 = arith.constant 0 : i32
      %cond3A_84 = arith.cmpi ne, %convert_element_type3A_82, %cond3A_83 : i32
      scf.if %cond3A_84 {
        %parallel_loop3A_128 = arith.constant 0 : i32
        %parallel_loop3A_129 = arith.constant 250 : i32
        %parallel_loop3A_130 = arith.constant 1 : i32
        scf.for %parallel_loop3A_131 = %parallel_loop3A_128 to %parallel_loop3A_129 step %parallel_loop3A_130  : i32 {
          %parallel_loop3A_132 = arith.constant 16 : i32
          %parallel_loop3A_133 = arith.muli %parallel_loop3A_131, %parallel_loop3A_132 : i32
          %parallel_loop3A_134 = arith.index_cast %parallel_loop3A_133 : i32 to index
          %parallel_loop3A_135 = tpu.vector_load %arg13[%parallel_loop3A_134] {strides = array<i32>} : memref<4000xi32, #tpu.memory_space<vmem>>, vector<16xi32>,
          %parallel_loop3A_136 = arith.constant 65535 : i32
          %parallel_loop3A_137 = vector.broadcast %parallel_loop3A_136 : i32 to vector<16xi32>
          %parallel_loop3A_138 = arith.andi %parallel_loop3A_135, %parallel_loop3A_137 : vector<16xi32>
          %parallel_loop3A_139 = arith.constant 16 : i32
          %parallel_loop3A_140 = vector.broadcast %parallel_loop3A_139 : i32 to vector<16xi32>
          %parallel_loop3A_141 = arith.shrsi %parallel_loop3A_135, %parallel_loop3A_140 : vector<16xi32>
          %parallel_loop3A_142 = tpu.vector_load_idx %arg7[%parallel_loop3A_138] : memref<10000xi32, #tpu.memory_space<vmem>>[vector<16xi32>], vector<16xi32>,
          %parallel_loop3A_143 = arith.constant 16 : i32
          %parallel_loop3A_144 = vector.broadcast %parallel_loop3A_143 : i32 to vector<16xi32>
          %parallel_loop3A_145 = arith.shli %parallel_loop3A_142, %parallel_loop3A_144 : vector<16xi32>
          %parallel_loop3A_146 = vector.bitcast %parallel_loop3A_145 : vector<16xi32> to vector<16xf32>
          %parallel_loop3A_147 = vector.broadcast %scan3A : i32 to vector<16xi32>
          %parallel_loop3A_148 = arith.andi %parallel_loop3A_142, %parallel_loop3A_147 : vector<16xi32>
          %parallel_loop3A_149 = vector.bitcast %parallel_loop3A_148 : vector<16xi32> to vector<16xf32>
          tpu.vector_store_idx %arg9[%parallel_loop3A_141], %parallel_loop3A_146 {add = true} : memref<10000xf32, #tpu.memory_space<vmem>>[vector<16xi32>], vector<16xf32>,
          tpu.vector_store_idx %arg10[%parallel_loop3A_141], %parallel_loop3A_149 {add = true} : memref<10000xf32, #tpu.memory_space<vmem>>[vector<16xi32>], vector<16xf32>,
          %parallel_loop3A_150 = tpu.vector_load_idx %arg8[%parallel_loop3A_138] : memref<10000xi32, #tpu.memory_space<vmem>>[vector<16xi32>], vector<16xi32>,
          %parallel_loop3A_151 = arith.constant 16 : i32
          %parallel_loop3A_152 = vector.broadcast %parallel_loop3A_151 : i32 to vector<16xi32>
          %parallel_loop3A_153 = arith.shli %parallel_loop3A_150, %parallel_loop3A_152 : vector<16xi32>
          %parallel_loop3A_154 = vector.bitcast %parallel_loop3A_153 : vector<16xi32> to vector<16xf32>
          %parallel_loop3A_155 = vector.broadcast %scan3A : i32 to vector<16xi32>
          %parallel_loop3A_156 = arith.andi %parallel_loop3A_150, %parallel_loop3A_155 : vector<16xi32>
          %parallel_loop3A_157 = vector.bitcast %parallel_loop3A_156 : vector<16xi32> to vector<16xf32>
          tpu.vector_store_idx %arg11[%parallel_loop3A_141], %parallel_loop3A_154 {add = true} : memref<10000xf32, #tpu.memory_space<vmem>>[vector<16xi32>], vector<16xf32>,
          tpu.vector_store_idx %arg12[%parallel_loop3A_141], %parallel_loop3A_157 {add = true} : memref<10000xf32, #tpu.memory_space<vmem>>[vector<16xi32>], vector<16xf32>,
          %parallel_loop3A_158 = tpu.vector_load_idx %arg17[%parallel_loop3A_141] : memref<10000xf32, #tpu.memory_space<vmem>>[vector<16xi32>], vector<16xf32>,
          tpu.vector_store_idx %arg18[%parallel_loop3A_138], %parallel_loop3A_158 {add = true} : memref<10000xf32, #tpu.memory_space<vmem>>[vector<16xi32>], vector<16xf32>,
        } {sc.loop_unroll_factor = 3 : i64, sc.parallel_access}
      } else {
      }
      %not3A = arith.constant true
      %not3A_85 = arith.xori %eq3A_81, %not3A : i1
      %convert_element_type3A_86 = arith.extui %not3A_85 : i1 to i32
      %cond3A_87 = arith.constant 0 : i32
      %cond3A_88 = arith.cmpi ne, %convert_element_type3A_86, %cond3A_87 : i32
      scf.if %cond3A_88 {
        %parallel_loop3A_128 = arith.constant 0 : i32
        %parallel_loop3A_129 = arith.constant 250 : i32
        %parallel_loop3A_130 = arith.constant 1 : i32
        scf.for %parallel_loop3A_131 = %parallel_loop3A_128 to %parallel_loop3A_129 step %parallel_loop3A_130  : i32 {
          %parallel_loop3A_132 = arith.constant 16 : i32
          %parallel_loop3A_133 = arith.muli %parallel_loop3A_131, %parallel_loop3A_132 : i32
          %parallel_loop3A_134 = arith.index_cast %parallel_loop3A_133 : i32 to index
          %parallel_loop3A_135 = tpu.vector_load %arg13[%parallel_loop3A_134] {strides = array<i32>} : memref<4000xi32, #tpu.memory_space<vmem>>, vector<16xi32>,
          %parallel_loop3A_136 = arith.constant 65535 : i32
          %parallel_loop3A_137 = vector.broadcast %parallel_loop3A_136 : i32 to vector<16xi32>
          %parallel_loop3A_138 = arith.andi %parallel_loop3A_135, %parallel_loop3A_137 : vector<16xi32>
          %parallel_loop3A_139 = arith.constant 16 : i32
          %parallel_loop3A_140 = vector.broadcast %parallel_loop3A_139 : i32 to vector<16xi32>
          %parallel_loop3A_141 = arith.shrsi %parallel_loop3A_135, %parallel_loop3A_140 : vector<16xi32>
          %parallel_loop3A_142 = tpu.vector_load_idx %arg7[%parallel_loop3A_138] : memref<10000xi32, #tpu.memory_space<vmem>>[vector<16xi32>], vector<16xi32>,
          %parallel_loop3A_143 = arith.constant 16 : i32
          %parallel_loop3A_144 = vector.broadcast %parallel_loop3A_143 : i32 to vector<16xi32>
          %parallel_loop3A_145 = arith.shli %parallel_loop3A_142, %parallel_loop3A_144 : vector<16xi32>
          %parallel_loop3A_146 = vector.bitcast %parallel_loop3A_145 : vector<16xi32> to vector<16xf32>
          %parallel_loop3A_147 = vector.broadcast %scan3A : i32 to vector<16xi32>
          %parallel_loop3A_148 = arith.andi %parallel_loop3A_142, %parallel_loop3A_147 : vector<16xi32>
          %parallel_loop3A_149 = vector.bitcast %parallel_loop3A_148 : vector<16xi32> to vector<16xf32>
          tpu.vector_store_idx %arg9[%parallel_loop3A_141], %parallel_loop3A_146 {add = true} : memref<10000xf32, #tpu.memory_space<vmem>>[vector<16xi32>], vector<16xf32>,
          tpu.vector_store_idx %arg10[%parallel_loop3A_141], %parallel_loop3A_149 {add = true} : memref<10000xf32, #tpu.memory_space<vmem>>[vector<16xi32>], vector<16xf32>,
          %parallel_loop3A_150 = tpu.vector_load_idx %arg8[%parallel_loop3A_138] : memref<10000xi32, #tpu.memory_space<vmem>>[vector<16xi32>], vector<16xi32>,
          %parallel_loop3A_151 = arith.constant 16 : i32
          %parallel_loop3A_152 = vector.broadcast %parallel_loop3A_151 : i32 to vector<16xi32>
          %parallel_loop3A_153 = arith.shli %parallel_loop3A_150, %parallel_loop3A_152 : vector<16xi32>
          %parallel_loop3A_154 = vector.bitcast %parallel_loop3A_153 : vector<16xi32> to vector<16xf32>
          %parallel_loop3A_155 = vector.broadcast %scan3A : i32 to vector<16xi32>
          %parallel_loop3A_156 = arith.andi %parallel_loop3A_150, %parallel_loop3A_155 : vector<16xi32>
          %parallel_loop3A_157 = vector.bitcast %parallel_loop3A_156 : vector<16xi32> to vector<16xf32>
          tpu.vector_store_idx %arg11[%parallel_loop3A_141], %parallel_loop3A_154 {add = true} : memref<10000xf32, #tpu.memory_space<vmem>>[vector<16xi32>], vector<16xf32>,
          tpu.vector_store_idx %arg12[%parallel_loop3A_141], %parallel_loop3A_157 {add = true} : memref<10000xf32, #tpu.memory_space<vmem>>[vector<16xi32>], vector<16xf32>,
        } {sc.loop_unroll_factor = 3 : i64, sc.parallel_access}
      } else {
      }
      %dma_wait3A_89 = arith.constant 0 : i32
      %dma_wait3A_90 = tpu.memref_slice %arg3[%dma_wait3A_89] : memref<320000xi32, #tpu.memory_space<hbm>> -> memref<4000xi32, #tpu.memory_space<hbm>>
      %dma_wait3A_91 = arith.constant 0 : i32
      %dma_wait3A_92 = tpu.memref_slice %arg3[%dma_wait3A_91] : memref<320000xi32, #tpu.memory_space<hbm>> -> memref<4000xi32, #tpu.memory_space<hbm>>
      tpu.wait_dma2 semaphore(%arg16 : memref<!tpu.dma_semaphore, #tpu.memory_space<semaphore_mem>>) src(%dma_wait3A_92 : memref<4000xi32, #tpu.memory_space<hbm>>) dst(%arg14 : memref<4000xi32, #tpu.memory_space<vmem>>)
      %lt3A_93 = arith.constant 39 : i32
      %lt3A_94 = arith.cmpi slt, %scan3A_62, %lt3A_93 : i32
      %convert_element_type3A_95 = arith.extui %lt3A_94 : i1 to i32
      %cond3A_96 = arith.constant 0 : i32
      %cond3A_97 = arith.cmpi ne, %convert_element_type3A_95, %cond3A_96 : i32
      scf.if %cond3A_97 {
        %mul3A_128 = arith.constant 2 : i32
        %mul3A_129 = arith.muli %mul3A_128, %scan3A_62 : i32
        %add3A_130 = arith.constant 3 : i32
        %add3A_131 = arith.addi %mul3A_129, %add3A_130 : i32
        %mul3A_132 = arith.constant 4000 : i32
        %mul3A_133 = arith.muli %add3A_131, %mul3A_132 : i32
        %dma_start3A_134 = tpu.memref_slice %arg3[%mul3A_133] : memref<320000xi32, #tpu.memory_space<hbm>> -> memref<4000xi32, #tpu.memory_space<hbm>>
        %dma_start3A_135 = tpu.memref_slice %arg3[%mul3A_133] : memref<320000xi32, #tpu.memory_space<hbm>> -> memref<4000xi32, #tpu.memory_space<hbm>>
        tpu.enqueue_dma source(%dma_start3A_135 : memref<4000xi32, #tpu.memory_space<hbm>>) target(%arg14 : memref<4000xi32, #tpu.memory_space<vmem>>) target_semaphore(%arg16 : memref<!tpu.dma_semaphore, #tpu.memory_space<semaphore_mem>>)
      } else {
      }
      %mul3A_98 = arith.constant 2 : i32
      %mul3A_99 = arith.muli %mul3A_98, %scan3A_62 : i32
      %add3A_100 = arith.constant 1 : i32
      %add3A_101 = arith.addi %mul3A_99, %add3A_100 : i32
      %jit3A_102 = arith.constant 32 : i32
      %eq3A_103 = arith.constant 0 : i32
      %eq3A_104 = arith.cmpi eq, %jit3A_102, %eq3A_103 : i32
      %jit3A_105 = arith.constant 1 : i32
      %select_n3A_106 = arith.select %eq3A_104, %jit3A_105, %jit3A_102 : i32
      %rem3A_107 = arith.remsi %add3A_101, %select_n3A_106 : i32
      %ne3A_108 = arith.constant 0 : i32
      %ne3A_109 = arith.cmpi ne, %rem3A_107, %ne3A_108 : i32
      %lt3A_110 = arith.constant 0 : i32
      %lt3A_111 = arith.cmpi slt, %rem3A_107, %lt3A_110 : i32
      %lt3A_112 = arith.constant 0 : i32
      %lt3A_113 = arith.cmpi slt, %select_n3A_106, %lt3A_112 : i32
      %ne3A_114 = arith.xori %lt3A_111, %lt3A_113 : i1
      %and3A_115 = arith.andi %ne3A_114, %ne3A_109 : i1
      %add3A_116 = arith.addi %rem3A_107, %select_n3A_106 : i32
      %select_n3A_117 = arith.select %and3A_115, %add3A_116, %rem3A_107 : i32
      %eq3A_118 = arith.cmpi eq, %select_n3A_117, %add3A : i32
      %convert_element_type3A_119 = arith.extui %eq3A_118 : i1 to i32
      %cond3A_120 = arith.constant 0 : i32
      %cond3A_121 = arith.cmpi ne, %convert_element_type3A_119, %cond3A_120 : i32
      scf.if %cond3A_121 {
        %parallel_loop3A_128 = arith.constant 0 : i32
        %parallel_loop3A_129 = arith.constant 250 : i32
        %parallel_loop3A_130 = arith.constant 1 : i32
        scf.for %parallel_loop3A_131 = %parallel_loop3A_128 to %parallel_loop3A_129 step %parallel_loop3A_130  : i32 {
          %parallel_loop3A_132 = arith.constant 16 : i32
          %parallel_loop3A_133 = arith.muli %parallel_loop3A_131, %parallel_loop3A_132 : i32
          %parallel_loop3A_134 = arith.index_cast %parallel_loop3A_133 : i32 to index
          %parallel_loop3A_135 = tpu.vector_load %arg14[%parallel_loop3A_134] {strides = array<i32>} : memref<4000xi32, #tpu.memory_space<vmem>>, vector<16xi32>,
          %parallel_loop3A_136 = arith.constant 65535 : i32
          %parallel_loop3A_137 = vector.broadcast %parallel_loop3A_136 : i32 to vector<16xi32>
          %parallel_loop3A_138 = arith.andi %parallel_loop3A_135, %parallel_loop3A_137 : vector<16xi32>
          %parallel_loop3A_139 = arith.constant 16 : i32
          %parallel_loop3A_140 = vector.broadcast %parallel_loop3A_139 : i32 to vector<16xi32>
          %parallel_loop3A_141 = arith.shrsi %parallel_loop3A_135, %parallel_loop3A_140 : vector<16xi32>
          %parallel_loop3A_142 = tpu.vector_load_idx %arg7[%parallel_loop3A_138] : memref<10000xi32, #tpu.memory_space<vmem>>[vector<16xi32>], vector<16xi32>,
          %parallel_loop3A_143 = arith.constant 16 : i32
          %parallel_loop3A_144 = vector.broadcast %parallel_loop3A_143 : i32 to vector<16xi32>
          %parallel_loop3A_145 = arith.shli %parallel_loop3A_142, %parallel_loop3A_144 : vector<16xi32>
          %parallel_loop3A_146 = vector.bitcast %parallel_loop3A_145 : vector<16xi32> to vector<16xf32>
          %parallel_loop3A_147 = vector.broadcast %scan3A : i32 to vector<16xi32>
          %parallel_loop3A_148 = arith.andi %parallel_loop3A_142, %parallel_loop3A_147 : vector<16xi32>
          %parallel_loop3A_149 = vector.bitcast %parallel_loop3A_148 : vector<16xi32> to vector<16xf32>
          tpu.vector_store_idx %arg9[%parallel_loop3A_141], %parallel_loop3A_146 {add = true} : memref<10000xf32, #tpu.memory_space<vmem>>[vector<16xi32>], vector<16xf32>,
          tpu.vector_store_idx %arg10[%parallel_loop3A_141], %parallel_loop3A_149 {add = true} : memref<10000xf32, #tpu.memory_space<vmem>>[vector<16xi32>], vector<16xf32>,
          %parallel_loop3A_150 = tpu.vector_load_idx %arg8[%parallel_loop3A_138] : memref<10000xi32, #tpu.memory_space<vmem>>[vector<16xi32>], vector<16xi32>,
          %parallel_loop3A_151 = arith.constant 16 : i32
          %parallel_loop3A_152 = vector.broadcast %parallel_loop3A_151 : i32 to vector<16xi32>
          %parallel_loop3A_153 = arith.shli %parallel_loop3A_150, %parallel_loop3A_152 : vector<16xi32>
          %parallel_loop3A_154 = vector.bitcast %parallel_loop3A_153 : vector<16xi32> to vector<16xf32>
          %parallel_loop3A_155 = vector.broadcast %scan3A : i32 to vector<16xi32>
          %parallel_loop3A_156 = arith.andi %parallel_loop3A_150, %parallel_loop3A_155 : vector<16xi32>
          %parallel_loop3A_157 = vector.bitcast %parallel_loop3A_156 : vector<16xi32> to vector<16xf32>
          tpu.vector_store_idx %arg11[%parallel_loop3A_141], %parallel_loop3A_154 {add = true} : memref<10000xf32, #tpu.memory_space<vmem>>[vector<16xi32>], vector<16xf32>,
          tpu.vector_store_idx %arg12[%parallel_loop3A_141], %parallel_loop3A_157 {add = true} : memref<10000xf32, #tpu.memory_space<vmem>>[vector<16xi32>], vector<16xf32>,
          %parallel_loop3A_158 = tpu.vector_load_idx %arg17[%parallel_loop3A_141] : memref<10000xf32, #tpu.memory_space<vmem>>[vector<16xi32>], vector<16xf32>,
          tpu.vector_store_idx %arg18[%parallel_loop3A_138], %parallel_loop3A_158 {add = true} : memref<10000xf32, #tpu.memory_space<vmem>>[vector<16xi32>], vector<16xf32>,
        } {sc.loop_unroll_factor = 3 : i64, sc.parallel_access}
      } else {
      }
      %not3A_122 = arith.constant true
      %not3A_123 = arith.xori %eq3A_118, %not3A_122 : i1
      %convert_element_type3A_124 = arith.extui %not3A_123 : i1 to i32
      %cond3A_125 = arith.constant 0 : i32
      %cond3A_126 = arith.cmpi ne, %convert_element_type3A_124, %cond3A_125 : i32
      scf.if %cond3A_126 {
        %parallel_loop3A_128 = arith.constant 0 : i32
        %parallel_loop3A_129 = arith.constant 250 : i32
        %parallel_loop3A_130 = arith.constant 1 : i32
        scf.for %parallel_loop3A_131 = %parallel_loop3A_128 to %parallel_loop3A_129 step %parallel_loop3A_130  : i32 {
          %parallel_loop3A_132 = arith.constant 16 : i32
          %parallel_loop3A_133 = arith.muli %parallel_loop3A_131, %parallel_loop3A_132 : i32
          %parallel_loop3A_134 = arith.index_cast %parallel_loop3A_133 : i32 to index
          %parallel_loop3A_135 = tpu.vector_load %arg14[%parallel_loop3A_134] {strides = array<i32>} : memref<4000xi32, #tpu.memory_space<vmem>>, vector<16xi32>,
          %parallel_loop3A_136 = arith.constant 65535 : i32
          %parallel_loop3A_137 = vector.broadcast %parallel_loop3A_136 : i32 to vector<16xi32>
          %parallel_loop3A_138 = arith.andi %parallel_loop3A_135, %parallel_loop3A_137 : vector<16xi32>
          %parallel_loop3A_139 = arith.constant 16 : i32
          %parallel_loop3A_140 = vector.broadcast %parallel_loop3A_139 : i32 to vector<16xi32>
          %parallel_loop3A_141 = arith.shrsi %parallel_loop3A_135, %parallel_loop3A_140 : vector<16xi32>
          %parallel_loop3A_142 = tpu.vector_load_idx %arg7[%parallel_loop3A_138] : memref<10000xi32, #tpu.memory_space<vmem>>[vector<16xi32>], vector<16xi32>,
          %parallel_loop3A_143 = arith.constant 16 : i32
          %parallel_loop3A_144 = vector.broadcast %parallel_loop3A_143 : i32 to vector<16xi32>
          %parallel_loop3A_145 = arith.shli %parallel_loop3A_142, %parallel_loop3A_144 : vector<16xi32>
          %parallel_loop3A_146 = vector.bitcast %parallel_loop3A_145 : vector<16xi32> to vector<16xf32>
          %parallel_loop3A_147 = vector.broadcast %scan3A : i32 to vector<16xi32>
          %parallel_loop3A_148 = arith.andi %parallel_loop3A_142, %parallel_loop3A_147 : vector<16xi32>
          %parallel_loop3A_149 = vector.bitcast %parallel_loop3A_148 : vector<16xi32> to vector<16xf32>
          tpu.vector_store_idx %arg9[%parallel_loop3A_141], %parallel_loop3A_146 {add = true} : memref<10000xf32, #tpu.memory_space<vmem>>[vector<16xi32>], vector<16xf32>,
          tpu.vector_store_idx %arg10[%parallel_loop3A_141], %parallel_loop3A_149 {add = true} : memref<10000xf32, #tpu.memory_space<vmem>>[vector<16xi32>], vector<16xf32>,
          %parallel_loop3A_150 = tpu.vector_load_idx %arg8[%parallel_loop3A_138] : memref<10000xi32, #tpu.memory_space<vmem>>[vector<16xi32>], vector<16xi32>,
          %parallel_loop3A_151 = arith.constant 16 : i32
          %parallel_loop3A_152 = vector.broadcast %parallel_loop3A_151 : i32 to vector<16xi32>
          %parallel_loop3A_153 = arith.shli %parallel_loop3A_150, %parallel_loop3A_152 : vector<16xi32>
          %parallel_loop3A_154 = vector.bitcast %parallel_loop3A_153 : vector<16xi32> to vector<16xf32>
          %parallel_loop3A_155 = vector.broadcast %scan3A : i32 to vector<16xi32>
          %parallel_loop3A_156 = arith.andi %parallel_loop3A_150, %parallel_loop3A_155 : vector<16xi32>
          %parallel_loop3A_157 = vector.bitcast %parallel_loop3A_156 : vector<16xi32> to vector<16xf32>
          tpu.vector_store_idx %arg11[%parallel_loop3A_141], %parallel_loop3A_154 {add = true} : memref<10000xf32, #tpu.memory_space<vmem>>[vector<16xi32>], vector<16xf32>,
          tpu.vector_store_idx %arg12[%parallel_loop3A_141], %parallel_loop3A_157 {add = true} : memref<10000xf32, #tpu.memory_space<vmem>>[vector<16xi32>], vector<16xf32>,
        } {sc.loop_unroll_factor = 3 : i64, sc.parallel_access}
      } else {
      }
      %scan3A_127 = arith.constant 0 : i32
      scf.yield %scan3A_127 : i32
    }
    %scan3A_45 = arith.constant 40 : i32
    %mul3A_46 = arith.constant 2 : i32
    %mul3A_47 = arith.muli %mul3A_46, %add3A : i32
    "tpu.region"() ({
      %run_scoped3A = tpu.sem_alloc : memref<!tpu.dma_semaphore, #tpu.memory_space<semaphore_mem>>
      %dma_start3A_62 = arith.constant 0 : i32
      %dma_start3A_63 = tpu.memref_slice %arg5[%mul3A_47, %dma_start3A_62] : memref<128x10000xf32, #tpu.memory_space<hbm>> -> memref<1x10000xf32, #tpu.memory_space<hbm>>
      %dma_start3A_64 = tpu.memref_squeeze %dma_start3A_63 : memref<1x10000xf32, #tpu.memory_space<hbm>> -> memref<10000xf32, #tpu.memory_space<hbm>>
      %dma_start3A_65 = arith.constant 0 : i32
      %dma_start3A_66 = tpu.memref_slice %arg5[%mul3A_47, %dma_start3A_65] : memref<128x10000xf32, #tpu.memory_space<hbm>> -> memref<1x10000xf32, #tpu.memory_space<hbm>>
      %dma_start3A_67 = tpu.memref_squeeze %dma_start3A_66 : memref<1x10000xf32, #tpu.memory_space<hbm>> -> memref<10000xf32, #tpu.memory_space<hbm>>
      tpu.enqueue_dma source(%arg9 : memref<10000xf32, #tpu.memory_space<vmem>>) target(%dma_start3A_67 : memref<10000xf32, #tpu.memory_space<hbm>>) target_semaphore(%run_scoped3A : memref<!tpu.dma_semaphore, #tpu.memory_space<semaphore_mem>>)
      %dma_wait3A = arith.constant 0 : i32
      %dma_wait3A_68 = tpu.memref_slice %arg5[%mul3A_47, %dma_wait3A] : memref<128x10000xf32, #tpu.memory_space<hbm>> -> memref<1x10000xf32, #tpu.memory_space<hbm>>
      %dma_wait3A_69 = tpu.memref_squeeze %dma_wait3A_68 : memref<1x10000xf32, #tpu.memory_space<hbm>> -> memref<10000xf32, #tpu.memory_space<hbm>>
      %dma_wait3A_70 = arith.constant 0 : i32
      %dma_wait3A_71 = tpu.memref_slice %arg5[%mul3A_47, %dma_wait3A_70] : memref<128x10000xf32, #tpu.memory_space<hbm>> -> memref<1x10000xf32, #tpu.memory_space<hbm>>
      %dma_wait3A_72 = tpu.memref_squeeze %dma_wait3A_71 : memref<1x10000xf32, #tpu.memory_space<hbm>> -> memref<10000xf32, #tpu.memory_space<hbm>>
      tpu.wait_dma2 semaphore(%run_scoped3A : memref<!tpu.dma_semaphore, #tpu.memory_space<semaphore_mem>>) src(%arg9 : memref<10000xf32, #tpu.memory_space<vmem>>) dst(%dma_wait3A_72 : memref<10000xf32, #tpu.memory_space<hbm>>)
      tpu.yield
    }) : () -> ()
    %mul3A_48 = arith.constant 2 : i32
    %mul3A_49 = arith.muli %mul3A_48, %add3A : i32
    %add3A_50 = arith.constant 64 : i32
    %add3A_51 = arith.addi %add3A_50, %mul3A_49 : i32
    "tpu.region"() ({
      %run_scoped3A = tpu.sem_alloc : memref<!tpu.dma_semaphore, #tpu.memory_space<semaphore_mem>>
      %dma_start3A_62 = arith.constant 0 : i32
      %dma_start3A_63 = tpu.memref_slice %arg5[%add3A_51, %dma_start3A_62] : memref<128x10000xf32, #tpu.memory_space<hbm>> -> memref<1x10000xf32, #tpu.memory_space<hbm>>
      %dma_start3A_64 = tpu.memref_squeeze %dma_start3A_63 : memref<1x10000xf32, #tpu.memory_space<hbm>> -> memref<10000xf32, #tpu.memory_space<hbm>>
      %dma_start3A_65 = arith.constant 0 : i32
      %dma_start3A_66 = tpu.memref_slice %arg5[%add3A_51, %dma_start3A_65] : memref<128x10000xf32, #tpu.memory_space<hbm>> -> memref<1x10000xf32, #tpu.memory_space<hbm>>
      %dma_start3A_67 = tpu.memref_squeeze %dma_start3A_66 : memref<1x10000xf32, #tpu.memory_space<hbm>> -> memref<10000xf32, #tpu.memory_space<hbm>>
      tpu.enqueue_dma source(%arg10 : memref<10000xf32, #tpu.memory_space<vmem>>) target(%dma_start3A_67 : memref<10000xf32, #tpu.memory_space<hbm>>) target_semaphore(%run_scoped3A : memref<!tpu.dma_semaphore, #tpu.memory_space<semaphore_mem>>)
      %dma_wait3A = arith.constant 0 : i32
      %dma_wait3A_68 = tpu.memref_slice %arg5[%add3A_51, %dma_wait3A] : memref<128x10000xf32, #tpu.memory_space<hbm>> -> memref<1x10000xf32, #tpu.memory_space<hbm>>
      %dma_wait3A_69 = tpu.memref_squeeze %dma_wait3A_68 : memref<1x10000xf32, #tpu.memory_space<hbm>> -> memref<10000xf32, #tpu.memory_space<hbm>>
      %dma_wait3A_70 = arith.constant 0 : i32
      %dma_wait3A_71 = tpu.memref_slice %arg5[%add3A_51, %dma_wait3A_70] : memref<128x10000xf32, #tpu.memory_space<hbm>> -> memref<1x10000xf32, #tpu.memory_space<hbm>>
      %dma_wait3A_72 = tpu.memref_squeeze %dma_wait3A_71 : memref<1x10000xf32, #tpu.memory_space<hbm>> -> memref<10000xf32, #tpu.memory_space<hbm>>
      tpu.wait_dma2 semaphore(%run_scoped3A : memref<!tpu.dma_semaphore, #tpu.memory_space<semaphore_mem>>) src(%arg10 : memref<10000xf32, #tpu.memory_space<vmem>>) dst(%dma_wait3A_72 : memref<10000xf32, #tpu.memory_space<hbm>>)
      tpu.yield
    }) : () -> ()
    %mul3A_52 = arith.constant 2 : i32
    %mul3A_53 = arith.muli %mul3A_52, %add3A : i32
    %add3A_54 = arith.constant 1 : i32
    %add3A_55 = arith.addi %mul3A_53, %add3A_54 : i32
    "tpu.region"() ({
      %run_scoped3A = tpu.sem_alloc : memref<!tpu.dma_semaphore, #tpu.memory_space<semaphore_mem>>
      %dma_start3A_62 = arith.constant 0 : i32
      %dma_start3A_63 = tpu.memref_slice %arg5[%add3A_55, %dma_start3A_62] : memref<128x10000xf32, #tpu.memory_space<hbm>> -> memref<1x10000xf32, #tpu.memory_space<hbm>>
      %dma_start3A_64 = tpu.memref_squeeze %dma_start3A_63 : memref<1x10000xf32, #tpu.memory_space<hbm>> -> memref<10000xf32, #tpu.memory_space<hbm>>
      %dma_start3A_65 = arith.constant 0 : i32
      %dma_start3A_66 = tpu.memref_slice %arg5[%add3A_55, %dma_start3A_65] : memref<128x10000xf32, #tpu.memory_space<hbm>> -> memref<1x10000xf32, #tpu.memory_space<hbm>>
      %dma_start3A_67 = tpu.memref_squeeze %dma_start3A_66 : memref<1x10000xf32, #tpu.memory_space<hbm>> -> memref<10000xf32, #tpu.memory_space<hbm>>
      tpu.enqueue_dma source(%arg11 : memref<10000xf32, #tpu.memory_space<vmem>>) target(%dma_start3A_67 : memref<10000xf32, #tpu.memory_space<hbm>>) target_semaphore(%run_scoped3A : memref<!tpu.dma_semaphore, #tpu.memory_space<semaphore_mem>>)
      %dma_wait3A = arith.constant 0 : i32
      %dma_wait3A_68 = tpu.memref_slice %arg5[%add3A_55, %dma_wait3A] : memref<128x10000xf32, #tpu.memory_space<hbm>> -> memref<1x10000xf32, #tpu.memory_space<hbm>>
      %dma_wait3A_69 = tpu.memref_squeeze %dma_wait3A_68 : memref<1x10000xf32, #tpu.memory_space<hbm>> -> memref<10000xf32, #tpu.memory_space<hbm>>
      %dma_wait3A_70 = arith.constant 0 : i32
      %dma_wait3A_71 = tpu.memref_slice %arg5[%add3A_55, %dma_wait3A_70] : memref<128x10000xf32, #tpu.memory_space<hbm>> -> memref<1x10000xf32, #tpu.memory_space<hbm>>
      %dma_wait3A_72 = tpu.memref_squeeze %dma_wait3A_71 : memref<1x10000xf32, #tpu.memory_space<hbm>> -> memref<10000xf32, #tpu.memory_space<hbm>>
      tpu.wait_dma2 semaphore(%run_scoped3A : memref<!tpu.dma_semaphore, #tpu.memory_space<semaphore_mem>>) src(%arg11 : memref<10000xf32, #tpu.memory_space<vmem>>) dst(%dma_wait3A_72 : memref<10000xf32, #tpu.memory_space<hbm>>)
      tpu.yield
    }) : () -> ()
    %mul3A_56 = arith.constant 2 : i32
    %mul3A_57 = arith.muli %mul3A_56, %add3A : i32
    %add3A_58 = arith.constant 64 : i32
    %add3A_59 = arith.addi %add3A_58, %mul3A_57 : i32
    %add3A_60 = arith.constant 1 : i32
    %add3A_61 = arith.addi %add3A_59, %add3A_60 : i32
    "tpu.region"() ({
      %run_scoped3A = tpu.sem_alloc : memref<!tpu.dma_semaphore, #tpu.memory_space<semaphore_mem>>
      %dma_start3A_62 = arith.constant 0 : i32
      %dma_start3A_63 = tpu.memref_slice %arg5[%add3A_61, %dma_start3A_62] : memref<128x10000xf32, #tpu.memory_space<hbm>> -> memref<1x10000xf32, #tpu.memory_space<hbm>>
      %dma_start3A_64 = tpu.memref_squeeze %dma_start3A_63 : memref<1x10000xf32, #tpu.memory_space<hbm>> -> memref<10000xf32, #tpu.memory_space<hbm>>
      %dma_start3A_65 = arith.constant 0 : i32
      %dma_start3A_66 = tpu.memref_slice %arg5[%add3A_61, %dma_start3A_65] : memref<128x10000xf32, #tpu.memory_space<hbm>> -> memref<1x10000xf32, #tpu.memory_space<hbm>>
      %dma_start3A_67 = tpu.memref_squeeze %dma_start3A_66 : memref<1x10000xf32, #tpu.memory_space<hbm>> -> memref<10000xf32, #tpu.memory_space<hbm>>
      tpu.enqueue_dma source(%arg12 : memref<10000xf32, #tpu.memory_space<vmem>>) target(%dma_start3A_67 : memref<10000xf32, #tpu.memory_space<hbm>>) target_semaphore(%run_scoped3A : memref<!tpu.dma_semaphore, #tpu.memory_space<semaphore_mem>>)
      %dma_wait3A = arith.constant 0 : i32
      %dma_wait3A_68 = tpu.memref_slice %arg5[%add3A_61, %dma_wait3A] : memref<128x10000xf32, #tpu.memory_space<hbm>> -> memref<1x10000xf32, #tpu.memory_space<hbm>>
      %dma_wait3A_69 = tpu.memref_squeeze %dma_wait3A_68 : memref<1x10000xf32, #tpu.memory_space<hbm>> -> memref<10000xf32, #tpu.memory_space<hbm>>
      %dma_wait3A_70 = arith.constant 0 : i32
      %dma_wait3A_71 = tpu.memref_slice %arg5[%add3A_61, %dma_wait3A_70] : memref<128x10000xf32, #tpu.memory_space<hbm>> -> memref<1x10000xf32, #tpu.memory_space<hbm>>
      %dma_wait3A_72 = tpu.memref_squeeze %dma_wait3A_71 : memref<1x10000xf32, #tpu.memory_space<hbm>> -> memref<10000xf32, #tpu.memory_space<hbm>>
      tpu.wait_dma2 semaphore(%run_scoped3A : memref<!tpu.dma_semaphore, #tpu.memory_space<semaphore_mem>>) src(%arg12 : memref<10000xf32, #tpu.memory_space<vmem>>) dst(%dma_wait3A_72 : memref<10000xf32, #tpu.memory_space<hbm>>)
      tpu.yield
    }) : () -> ()
    "tpu.region"() ({
      %run_scoped3A = tpu.sem_alloc : memref<!tpu.dma_semaphore, #tpu.memory_space<semaphore_mem>>
      %dma_start3A_62 = arith.constant 0 : i32
      %dma_start3A_63 = tpu.memref_slice %arg6[%add3A, %dma_start3A_62] : memref<32x10000xf32, #tpu.memory_space<hbm>> -> memref<1x10000xf32, #tpu.memory_space<hbm>>
      %dma_start3A_64 = tpu.memref_squeeze %dma_start3A_63 : memref<1x10000xf32, #tpu.memory_space<hbm>> -> memref<10000xf32, #tpu.memory_space<hbm>>
      %dma_start3A_65 = arith.constant 0 : i32
      %dma_start3A_66 = tpu.memref_slice %arg6[%add3A, %dma_start3A_65] : memref<32x10000xf32, #tpu.memory_space<hbm>> -> memref<1x10000xf32, #tpu.memory_space<hbm>>
      %dma_start3A_67 = tpu.memref_squeeze %dma_start3A_66 : memref<1x10000xf32, #tpu.memory_space<hbm>> -> memref<10000xf32, #tpu.memory_space<hbm>>
      tpu.enqueue_dma source(%arg18 : memref<10000xf32, #tpu.memory_space<vmem>>) target(%dma_start3A_67 : memref<10000xf32, #tpu.memory_space<hbm>>) target_semaphore(%run_scoped3A : memref<!tpu.dma_semaphore, #tpu.memory_space<semaphore_mem>>)
      %dma_wait3A = arith.constant 0 : i32
      %dma_wait3A_68 = tpu.memref_slice %arg6[%add3A, %dma_wait3A] : memref<32x10000xf32, #tpu.memory_space<hbm>> -> memref<1x10000xf32, #tpu.memory_space<hbm>>
      %dma_wait3A_69 = tpu.memref_squeeze %dma_wait3A_68 : memref<1x10000xf32, #tpu.memory_space<hbm>> -> memref<10000xf32, #tpu.memory_space<hbm>>
      %dma_wait3A_70 = arith.constant 0 : i32
      %dma_wait3A_71 = tpu.memref_slice %arg6[%add3A, %dma_wait3A_70] : memref<32x10000xf32, #tpu.memory_space<hbm>> -> memref<1x10000xf32, #tpu.memory_space<hbm>>
      %dma_wait3A_72 = tpu.memref_squeeze %dma_wait3A_71 : memref<1x10000xf32, #tpu.memory_space<hbm>> -> memref<10000xf32, #tpu.memory_space<hbm>>
      tpu.wait_dma2 semaphore(%run_scoped3A : memref<!tpu.dma_semaphore, #tpu.memory_space<semaphore_mem>>) src(%arg18 : memref<10000xf32, #tpu.memory_space<vmem>>) dst(%dma_wait3A_72 : memref<10000xf32, #tpu.memory_space<hbm>>)
      tpu.yield
    }) : () -> ()
    return
  }
}

#map = affine_map<(d0, d1) -> (0, 0)>
#map1 = affine_map<(d0, d1) -> (0)>
module attributes {stable_mosaic.version = 14 : i64} {
  func.func @body(%arg0: i32, %arg1: i32, %arg2: memref<64x10000xi32, #tpu.memory_space<hbm>>, %arg3: memref<320000xi32, #tpu.memory_space<hbm>>, %arg4: memref<128x10000xf32, #tpu.memory_space<hbm>>, %arg5: memref<10000xi32, #tpu.memory_space<vmem>>, %arg6: memref<10000xi32, #tpu.memory_space<vmem>>, %arg7: memref<10000xf32, #tpu.memory_space<vmem>>, %arg8: memref<10000xf32, #tpu.memory_space<vmem>>, %arg9: memref<10000xf32, #tpu.memory_space<vmem>>, %arg10: memref<10000xf32, #tpu.memory_space<vmem>>, %arg11: memref<4000xi32, #tpu.memory_space<vmem>>, %arg12: memref<4000xi32, #tpu.memory_space<vmem>>, %arg13: memref<!tpu.dma_semaphore, #tpu.memory_space<semaphore_mem>>, %arg14: memref<!tpu.dma_semaphore, #tpu.memory_space<semaphore_mem>>) attributes {dimension_semantics = [#tpu.dimension_semantics<core_parallel>, #tpu.dimension_semantics<subcore_parallel>], iteration_bounds = array<i64: 2, 16>, scalar_prefetch = 0 : i64, scratch_operands = 10 : i64, tpu.core_type = #tpu.core_type<sc_vector_subcore>, window_params = [{transform_indices = #map}, {transform_indices = #map1}, {transform_indices = #map}]} {
    %mul3A = arith.constant 2 : i32
    %mul3A_0 = arith.muli %arg1, %mul3A : i32
    %add3A = arith.addi %mul3A_0, %arg0 : i32
    %mul3A_1 = arith.constant 2 : i32
    %mul3A_2 = arith.muli %mul3A_1, %add3A : i32
    %add3A_3 = arith.constant 0 : i32
    %add3A_4 = arith.addi %mul3A_2, %add3A_3 : i32
    "tpu.region"() ({
      %run_scoped3A = tpu.sem_alloc : memref<!tpu.dma_semaphore, #tpu.memory_space<semaphore_mem>>
      %dma_start3A_57 = arith.constant 0 : i32
      %dma_start3A_58 = tpu.memref_slice %arg2[%add3A_4, %dma_start3A_57] : memref<64x10000xi32, #tpu.memory_space<hbm>> -> memref<1x10000xi32, #tpu.memory_space<hbm>>
      %dma_start3A_59 = tpu.memref_squeeze %dma_start3A_58 : memref<1x10000xi32, #tpu.memory_space<hbm>> -> memref<10000xi32, #tpu.memory_space<hbm>>
      %dma_start3A_60 = arith.constant 0 : i32
      %dma_start3A_61 = tpu.memref_slice %arg2[%add3A_4, %dma_start3A_60] : memref<64x10000xi32, #tpu.memory_space<hbm>> -> memref<1x10000xi32, #tpu.memory_space<hbm>>
      %dma_start3A_62 = tpu.memref_squeeze %dma_start3A_61 : memref<1x10000xi32, #tpu.memory_space<hbm>> -> memref<10000xi32, #tpu.memory_space<hbm>>
      tpu.enqueue_dma source(%dma_start3A_62 : memref<10000xi32, #tpu.memory_space<hbm>>) target(%arg5 : memref<10000xi32, #tpu.memory_space<vmem>>) target_semaphore(%run_scoped3A : memref<!tpu.dma_semaphore, #tpu.memory_space<semaphore_mem>>)
      %dma_wait3A = arith.constant 0 : i32
      %dma_wait3A_63 = tpu.memref_slice %arg2[%add3A_4, %dma_wait3A] : memref<64x10000xi32, #tpu.memory_space<hbm>> -> memref<1x10000xi32, #tpu.memory_space<hbm>>
      %dma_wait3A_64 = tpu.memref_squeeze %dma_wait3A_63 : memref<1x10000xi32, #tpu.memory_space<hbm>> -> memref<10000xi32, #tpu.memory_space<hbm>>
      %dma_wait3A_65 = arith.constant 0 : i32
      %dma_wait3A_66 = tpu.memref_slice %arg2[%add3A_4, %dma_wait3A_65] : memref<64x10000xi32, #tpu.memory_space<hbm>> -> memref<1x10000xi32, #tpu.memory_space<hbm>>
      %dma_wait3A_67 = tpu.memref_squeeze %dma_wait3A_66 : memref<1x10000xi32, #tpu.memory_space<hbm>> -> memref<10000xi32, #tpu.memory_space<hbm>>
      tpu.wait_dma2 semaphore(%run_scoped3A : memref<!tpu.dma_semaphore, #tpu.memory_space<semaphore_mem>>) src(%dma_wait3A_67 : memref<10000xi32, #tpu.memory_space<hbm>>) dst(%arg5 : memref<10000xi32, #tpu.memory_space<vmem>>)
      tpu.yield
    }) : () -> ()
    %mul3A_5 = arith.constant 2 : i32
    %mul3A_6 = arith.muli %mul3A_5, %add3A : i32
    %add3A_7 = arith.constant 1 : i32
    %add3A_8 = arith.addi %mul3A_6, %add3A_7 : i32
    "tpu.region"() ({
      %run_scoped3A = tpu.sem_alloc : memref<!tpu.dma_semaphore, #tpu.memory_space<semaphore_mem>>
      %dma_start3A_57 = arith.constant 0 : i32
      %dma_start3A_58 = tpu.memref_slice %arg2[%add3A_8, %dma_start3A_57] : memref<64x10000xi32, #tpu.memory_space<hbm>> -> memref<1x10000xi32, #tpu.memory_space<hbm>>
      %dma_start3A_59 = tpu.memref_squeeze %dma_start3A_58 : memref<1x10000xi32, #tpu.memory_space<hbm>> -> memref<10000xi32, #tpu.memory_space<hbm>>
      %dma_start3A_60 = arith.constant 0 : i32
      %dma_start3A_61 = tpu.memref_slice %arg2[%add3A_8, %dma_start3A_60] : memref<64x10000xi32, #tpu.memory_space<hbm>> -> memref<1x10000xi32, #tpu.memory_space<hbm>>
      %dma_start3A_62 = tpu.memref_squeeze %dma_start3A_61 : memref<1x10000xi32, #tpu.memory_space<hbm>> -> memref<10000xi32, #tpu.memory_space<hbm>>
      tpu.enqueue_dma source(%dma_start3A_62 : memref<10000xi32, #tpu.memory_space<hbm>>) target(%arg6 : memref<10000xi32, #tpu.memory_space<vmem>>) target_semaphore(%run_scoped3A : memref<!tpu.dma_semaphore, #tpu.memory_space<semaphore_mem>>)
      %dma_wait3A = arith.constant 0 : i32
      %dma_wait3A_63 = tpu.memref_slice %arg2[%add3A_8, %dma_wait3A] : memref<64x10000xi32, #tpu.memory_space<hbm>> -> memref<1x10000xi32, #tpu.memory_space<hbm>>
      %dma_wait3A_64 = tpu.memref_squeeze %dma_wait3A_63 : memref<1x10000xi32, #tpu.memory_space<hbm>> -> memref<10000xi32, #tpu.memory_space<hbm>>
      %dma_wait3A_65 = arith.constant 0 : i32
      %dma_wait3A_66 = tpu.memref_slice %arg2[%add3A_8, %dma_wait3A_65] : memref<64x10000xi32, #tpu.memory_space<hbm>> -> memref<1x10000xi32, #tpu.memory_space<hbm>>
      %dma_wait3A_67 = tpu.memref_squeeze %dma_wait3A_66 : memref<1x10000xi32, #tpu.memory_space<hbm>> -> memref<10000xi32, #tpu.memory_space<hbm>>
      tpu.wait_dma2 semaphore(%run_scoped3A : memref<!tpu.dma_semaphore, #tpu.memory_space<semaphore_mem>>) src(%dma_wait3A_67 : memref<10000xi32, #tpu.memory_space<hbm>>) dst(%arg6 : memref<10000xi32, #tpu.memory_space<vmem>>)
      tpu.yield
    }) : () -> ()
    %broadcast_in_dim3A = arith.constant 0.000000e+00 : f32
    %broadcast_in_dim3A_9 = vector.broadcast %broadcast_in_dim3A : f32 to vector<16xf32>
    %parallel_loop3A = arith.constant 0 : i32
    %parallel_loop3A_10 = arith.constant 625 : i32
    %parallel_loop3A_11 = arith.constant 1 : i32
    scf.for %parallel_loop3A_57 = %parallel_loop3A to %parallel_loop3A_10 step %parallel_loop3A_11  : i32 {
      %parallel_loop3A_58 = arith.constant 16 : i32
      %parallel_loop3A_59 = arith.muli %parallel_loop3A_57, %parallel_loop3A_58 : i32
      %parallel_loop3A_60 = arith.index_cast %parallel_loop3A_59 : i32 to index
      %parallel_loop3A_61 = tpu.vector_load %arg7[%parallel_loop3A_60] {strides = array<i32>} : memref<10000xf32, #tpu.memory_space<vmem>>, vector<16xf32>,
      tpu.vector_store %arg7[%parallel_loop3A_60], %broadcast_in_dim3A_9 {strides = array<i32>} : memref<10000xf32, #tpu.memory_space<vmem>>, vector<16xf32>,
    } {sc.loop_unroll_factor = 8 : i64, sc.parallel_access}
    %broadcast_in_dim3A_12 = arith.constant 0.000000e+00 : f32
    %broadcast_in_dim3A_13 = vector.broadcast %broadcast_in_dim3A_12 : f32 to vector<16xf32>
    %parallel_loop3A_14 = arith.constant 0 : i32
    %parallel_loop3A_15 = arith.constant 625 : i32
    %parallel_loop3A_16 = arith.constant 1 : i32
    scf.for %parallel_loop3A_57 = %parallel_loop3A_14 to %parallel_loop3A_15 step %parallel_loop3A_16  : i32 {
      %parallel_loop3A_58 = arith.constant 16 : i32
      %parallel_loop3A_59 = arith.muli %parallel_loop3A_57, %parallel_loop3A_58 : i32
      %parallel_loop3A_60 = arith.index_cast %parallel_loop3A_59 : i32 to index
      %parallel_loop3A_61 = tpu.vector_load %arg8[%parallel_loop3A_60] {strides = array<i32>} : memref<10000xf32, #tpu.memory_space<vmem>>, vector<16xf32>,
      tpu.vector_store %arg8[%parallel_loop3A_60], %broadcast_in_dim3A_13 {strides = array<i32>} : memref<10000xf32, #tpu.memory_space<vmem>>, vector<16xf32>,
    } {sc.loop_unroll_factor = 8 : i64, sc.parallel_access}
    %broadcast_in_dim3A_17 = arith.constant 0.000000e+00 : f32
    %broadcast_in_dim3A_18 = vector.broadcast %broadcast_in_dim3A_17 : f32 to vector<16xf32>
    %parallel_loop3A_19 = arith.constant 0 : i32
    %parallel_loop3A_20 = arith.constant 625 : i32
    %parallel_loop3A_21 = arith.constant 1 : i32
    scf.for %parallel_loop3A_57 = %parallel_loop3A_19 to %parallel_loop3A_20 step %parallel_loop3A_21  : i32 {
      %parallel_loop3A_58 = arith.constant 16 : i32
      %parallel_loop3A_59 = arith.muli %parallel_loop3A_57, %parallel_loop3A_58 : i32
      %parallel_loop3A_60 = arith.index_cast %parallel_loop3A_59 : i32 to index
      %parallel_loop3A_61 = tpu.vector_load %arg9[%parallel_loop3A_60] {strides = array<i32>} : memref<10000xf32, #tpu.memory_space<vmem>>, vector<16xf32>,
      tpu.vector_store %arg9[%parallel_loop3A_60], %broadcast_in_dim3A_18 {strides = array<i32>} : memref<10000xf32, #tpu.memory_space<vmem>>, vector<16xf32>,
    } {sc.loop_unroll_factor = 8 : i64, sc.parallel_access}
    %broadcast_in_dim3A_22 = arith.constant 0.000000e+00 : f32
    %broadcast_in_dim3A_23 = vector.broadcast %broadcast_in_dim3A_22 : f32 to vector<16xf32>
    %parallel_loop3A_24 = arith.constant 0 : i32
    %parallel_loop3A_25 = arith.constant 625 : i32
    %parallel_loop3A_26 = arith.constant 1 : i32
    scf.for %parallel_loop3A_57 = %parallel_loop3A_24 to %parallel_loop3A_25 step %parallel_loop3A_26  : i32 {
      %parallel_loop3A_58 = arith.constant 16 : i32
      %parallel_loop3A_59 = arith.muli %parallel_loop3A_57, %parallel_loop3A_58 : i32
      %parallel_loop3A_60 = arith.index_cast %parallel_loop3A_59 : i32 to index
      %parallel_loop3A_61 = tpu.vector_load %arg10[%parallel_loop3A_60] {strides = array<i32>} : memref<10000xf32, #tpu.memory_space<vmem>>, vector<16xf32>,
      tpu.vector_store %arg10[%parallel_loop3A_60], %broadcast_in_dim3A_23 {strides = array<i32>} : memref<10000xf32, #tpu.memory_space<vmem>>, vector<16xf32>,
    } {sc.loop_unroll_factor = 8 : i64, sc.parallel_access}
    %dma_start3A = arith.constant 0 : i32
    %dma_start3A_27 = tpu.memref_slice %arg3[%dma_start3A] : memref<320000xi32, #tpu.memory_space<hbm>> -> memref<4000xi32, #tpu.memory_space<hbm>>
    %dma_start3A_28 = arith.constant 0 : i32
    %dma_start3A_29 = tpu.memref_slice %arg3[%dma_start3A_28] : memref<320000xi32, #tpu.memory_space<hbm>> -> memref<4000xi32, #tpu.memory_space<hbm>>
    tpu.enqueue_dma source(%dma_start3A_29 : memref<4000xi32, #tpu.memory_space<hbm>>) target(%arg11 : memref<4000xi32, #tpu.memory_space<vmem>>) target_semaphore(%arg13 : memref<!tpu.dma_semaphore, #tpu.memory_space<semaphore_mem>>)
    %dma_start3A_30 = arith.constant 4000 : i32
    %dma_start3A_31 = tpu.memref_slice %arg3[%dma_start3A_30] : memref<320000xi32, #tpu.memory_space<hbm>> -> memref<4000xi32, #tpu.memory_space<hbm>>
    %dma_start3A_32 = arith.constant 4000 : i32
    %dma_start3A_33 = tpu.memref_slice %arg3[%dma_start3A_32] : memref<320000xi32, #tpu.memory_space<hbm>> -> memref<4000xi32, #tpu.memory_space<hbm>>
    tpu.enqueue_dma source(%dma_start3A_33 : memref<4000xi32, #tpu.memory_space<hbm>>) target(%arg12 : memref<4000xi32, #tpu.memory_space<vmem>>) target_semaphore(%arg14 : memref<!tpu.dma_semaphore, #tpu.memory_space<semaphore_mem>>)
    %scan3A = arith.constant -65536 : i32
    %scan3A_34 = arith.constant 0 : i32
    %scan3A_35 = arith.constant 0 : i32
    %scan3A_36 = arith.constant 40 : i32
    %scan3A_37 = arith.addi %scan3A_35, %scan3A_36 : i32
    %scan3A_38 = arith.constant 1 : i32
    %scan3A_39 = scf.for %scan3A_57 = %scan3A_35 to %scan3A_37 step %scan3A_38 iter_args(%scan3A_58 = %scan3A_34) -> (i32)  : i32 {
      %dma_wait3A = arith.constant 0 : i32
      %dma_wait3A_59 = tpu.memref_slice %arg3[%dma_wait3A] : memref<320000xi32, #tpu.memory_space<hbm>> -> memref<4000xi32, #tpu.memory_space<hbm>>
      %dma_wait3A_60 = arith.constant 0 : i32
      %dma_wait3A_61 = tpu.memref_slice %arg3[%dma_wait3A_60] : memref<320000xi32, #tpu.memory_space<hbm>> -> memref<4000xi32, #tpu.memory_space<hbm>>
      tpu.wait_dma2 semaphore(%arg13 : memref<!tpu.dma_semaphore, #tpu.memory_space<semaphore_mem>>) src(%dma_wait3A_61 : memref<4000xi32, #tpu.memory_space<hbm>>) dst(%arg11 : memref<4000xi32, #tpu.memory_space<vmem>>)
      %lt3A = arith.constant 39 : i32
      %lt3A_62 = arith.cmpi slt, %scan3A_57, %lt3A : i32
      %convert_element_type3A = arith.extui %lt3A_62 : i1 to i32
      %cond3A = arith.constant 0 : i32
      %cond3A_63 = arith.cmpi ne, %convert_element_type3A, %cond3A : i32
      scf.if %cond3A_63 {
        %mul3A_86 = arith.constant 2 : i32
        %mul3A_87 = arith.muli %mul3A_86, %scan3A_57 : i32
        %add3A_88 = arith.constant 2 : i32
        %add3A_89 = arith.addi %mul3A_87, %add3A_88 : i32
        %mul3A_90 = arith.constant 4000 : i32
        %mul3A_91 = arith.muli %add3A_89, %mul3A_90 : i32
        %dma_start3A_92 = tpu.memref_slice %arg3[%mul3A_91] : memref<320000xi32, #tpu.memory_space<hbm>> -> memref<4000xi32, #tpu.memory_space<hbm>>
        %dma_start3A_93 = tpu.memref_slice %arg3[%mul3A_91] : memref<320000xi32, #tpu.memory_space<hbm>> -> memref<4000xi32, #tpu.memory_space<hbm>>
        tpu.enqueue_dma source(%dma_start3A_93 : memref<4000xi32, #tpu.memory_space<hbm>>) target(%arg11 : memref<4000xi32, #tpu.memory_space<vmem>>) target_semaphore(%arg13 : memref<!tpu.dma_semaphore, #tpu.memory_space<semaphore_mem>>)
      } else {
      }
      %mul3A_64 = arith.constant 2 : i32
      %mul3A_65 = arith.muli %mul3A_64, %scan3A_57 : i32
      %parallel_loop3A_66 = arith.constant 0 : i32
      %parallel_loop3A_67 = arith.constant 250 : i32
      %parallel_loop3A_68 = arith.constant 1 : i32
      scf.for %parallel_loop3A_86 = %parallel_loop3A_66 to %parallel_loop3A_67 step %parallel_loop3A_68  : i32 {
        %parallel_loop3A_87 = arith.constant 16 : i32
        %parallel_loop3A_88 = arith.muli %parallel_loop3A_86, %parallel_loop3A_87 : i32
        %parallel_loop3A_89 = arith.index_cast %parallel_loop3A_88 : i32 to index
        %parallel_loop3A_90 = tpu.vector_load %arg11[%parallel_loop3A_89] {strides = array<i32>} : memref<4000xi32, #tpu.memory_space<vmem>>, vector<16xi32>,
        %parallel_loop3A_91 = arith.constant 65535 : i32
        %parallel_loop3A_92 = vector.broadcast %parallel_loop3A_91 : i32 to vector<16xi32>
        %parallel_loop3A_93 = arith.andi %parallel_loop3A_90, %parallel_loop3A_92 : vector<16xi32>
        %parallel_loop3A_94 = arith.constant 16 : i32
        %parallel_loop3A_95 = vector.broadcast %parallel_loop3A_94 : i32 to vector<16xi32>
        %parallel_loop3A_96 = arith.shrsi %parallel_loop3A_90, %parallel_loop3A_95 : vector<16xi32>
        %parallel_loop3A_97 = tpu.vector_load_idx %arg5[%parallel_loop3A_93] : memref<10000xi32, #tpu.memory_space<vmem>>[vector<16xi32>], vector<16xi32>,
        %parallel_loop3A_98 = arith.constant 16 : i32
        %parallel_loop3A_99 = vector.broadcast %parallel_loop3A_98 : i32 to vector<16xi32>
        %parallel_loop3A_100 = arith.shli %parallel_loop3A_97, %parallel_loop3A_99 : vector<16xi32>
        %parallel_loop3A_101 = vector.bitcast %parallel_loop3A_100 : vector<16xi32> to vector<16xf32>
        %parallel_loop3A_102 = vector.broadcast %scan3A : i32 to vector<16xi32>
        %parallel_loop3A_103 = arith.andi %parallel_loop3A_97, %parallel_loop3A_102 : vector<16xi32>
        %parallel_loop3A_104 = vector.bitcast %parallel_loop3A_103 : vector<16xi32> to vector<16xf32>
        tpu.vector_store_idx %arg7[%parallel_loop3A_96], %parallel_loop3A_101 {add = true} : memref<10000xf32, #tpu.memory_space<vmem>>[vector<16xi32>], vector<16xf32>,
        tpu.vector_store_idx %arg8[%parallel_loop3A_96], %parallel_loop3A_104 {add = true} : memref<10000xf32, #tpu.memory_space<vmem>>[vector<16xi32>], vector<16xf32>,
        %parallel_loop3A_105 = tpu.vector_load_idx %arg6[%parallel_loop3A_93] : memref<10000xi32, #tpu.memory_space<vmem>>[vector<16xi32>], vector<16xi32>,
        %parallel_loop3A_106 = arith.constant 16 : i32
        %parallel_loop3A_107 = vector.broadcast %parallel_loop3A_106 : i32 to vector<16xi32>
        %parallel_loop3A_108 = arith.shli %parallel_loop3A_105, %parallel_loop3A_107 : vector<16xi32>
        %parallel_loop3A_109 = vector.bitcast %parallel_loop3A_108 : vector<16xi32> to vector<16xf32>
        %parallel_loop3A_110 = vector.broadcast %scan3A : i32 to vector<16xi32>
        %parallel_loop3A_111 = arith.andi %parallel_loop3A_105, %parallel_loop3A_110 : vector<16xi32>
        %parallel_loop3A_112 = vector.bitcast %parallel_loop3A_111 : vector<16xi32> to vector<16xf32>
        tpu.vector_store_idx %arg9[%parallel_loop3A_96], %parallel_loop3A_109 {add = true} : memref<10000xf32, #tpu.memory_space<vmem>>[vector<16xi32>], vector<16xf32>,
        tpu.vector_store_idx %arg10[%parallel_loop3A_96], %parallel_loop3A_112 {add = true} : memref<10000xf32, #tpu.memory_space<vmem>>[vector<16xi32>], vector<16xf32>,
      } {sc.loop_unroll_factor = 3 : i64, sc.parallel_access}
      %dma_wait3A_69 = arith.constant 0 : i32
      %dma_wait3A_70 = tpu.memref_slice %arg3[%dma_wait3A_69] : memref<320000xi32, #tpu.memory_space<hbm>> -> memref<4000xi32, #tpu.memory_space<hbm>>
      %dma_wait3A_71 = arith.constant 0 : i32
      %dma_wait3A_72 = tpu.memref_slice %arg3[%dma_wait3A_71] : memref<320000xi32, #tpu.memory_space<hbm>> -> memref<4000xi32, #tpu.memory_space<hbm>>
      tpu.wait_dma2 semaphore(%arg14 : memref<!tpu.dma_semaphore, #tpu.memory_space<semaphore_mem>>) src(%dma_wait3A_72 : memref<4000xi32, #tpu.memory_space<hbm>>) dst(%arg12 : memref<4000xi32, #tpu.memory_space<vmem>>)
      %lt3A_73 = arith.constant 39 : i32
      %lt3A_74 = arith.cmpi slt, %scan3A_57, %lt3A_73 : i32
      %convert_element_type3A_75 = arith.extui %lt3A_74 : i1 to i32
      %cond3A_76 = arith.constant 0 : i32
      %cond3A_77 = arith.cmpi ne, %convert_element_type3A_75, %cond3A_76 : i32
      scf.if %cond3A_77 {
        %mul3A_86 = arith.constant 2 : i32
        %mul3A_87 = arith.muli %mul3A_86, %scan3A_57 : i32
        %add3A_88 = arith.constant 3 : i32
        %add3A_89 = arith.addi %mul3A_87, %add3A_88 : i32
        %mul3A_90 = arith.constant 4000 : i32
        %mul3A_91 = arith.muli %add3A_89, %mul3A_90 : i32
        %dma_start3A_92 = tpu.memref_slice %arg3[%mul3A_91] : memref<320000xi32, #tpu.memory_space<hbm>> -> memref<4000xi32, #tpu.memory_space<hbm>>
        %dma_start3A_93 = tpu.memref_slice %arg3[%mul3A_91] : memref<320000xi32, #tpu.memory_space<hbm>> -> memref<4000xi32, #tpu.memory_space<hbm>>
        tpu.enqueue_dma source(%dma_start3A_93 : memref<4000xi32, #tpu.memory_space<hbm>>) target(%arg12 : memref<4000xi32, #tpu.memory_space<vmem>>) target_semaphore(%arg14 : memref<!tpu.dma_semaphore, #tpu.memory_space<semaphore_mem>>)
      } else {
      }
      %mul3A_78 = arith.constant 2 : i32
      %mul3A_79 = arith.muli %mul3A_78, %scan3A_57 : i32
      %add3A_80 = arith.constant 1 : i32
      %add3A_81 = arith.addi %mul3A_79, %add3A_80 : i32
      %parallel_loop3A_82 = arith.constant 0 : i32
      %parallel_loop3A_83 = arith.constant 250 : i32
      %parallel_loop3A_84 = arith.constant 1 : i32
      scf.for %parallel_loop3A_86 = %parallel_loop3A_82 to %parallel_loop3A_83 step %parallel_loop3A_84  : i32 {
        %parallel_loop3A_87 = arith.constant 16 : i32
        %parallel_loop3A_88 = arith.muli %parallel_loop3A_86, %parallel_loop3A_87 : i32
        %parallel_loop3A_89 = arith.index_cast %parallel_loop3A_88 : i32 to index
        %parallel_loop3A_90 = tpu.vector_load %arg12[%parallel_loop3A_89] {strides = array<i32>} : memref<4000xi32, #tpu.memory_space<vmem>>, vector<16xi32>,
        %parallel_loop3A_91 = arith.constant 65535 : i32
        %parallel_loop3A_92 = vector.broadcast %parallel_loop3A_91 : i32 to vector<16xi32>
        %parallel_loop3A_93 = arith.andi %parallel_loop3A_90, %parallel_loop3A_92 : vector<16xi32>
        %parallel_loop3A_94 = arith.constant 16 : i32
        %parallel_loop3A_95 = vector.broadcast %parallel_loop3A_94 : i32 to vector<16xi32>
        %parallel_loop3A_96 = arith.shrsi %parallel_loop3A_90, %parallel_loop3A_95 : vector<16xi32>
        %parallel_loop3A_97 = tpu.vector_load_idx %arg5[%parallel_loop3A_93] : memref<10000xi32, #tpu.memory_space<vmem>>[vector<16xi32>], vector<16xi32>,
        %parallel_loop3A_98 = arith.constant 16 : i32
        %parallel_loop3A_99 = vector.broadcast %parallel_loop3A_98 : i32 to vector<16xi32>
        %parallel_loop3A_100 = arith.shli %parallel_loop3A_97, %parallel_loop3A_99 : vector<16xi32>
        %parallel_loop3A_101 = vector.bitcast %parallel_loop3A_100 : vector<16xi32> to vector<16xf32>
        %parallel_loop3A_102 = vector.broadcast %scan3A : i32 to vector<16xi32>
        %parallel_loop3A_103 = arith.andi %parallel_loop3A_97, %parallel_loop3A_102 : vector<16xi32>
        %parallel_loop3A_104 = vector.bitcast %parallel_loop3A_103 : vector<16xi32> to vector<16xf32>
        tpu.vector_store_idx %arg7[%parallel_loop3A_96], %parallel_loop3A_101 {add = true} : memref<10000xf32, #tpu.memory_space<vmem>>[vector<16xi32>], vector<16xf32>,
        tpu.vector_store_idx %arg8[%parallel_loop3A_96], %parallel_loop3A_104 {add = true} : memref<10000xf32, #tpu.memory_space<vmem>>[vector<16xi32>], vector<16xf32>,
        %parallel_loop3A_105 = tpu.vector_load_idx %arg6[%parallel_loop3A_93] : memref<10000xi32, #tpu.memory_space<vmem>>[vector<16xi32>], vector<16xi32>,
        %parallel_loop3A_106 = arith.constant 16 : i32
        %parallel_loop3A_107 = vector.broadcast %parallel_loop3A_106 : i32 to vector<16xi32>
        %parallel_loop3A_108 = arith.shli %parallel_loop3A_105, %parallel_loop3A_107 : vector<16xi32>
        %parallel_loop3A_109 = vector.bitcast %parallel_loop3A_108 : vector<16xi32> to vector<16xf32>
        %parallel_loop3A_110 = vector.broadcast %scan3A : i32 to vector<16xi32>
        %parallel_loop3A_111 = arith.andi %parallel_loop3A_105, %parallel_loop3A_110 : vector<16xi32>
        %parallel_loop3A_112 = vector.bitcast %parallel_loop3A_111 : vector<16xi32> to vector<16xf32>
        tpu.vector_store_idx %arg9[%parallel_loop3A_96], %parallel_loop3A_109 {add = true} : memref<10000xf32, #tpu.memory_space<vmem>>[vector<16xi32>], vector<16xf32>,
        tpu.vector_store_idx %arg10[%parallel_loop3A_96], %parallel_loop3A_112 {add = true} : memref<10000xf32, #tpu.memory_space<vmem>>[vector<16xi32>], vector<16xf32>,
      } {sc.loop_unroll_factor = 3 : i64, sc.parallel_access}
      %scan3A_85 = arith.constant 0 : i32
      scf.yield %scan3A_85 : i32
    }
    %scan3A_40 = arith.constant 40 : i32
    %mul3A_41 = arith.constant 2 : i32
    %mul3A_42 = arith.muli %mul3A_41, %add3A : i32
    "tpu.region"() ({
      %run_scoped3A = tpu.sem_alloc : memref<!tpu.dma_semaphore, #tpu.memory_space<semaphore_mem>>
      %dma_start3A_57 = arith.constant 0 : i32
      %dma_start3A_58 = tpu.memref_slice %arg4[%mul3A_42, %dma_start3A_57] : memref<128x10000xf32, #tpu.memory_space<hbm>> -> memref<1x10000xf32, #tpu.memory_space<hbm>>
      %dma_start3A_59 = tpu.memref_squeeze %dma_start3A_58 : memref<1x10000xf32, #tpu.memory_space<hbm>> -> memref<10000xf32, #tpu.memory_space<hbm>>
      %dma_start3A_60 = arith.constant 0 : i32
      %dma_start3A_61 = tpu.memref_slice %arg4[%mul3A_42, %dma_start3A_60] : memref<128x10000xf32, #tpu.memory_space<hbm>> -> memref<1x10000xf32, #tpu.memory_space<hbm>>
      %dma_start3A_62 = tpu.memref_squeeze %dma_start3A_61 : memref<1x10000xf32, #tpu.memory_space<hbm>> -> memref<10000xf32, #tpu.memory_space<hbm>>
      tpu.enqueue_dma source(%arg7 : memref<10000xf32, #tpu.memory_space<vmem>>) target(%dma_start3A_62 : memref<10000xf32, #tpu.memory_space<hbm>>) target_semaphore(%run_scoped3A : memref<!tpu.dma_semaphore, #tpu.memory_space<semaphore_mem>>)
      %dma_wait3A = arith.constant 0 : i32
      %dma_wait3A_63 = tpu.memref_slice %arg4[%mul3A_42, %dma_wait3A] : memref<128x10000xf32, #tpu.memory_space<hbm>> -> memref<1x10000xf32, #tpu.memory_space<hbm>>
      %dma_wait3A_64 = tpu.memref_squeeze %dma_wait3A_63 : memref<1x10000xf32, #tpu.memory_space<hbm>> -> memref<10000xf32, #tpu.memory_space<hbm>>
      %dma_wait3A_65 = arith.constant 0 : i32
      %dma_wait3A_66 = tpu.memref_slice %arg4[%mul3A_42, %dma_wait3A_65] : memref<128x10000xf32, #tpu.memory_space<hbm>> -> memref<1x10000xf32, #tpu.memory_space<hbm>>
      %dma_wait3A_67 = tpu.memref_squeeze %dma_wait3A_66 : memref<1x10000xf32, #tpu.memory_space<hbm>> -> memref<10000xf32, #tpu.memory_space<hbm>>
      tpu.wait_dma2 semaphore(%run_scoped3A : memref<!tpu.dma_semaphore, #tpu.memory_space<semaphore_mem>>) src(%arg7 : memref<10000xf32, #tpu.memory_space<vmem>>) dst(%dma_wait3A_67 : memref<10000xf32, #tpu.memory_space<hbm>>)
      tpu.yield
    }) : () -> ()
    %mul3A_43 = arith.constant 2 : i32
    %mul3A_44 = arith.muli %mul3A_43, %add3A : i32
    %add3A_45 = arith.constant 64 : i32
    %add3A_46 = arith.addi %add3A_45, %mul3A_44 : i32
    "tpu.region"() ({
      %run_scoped3A = tpu.sem_alloc : memref<!tpu.dma_semaphore, #tpu.memory_space<semaphore_mem>>
      %dma_start3A_57 = arith.constant 0 : i32
      %dma_start3A_58 = tpu.memref_slice %arg4[%add3A_46, %dma_start3A_57] : memref<128x10000xf32, #tpu.memory_space<hbm>> -> memref<1x10000xf32, #tpu.memory_space<hbm>>
      %dma_start3A_59 = tpu.memref_squeeze %dma_start3A_58 : memref<1x10000xf32, #tpu.memory_space<hbm>> -> memref<10000xf32, #tpu.memory_space<hbm>>
      %dma_start3A_60 = arith.constant 0 : i32
      %dma_start3A_61 = tpu.memref_slice %arg4[%add3A_46, %dma_start3A_60] : memref<128x10000xf32, #tpu.memory_space<hbm>> -> memref<1x10000xf32, #tpu.memory_space<hbm>>
      %dma_start3A_62 = tpu.memref_squeeze %dma_start3A_61 : memref<1x10000xf32, #tpu.memory_space<hbm>> -> memref<10000xf32, #tpu.memory_space<hbm>>
      tpu.enqueue_dma source(%arg8 : memref<10000xf32, #tpu.memory_space<vmem>>) target(%dma_start3A_62 : memref<10000xf32, #tpu.memory_space<hbm>>) target_semaphore(%run_scoped3A : memref<!tpu.dma_semaphore, #tpu.memory_space<semaphore_mem>>)
      %dma_wait3A = arith.constant 0 : i32
      %dma_wait3A_63 = tpu.memref_slice %arg4[%add3A_46, %dma_wait3A] : memref<128x10000xf32, #tpu.memory_space<hbm>> -> memref<1x10000xf32, #tpu.memory_space<hbm>>
      %dma_wait3A_64 = tpu.memref_squeeze %dma_wait3A_63 : memref<1x10000xf32, #tpu.memory_space<hbm>> -> memref<10000xf32, #tpu.memory_space<hbm>>
      %dma_wait3A_65 = arith.constant 0 : i32
      %dma_wait3A_66 = tpu.memref_slice %arg4[%add3A_46, %dma_wait3A_65] : memref<128x10000xf32, #tpu.memory_space<hbm>> -> memref<1x10000xf32, #tpu.memory_space<hbm>>
      %dma_wait3A_67 = tpu.memref_squeeze %dma_wait3A_66 : memref<1x10000xf32, #tpu.memory_space<hbm>> -> memref<10000xf32, #tpu.memory_space<hbm>>
      tpu.wait_dma2 semaphore(%run_scoped3A : memref<!tpu.dma_semaphore, #tpu.memory_space<semaphore_mem>>) src(%arg8 : memref<10000xf32, #tpu.memory_space<vmem>>) dst(%dma_wait3A_67 : memref<10000xf32, #tpu.memory_space<hbm>>)
      tpu.yield
    }) : () -> ()
    %mul3A_47 = arith.constant 2 : i32
    %mul3A_48 = arith.muli %mul3A_47, %add3A : i32
    %add3A_49 = arith.constant 1 : i32
    %add3A_50 = arith.addi %mul3A_48, %add3A_49 : i32
    "tpu.region"() ({
      %run_scoped3A = tpu.sem_alloc : memref<!tpu.dma_semaphore, #tpu.memory_space<semaphore_mem>>
      %dma_start3A_57 = arith.constant 0 : i32
      %dma_start3A_58 = tpu.memref_slice %arg4[%add3A_50, %dma_start3A_57] : memref<128x10000xf32, #tpu.memory_space<hbm>> -> memref<1x10000xf32, #tpu.memory_space<hbm>>
      %dma_start3A_59 = tpu.memref_squeeze %dma_start3A_58 : memref<1x10000xf32, #tpu.memory_space<hbm>> -> memref<10000xf32, #tpu.memory_space<hbm>>
      %dma_start3A_60 = arith.constant 0 : i32
      %dma_start3A_61 = tpu.memref_slice %arg4[%add3A_50, %dma_start3A_60] : memref<128x10000xf32, #tpu.memory_space<hbm>> -> memref<1x10000xf32, #tpu.memory_space<hbm>>
      %dma_start3A_62 = tpu.memref_squeeze %dma_start3A_61 : memref<1x10000xf32, #tpu.memory_space<hbm>> -> memref<10000xf32, #tpu.memory_space<hbm>>
      tpu.enqueue_dma source(%arg9 : memref<10000xf32, #tpu.memory_space<vmem>>) target(%dma_start3A_62 : memref<10000xf32, #tpu.memory_space<hbm>>) target_semaphore(%run_scoped3A : memref<!tpu.dma_semaphore, #tpu.memory_space<semaphore_mem>>)
      %dma_wait3A = arith.constant 0 : i32
      %dma_wait3A_63 = tpu.memref_slice %arg4[%add3A_50, %dma_wait3A] : memref<128x10000xf32, #tpu.memory_space<hbm>> -> memref<1x10000xf32, #tpu.memory_space<hbm>>
      %dma_wait3A_64 = tpu.memref_squeeze %dma_wait3A_63 : memref<1x10000xf32, #tpu.memory_space<hbm>> -> memref<10000xf32, #tpu.memory_space<hbm>>
      %dma_wait3A_65 = arith.constant 0 : i32
      %dma_wait3A_66 = tpu.memref_slice %arg4[%add3A_50, %dma_wait3A_65] : memref<128x10000xf32, #tpu.memory_space<hbm>> -> memref<1x10000xf32, #tpu.memory_space<hbm>>
      %dma_wait3A_67 = tpu.memref_squeeze %dma_wait3A_66 : memref<1x10000xf32, #tpu.memory_space<hbm>> -> memref<10000xf32, #tpu.memory_space<hbm>>
      tpu.wait_dma2 semaphore(%run_scoped3A : memref<!tpu.dma_semaphore, #tpu.memory_space<semaphore_mem>>) src(%arg9 : memref<10000xf32, #tpu.memory_space<vmem>>) dst(%dma_wait3A_67 : memref<10000xf32, #tpu.memory_space<hbm>>)
      tpu.yield
    }) : () -> ()
    %mul3A_51 = arith.constant 2 : i32
    %mul3A_52 = arith.muli %mul3A_51, %add3A : i32
    %add3A_53 = arith.constant 64 : i32
    %add3A_54 = arith.addi %add3A_53, %mul3A_52 : i32
    %add3A_55 = arith.constant 1 : i32
    %add3A_56 = arith.addi %add3A_54, %add3A_55 : i32
    "tpu.region"() ({
      %run_scoped3A = tpu.sem_alloc : memref<!tpu.dma_semaphore, #tpu.memory_space<semaphore_mem>>
      %dma_start3A_57 = arith.constant 0 : i32
      %dma_start3A_58 = tpu.memref_slice %arg4[%add3A_56, %dma_start3A_57] : memref<128x10000xf32, #tpu.memory_space<hbm>> -> memref<1x10000xf32, #tpu.memory_space<hbm>>
      %dma_start3A_59 = tpu.memref_squeeze %dma_start3A_58 : memref<1x10000xf32, #tpu.memory_space<hbm>> -> memref<10000xf32, #tpu.memory_space<hbm>>
      %dma_start3A_60 = arith.constant 0 : i32
      %dma_start3A_61 = tpu.memref_slice %arg4[%add3A_56, %dma_start3A_60] : memref<128x10000xf32, #tpu.memory_space<hbm>> -> memref<1x10000xf32, #tpu.memory_space<hbm>>
      %dma_start3A_62 = tpu.memref_squeeze %dma_start3A_61 : memref<1x10000xf32, #tpu.memory_space<hbm>> -> memref<10000xf32, #tpu.memory_space<hbm>>
      tpu.enqueue_dma source(%arg10 : memref<10000xf32, #tpu.memory_space<vmem>>) target(%dma_start3A_62 : memref<10000xf32, #tpu.memory_space<hbm>>) target_semaphore(%run_scoped3A : memref<!tpu.dma_semaphore, #tpu.memory_space<semaphore_mem>>)
      %dma_wait3A = arith.constant 0 : i32
      %dma_wait3A_63 = tpu.memref_slice %arg4[%add3A_56, %dma_wait3A] : memref<128x10000xf32, #tpu.memory_space<hbm>> -> memref<1x10000xf32, #tpu.memory_space<hbm>>
      %dma_wait3A_64 = tpu.memref_squeeze %dma_wait3A_63 : memref<1x10000xf32, #tpu.memory_space<hbm>> -> memref<10000xf32, #tpu.memory_space<hbm>>
      %dma_wait3A_65 = arith.constant 0 : i32
      %dma_wait3A_66 = tpu.memref_slice %arg4[%add3A_56, %dma_wait3A_65] : memref<128x10000xf32, #tpu.memory_space<hbm>> -> memref<1x10000xf32, #tpu.memory_space<hbm>>
      %dma_wait3A_67 = tpu.memref_squeeze %dma_wait3A_66 : memref<1x10000xf32, #tpu.memory_space<hbm>> -> memref<10000xf32, #tpu.memory_space<hbm>>
      tpu.wait_dma2 semaphore(%run_scoped3A : memref<!tpu.dma_semaphore, #tpu.memory_space<semaphore_mem>>) src(%arg10 : memref<10000xf32, #tpu.memory_space<vmem>>) dst(%dma_wait3A_67 : memref<10000xf32, #tpu.memory_space<hbm>>)
      tpu.yield
    }) : () -> ()
    return
  }
}

#map = affine_map<(d0, d1) -> (0, 0)>
#map1 = affine_map<(d0, d1) -> (0)>
module attributes {stable_mosaic.version = 14 : i64} {
  func.func @_sc_pack_deg(%arg0: i32, %arg1: i32, %arg2: memref<2x320000xi32, #tpu.memory_space<hbm>>, %arg3: memref<320000xi32, #tpu.memory_space<hbm>>, %arg4: memref<32x10000xf32, #tpu.memory_space<hbm>>, %arg5: memref<32x10000xf32, #tpu.memory_space<hbm>>, %arg6: memref<10000xi32, #tpu.memory_space<vmem>>, %arg7: memref<10000xi32, #tpu.memory_space<vmem>>, %arg8: memref<10000xi32, #tpu.memory_space<vmem>>, %arg9: memref<10000xf32, #tpu.memory_space<vmem>>, %arg10: memref<10000xf32, #tpu.memory_space<vmem>>) attributes {dimension_semantics = [#tpu.dimension_semantics<core_parallel>, #tpu.dimension_semantics<subcore_parallel>], iteration_bounds = array<i64: 2, 16>, scalar_prefetch = 0 : i64, scratch_operands = 5 : i64, tpu.core_type = #tpu.core_type<sc_vector_subcore>, window_params = [{transform_indices = #map}, {transform_indices = #map1}, {transform_indices = #map}, {transform_indices = #map}]} {
    %mul3A = arith.constant 2 : i32
    %mul3A_0 = arith.muli %arg1, %mul3A : i32
    %add3A = arith.addi %mul3A_0, %arg0 : i32
    %mul3A_1 = arith.constant 10000 : i32
    %mul3A_2 = arith.muli %add3A, %mul3A_1 : i32
    %run_scoped3A = arith.constant 0 : i32
    "tpu.region"() ({
      %run_scoped3A_17 = tpu.sem_alloc : memref<!tpu.dma_semaphore, #tpu.memory_space<semaphore_mem>>
      %dma_start3A = tpu.memref_slice %arg2[%run_scoped3A, %mul3A_2] : memref<2x320000xi32, #tpu.memory_space<hbm>> -> memref<1x10000xi32, #tpu.memory_space<hbm>>
      %dma_start3A_18 = tpu.memref_squeeze %dma_start3A : memref<1x10000xi32, #tpu.memory_space<hbm>> -> memref<10000xi32, #tpu.memory_space<hbm>>
      %dma_start3A_19 = tpu.memref_slice %arg2[%run_scoped3A, %mul3A_2] : memref<2x320000xi32, #tpu.memory_space<hbm>> -> memref<1x10000xi32, #tpu.memory_space<hbm>>
      %dma_start3A_20 = tpu.memref_squeeze %dma_start3A_19 : memref<1x10000xi32, #tpu.memory_space<hbm>> -> memref<10000xi32, #tpu.memory_space<hbm>>
      tpu.enqueue_dma source(%dma_start3A_20 : memref<10000xi32, #tpu.memory_space<hbm>>) target(%arg6 : memref<10000xi32, #tpu.memory_space<vmem>>) target_semaphore(%run_scoped3A_17 : memref<!tpu.dma_semaphore, #tpu.memory_space<semaphore_mem>>)
      %dma_wait3A = tpu.memref_slice %arg2[%run_scoped3A, %mul3A_2] : memref<2x320000xi32, #tpu.memory_space<hbm>> -> memref<1x10000xi32, #tpu.memory_space<hbm>>
      %dma_wait3A_21 = tpu.memref_squeeze %dma_wait3A : memref<1x10000xi32, #tpu.memory_space<hbm>> -> memref<10000xi32, #tpu.memory_space<hbm>>
      %dma_wait3A_22 = tpu.memref_slice %arg2[%run_scoped3A, %mul3A_2] : memref<2x320000xi32, #tpu.memory_space<hbm>> -> memref<1x10000xi32, #tpu.memory_space<hbm>>
      %dma_wait3A_23 = tpu.memref_squeeze %dma_wait3A_22 : memref<1x10000xi32, #tpu.memory_space<hbm>> -> memref<10000xi32, #tpu.memory_space<hbm>>
      tpu.wait_dma2 semaphore(%run_scoped3A_17 : memref<!tpu.dma_semaphore, #tpu.memory_space<semaphore_mem>>) src(%dma_wait3A_23 : memref<10000xi32, #tpu.memory_space<hbm>>) dst(%arg6 : memref<10000xi32, #tpu.memory_space<vmem>>)
      tpu.yield
    }) : () -> ()
    %run_scoped3A_3 = arith.constant 1 : i32
    "tpu.region"() ({
      %run_scoped3A_17 = tpu.sem_alloc : memref<!tpu.dma_semaphore, #tpu.memory_space<semaphore_mem>>
      %dma_start3A = tpu.memref_slice %arg2[%run_scoped3A_3, %mul3A_2] : memref<2x320000xi32, #tpu.memory_space<hbm>> -> memref<1x10000xi32, #tpu.memory_space<hbm>>
      %dma_start3A_18 = tpu.memref_squeeze %dma_start3A : memref<1x10000xi32, #tpu.memory_space<hbm>> -> memref<10000xi32, #tpu.memory_space<hbm>>
      %dma_start3A_19 = tpu.memref_slice %arg2[%run_scoped3A_3, %mul3A_2] : memref<2x320000xi32, #tpu.memory_space<hbm>> -> memref<1x10000xi32, #tpu.memory_space<hbm>>
      %dma_start3A_20 = tpu.memref_squeeze %dma_start3A_19 : memref<1x10000xi32, #tpu.memory_space<hbm>> -> memref<10000xi32, #tpu.memory_space<hbm>>
      tpu.enqueue_dma source(%dma_start3A_20 : memref<10000xi32, #tpu.memory_space<hbm>>) target(%arg7 : memref<10000xi32, #tpu.memory_space<vmem>>) target_semaphore(%run_scoped3A_17 : memref<!tpu.dma_semaphore, #tpu.memory_space<semaphore_mem>>)
      %dma_wait3A = tpu.memref_slice %arg2[%run_scoped3A_3, %mul3A_2] : memref<2x320000xi32, #tpu.memory_space<hbm>> -> memref<1x10000xi32, #tpu.memory_space<hbm>>
      %dma_wait3A_21 = tpu.memref_squeeze %dma_wait3A : memref<1x10000xi32, #tpu.memory_space<hbm>> -> memref<10000xi32, #tpu.memory_space<hbm>>
      %dma_wait3A_22 = tpu.memref_slice %arg2[%run_scoped3A_3, %mul3A_2] : memref<2x320000xi32, #tpu.memory_space<hbm>> -> memref<1x10000xi32, #tpu.memory_space<hbm>>
      %dma_wait3A_23 = tpu.memref_squeeze %dma_wait3A_22 : memref<1x10000xi32, #tpu.memory_space<hbm>> -> memref<10000xi32, #tpu.memory_space<hbm>>
      tpu.wait_dma2 semaphore(%run_scoped3A_17 : memref<!tpu.dma_semaphore, #tpu.memory_space<semaphore_mem>>) src(%dma_wait3A_23 : memref<10000xi32, #tpu.memory_space<hbm>>) dst(%arg7 : memref<10000xi32, #tpu.memory_space<vmem>>)
      tpu.yield
    }) : () -> ()
    %broadcast_in_dim3A = arith.constant 0.000000e+00 : f32
    %broadcast_in_dim3A_4 = vector.broadcast %broadcast_in_dim3A : f32 to vector<16xf32>
    %parallel_loop3A = arith.constant 0 : i32
    %parallel_loop3A_5 = arith.constant 625 : i32
    %parallel_loop3A_6 = arith.constant 1 : i32
    scf.for %parallel_loop3A_17 = %parallel_loop3A to %parallel_loop3A_5 step %parallel_loop3A_6  : i32 {
      %parallel_loop3A_18 = arith.constant 16 : i32
      %parallel_loop3A_19 = arith.muli %parallel_loop3A_17, %parallel_loop3A_18 : i32
      %parallel_loop3A_20 = arith.index_cast %parallel_loop3A_19 : i32 to index
      %parallel_loop3A_21 = tpu.vector_load %arg9[%parallel_loop3A_20] {strides = array<i32>} : memref<10000xf32, #tpu.memory_space<vmem>>, vector<16xf32>,
      tpu.vector_store %arg9[%parallel_loop3A_20], %broadcast_in_dim3A_4 {strides = array<i32>} : memref<10000xf32, #tpu.memory_space<vmem>>, vector<16xf32>,
    } {sc.loop_unroll_factor = 8 : i64, sc.parallel_access}
    %broadcast_in_dim3A_7 = arith.constant 0.000000e+00 : f32
    %broadcast_in_dim3A_8 = vector.broadcast %broadcast_in_dim3A_7 : f32 to vector<16xf32>
    %parallel_loop3A_9 = arith.constant 0 : i32
    %parallel_loop3A_10 = arith.constant 625 : i32
    %parallel_loop3A_11 = arith.constant 1 : i32
    scf.for %parallel_loop3A_17 = %parallel_loop3A_9 to %parallel_loop3A_10 step %parallel_loop3A_11  : i32 {
      %parallel_loop3A_18 = arith.constant 16 : i32
      %parallel_loop3A_19 = arith.muli %parallel_loop3A_17, %parallel_loop3A_18 : i32
      %parallel_loop3A_20 = arith.index_cast %parallel_loop3A_19 : i32 to index
      %parallel_loop3A_21 = tpu.vector_load %arg10[%parallel_loop3A_20] {strides = array<i32>} : memref<10000xf32, #tpu.memory_space<vmem>>, vector<16xf32>,
      tpu.vector_store %arg10[%parallel_loop3A_20], %broadcast_in_dim3A_8 {strides = array<i32>} : memref<10000xf32, #tpu.memory_space<vmem>>, vector<16xf32>,
    } {sc.loop_unroll_factor = 8 : i64, sc.parallel_access}
    %broadcast_in_dim3A_12 = arith.constant 1.000000e+00 : f32
    %broadcast_in_dim3A_13 = vector.broadcast %broadcast_in_dim3A_12 : f32 to vector<16xf32>
    %parallel_loop3A_14 = arith.constant 0 : i32
    %parallel_loop3A_15 = arith.constant 625 : i32
    %parallel_loop3A_16 = arith.constant 1 : i32
    scf.for %parallel_loop3A_17 = %parallel_loop3A_14 to %parallel_loop3A_15 step %parallel_loop3A_16  : i32 {
      %parallel_loop3A_18 = arith.constant 16 : i32
      %parallel_loop3A_19 = arith.muli %parallel_loop3A_17, %parallel_loop3A_18 : i32
      %parallel_loop3A_20 = arith.index_cast %parallel_loop3A_19 : i32 to index
      %parallel_loop3A_21 = tpu.vector_load %arg6[%parallel_loop3A_20] {strides = array<i32>} : memref<10000xi32, #tpu.memory_space<vmem>>, vector<16xi32>,
      %parallel_loop3A_22 = arith.constant 16 : i32
      %parallel_loop3A_23 = arith.muli %parallel_loop3A_17, %parallel_loop3A_22 : i32
      %parallel_loop3A_24 = arith.index_cast %parallel_loop3A_23 : i32 to index
      %parallel_loop3A_25 = tpu.vector_load %arg7[%parallel_loop3A_24] {strides = array<i32>} : memref<10000xi32, #tpu.memory_space<vmem>>, vector<16xi32>,
      %parallel_loop3A_26 = arith.constant 16 : i32
      %parallel_loop3A_27 = vector.broadcast %parallel_loop3A_26 : i32 to vector<16xi32>
      %parallel_loop3A_28 = arith.shli %parallel_loop3A_25, %parallel_loop3A_27 : vector<16xi32>
      %parallel_loop3A_29 = arith.ori %parallel_loop3A_21, %parallel_loop3A_28 : vector<16xi32>
      %parallel_loop3A_30 = arith.constant 16 : i32
      %parallel_loop3A_31 = arith.muli %parallel_loop3A_17, %parallel_loop3A_30 : i32
      %parallel_loop3A_32 = arith.index_cast %parallel_loop3A_31 : i32 to index
      %parallel_loop3A_33 = tpu.vector_load %arg8[%parallel_loop3A_32] {strides = array<i32>} : memref<10000xi32, #tpu.memory_space<vmem>>, vector<16xi32>,
      tpu.vector_store %arg8[%parallel_loop3A_32], %parallel_loop3A_29 {strides = array<i32>} : memref<10000xi32, #tpu.memory_space<vmem>>, vector<16xi32>,
      tpu.vector_store_idx %arg9[%parallel_loop3A_21], %broadcast_in_dim3A_13 {add = true} : memref<10000xf32, #tpu.memory_space<vmem>>[vector<16xi32>], vector<16xf32>,
      tpu.vector_store_idx %arg10[%parallel_loop3A_25], %broadcast_in_dim3A_13 {add = true} : memref<10000xf32, #tpu.memory_space<vmem>>[vector<16xi32>], vector<16xf32>,
    } {sc.loop_unroll_factor = 5 : i64, sc.parallel_access}
    "tpu.region"() ({
      %run_scoped3A_17 = tpu.sem_alloc : memref<!tpu.dma_semaphore, #tpu.memory_space<semaphore_mem>>
      %dma_start3A = tpu.memref_slice %arg3[%mul3A_2] : memref<320000xi32, #tpu.memory_space<hbm>> -> memref<10000xi32, #tpu.memory_space<hbm>>
      %dma_start3A_18 = tpu.memref_slice %arg3[%mul3A_2] : memref<320000xi32, #tpu.memory_space<hbm>> -> memref<10000xi32, #tpu.memory_space<hbm>>
      tpu.enqueue_dma source(%arg8 : memref<10000xi32, #tpu.memory_space<vmem>>) target(%dma_start3A_18 : memref<10000xi32, #tpu.memory_space<hbm>>) target_semaphore(%run_scoped3A_17 : memref<!tpu.dma_semaphore, #tpu.memory_space<semaphore_mem>>)
      %dma_wait3A = tpu.memref_slice %arg3[%mul3A_2] : memref<320000xi32, #tpu.memory_space<hbm>> -> memref<10000xi32, #tpu.memory_space<hbm>>
      %dma_wait3A_19 = tpu.memref_slice %arg3[%mul3A_2] : memref<320000xi32, #tpu.memory_space<hbm>> -> memref<10000xi32, #tpu.memory_space<hbm>>
      tpu.wait_dma2 semaphore(%run_scoped3A_17 : memref<!tpu.dma_semaphore, #tpu.memory_space<semaphore_mem>>) src(%arg8 : memref<10000xi32, #tpu.memory_space<vmem>>) dst(%dma_wait3A_19 : memref<10000xi32, #tpu.memory_space<hbm>>)
      tpu.yield
    }) : () -> ()
    "tpu.region"() ({
      %run_scoped3A_17 = tpu.sem_alloc : memref<!tpu.dma_semaphore, #tpu.memory_space<semaphore_mem>>
      %dma_start3A = arith.constant 0 : i32
      %dma_start3A_18 = tpu.memref_slice %arg4[%add3A, %dma_start3A] : memref<32x10000xf32, #tpu.memory_space<hbm>> -> memref<1x10000xf32, #tpu.memory_space<hbm>>
      %dma_start3A_19 = tpu.memref_squeeze %dma_start3A_18 : memref<1x10000xf32, #tpu.memory_space<hbm>> -> memref<10000xf32, #tpu.memory_space<hbm>>
      %dma_start3A_20 = arith.constant 0 : i32
      %dma_start3A_21 = tpu.memref_slice %arg4[%add3A, %dma_start3A_20] : memref<32x10000xf32, #tpu.memory_space<hbm>> -> memref<1x10000xf32, #tpu.memory_space<hbm>>
      %dma_start3A_22 = tpu.memref_squeeze %dma_start3A_21 : memref<1x10000xf32, #tpu.memory_space<hbm>> -> memref<10000xf32, #tpu.memory_space<hbm>>
      tpu.enqueue_dma source(%arg9 : memref<10000xf32, #tpu.memory_space<vmem>>) target(%dma_start3A_22 : memref<10000xf32, #tpu.memory_space<hbm>>) target_semaphore(%run_scoped3A_17 : memref<!tpu.dma_semaphore, #tpu.memory_space<semaphore_mem>>)
      %dma_wait3A = arith.constant 0 : i32
      %dma_wait3A_23 = tpu.memref_slice %arg4[%add3A, %dma_wait3A] : memref<32x10000xf32, #tpu.memory_space<hbm>> -> memref<1x10000xf32, #tpu.memory_space<hbm>>
      %dma_wait3A_24 = tpu.memref_squeeze %dma_wait3A_23 : memref<1x10000xf32, #tpu.memory_space<hbm>> -> memref<10000xf32, #tpu.memory_space<hbm>>
      %dma_wait3A_25 = arith.constant 0 : i32
      %dma_wait3A_26 = tpu.memref_slice %arg4[%add3A, %dma_wait3A_25] : memref<32x10000xf32, #tpu.memory_space<hbm>> -> memref<1x10000xf32, #tpu.memory_space<hbm>>
      %dma_wait3A_27 = tpu.memref_squeeze %dma_wait3A_26 : memref<1x10000xf32, #tpu.memory_space<hbm>> -> memref<10000xf32, #tpu.memory_space<hbm>>
      tpu.wait_dma2 semaphore(%run_scoped3A_17 : memref<!tpu.dma_semaphore, #tpu.memory_space<semaphore_mem>>) src(%arg9 : memref<10000xf32, #tpu.memory_space<vmem>>) dst(%dma_wait3A_27 : memref<10000xf32, #tpu.memory_space<hbm>>)
      tpu.yield
    }) : () -> ()
    "tpu.region"() ({
      %run_scoped3A_17 = tpu.sem_alloc : memref<!tpu.dma_semaphore, #tpu.memory_space<semaphore_mem>>
      %dma_start3A = arith.constant 0 : i32
      %dma_start3A_18 = tpu.memref_slice %arg5[%add3A, %dma_start3A] : memref<32x10000xf32, #tpu.memory_space<hbm>> -> memref<1x10000xf32, #tpu.memory_space<hbm>>
      %dma_start3A_19 = tpu.memref_squeeze %dma_start3A_18 : memref<1x10000xf32, #tpu.memory_space<hbm>> -> memref<10000xf32, #tpu.memory_space<hbm>>
      %dma_start3A_20 = arith.constant 0 : i32
      %dma_start3A_21 = tpu.memref_slice %arg5[%add3A, %dma_start3A_20] : memref<32x10000xf32, #tpu.memory_space<hbm>> -> memref<1x10000xf32, #tpu.memory_space<hbm>>
      %dma_start3A_22 = tpu.memref_squeeze %dma_start3A_21 : memref<1x10000xf32, #tpu.memory_space<hbm>> -> memref<10000xf32, #tpu.memory_space<hbm>>
      tpu.enqueue_dma source(%arg10 : memref<10000xf32, #tpu.memory_space<vmem>>) target(%dma_start3A_22 : memref<10000xf32, #tpu.memory_space<hbm>>) target_semaphore(%run_scoped3A_17 : memref<!tpu.dma_semaphore, #tpu.memory_space<semaphore_mem>>)
      %dma_wait3A = arith.constant 0 : i32
      %dma_wait3A_23 = tpu.memref_slice %arg5[%add3A, %dma_wait3A] : memref<32x10000xf32, #tpu.memory_space<hbm>> -> memref<1x10000xf32, #tpu.memory_space<hbm>>
      %dma_wait3A_24 = tpu.memref_squeeze %dma_wait3A_23 : memref<1x10000xf32, #tpu.memory_space<hbm>> -> memref<10000xf32, #tpu.memory_space<hbm>>
      %dma_wait3A_25 = arith.constant 0 : i32
      %dma_wait3A_26 = tpu.memref_slice %arg5[%add3A, %dma_wait3A_25] : memref<32x10000xf32, #tpu.memory_space<hbm>> -> memref<1x10000xf32, #tpu.memory_space<hbm>>
      %dma_wait3A_27 = tpu.memref_squeeze %dma_wait3A_26 : memref<1x10000xf32, #tpu.memory_space<hbm>> -> memref<10000xf32, #tpu.memory_space<hbm>>
      tpu.wait_dma2 semaphore(%run_scoped3A_17 : memref<!tpu.dma_semaphore, #tpu.memory_space<semaphore_mem>>) src(%arg10 : memref<10000xf32, #tpu.memory_space<vmem>>) dst(%dma_wait3A_27 : memref<10000xf32, #tpu.memory_space<hbm>>)
      tpu.yield
    }) : () -> ()
    return
  }
}

module attributes {stable_mosaic.version = 14 : i64} {
  func.func @_tcA_body(%arg0: memref<10000x128xf32, #tpu.memory_space<vmem>>, %arg1: memref<32x10000xf32, #tpu.memory_space<vmem>>, %arg2: memref<32x10000xf32, #tpu.memory_space<vmem>>, %arg3: memref<64x10000xi32, #tpu.memory_space<vmem>>, %arg4: memref<1x10000xf32, #tpu.memory_space<vmem>>, %arg5: memref<1x10000xf32, #tpu.memory_space<vmem>>) attributes {dimension_semantics = [], scalar_prefetch = 0 : i64, scratch_operands = 0 : i64, tpu.core_type = #tpu.core_type<tc>} {
    %get3A = arith.constant 0 : index
    %get3A_0 = arith.constant 0 : index
    %get3A_1 = vector.load %arg1[%get3A, %get3A_0] : memref<32x10000xf32, #tpu.memory_space<vmem>>, vector<32x10000xf32>
    %reduce_sum3A = arith.constant dense<0.000000e+00> : vector<10000xf32>
    %reduce_sum3A_2 = vector.multi_reduction <add>, %get3A_1, %reduce_sum3A [0] : vector<32x10000xf32> to vector<10000xf32>
    %broadcast_in_dim3A = vector.shape_cast %reduce_sum3A_2 : vector<10000xf32> to vector<1x10000xf32>
    %get3A_3 = arith.constant 0 : index
    %get3A_4 = arith.constant 0 : index
    %get3A_5 = vector.load %arg2[%get3A_3, %get3A_4] : memref<32x10000xf32, #tpu.memory_space<vmem>>, vector<32x10000xf32>
    %reduce_sum3A_6 = arith.constant dense<0.000000e+00> : vector<10000xf32>
    %reduce_sum3A_7 = vector.multi_reduction <add>, %get3A_5, %reduce_sum3A_6 [0] : vector<32x10000xf32> to vector<10000xf32>
    %broadcast_in_dim3A_8 = vector.shape_cast %reduce_sum3A_7 : vector<10000xf32> to vector<1x10000xf32>
    %gt3A = arith.constant 0.000000e+00 : f32
    %gt3A_9 = vector.broadcast %gt3A : f32 to vector<1x10000xf32>
    %gt3A_10 = arith.cmpf ogt, %broadcast_in_dim3A, %gt3A_9 : vector<1x10000xf32>
    %max3A = arith.constant 1.000000e+00 : f32
    %max3A_11 = vector.broadcast %max3A : f32 to vector<1x10000xf32>
    %max3A_12 = arith.maximumf %broadcast_in_dim3A, %max3A_11 : vector<1x10000xf32>
    %rsqrt3A = math.rsqrt %max3A_12 : vector<1x10000xf32>
    %jit3A = arith.constant 0.000000e+00 : f32
    %broadcast_in_dim3A_13 = vector.broadcast %jit3A : f32 to vector<1x10000xf32>
    %select_n3A = arith.select %gt3A_10, %rsqrt3A, %broadcast_in_dim3A_13 : vector<1x10000xi1>, vector<1x10000xf32>
    %gt3A_14 = arith.constant 0.000000e+00 : f32
    %gt3A_15 = vector.broadcast %gt3A_14 : f32 to vector<1x10000xf32>
    %gt3A_16 = arith.cmpf ogt, %broadcast_in_dim3A_8, %gt3A_15 : vector<1x10000xf32>
    %max3A_17 = arith.constant 1.000000e+00 : f32
    %max3A_18 = vector.broadcast %max3A_17 : f32 to vector<1x10000xf32>
    %max3A_19 = arith.maximumf %broadcast_in_dim3A_8, %max3A_18 : vector<1x10000xf32>
    %rsqrt3A_20 = math.rsqrt %max3A_19 : vector<1x10000xf32>
    %jit3A_21 = arith.constant 0.000000e+00 : f32
    %broadcast_in_dim3A_22 = vector.broadcast %jit3A_21 : f32 to vector<1x10000xf32>
    %select_n3A_23 = arith.select %gt3A_16, %rsqrt3A_20, %broadcast_in_dim3A_22 : vector<1x10000xi1>, vector<1x10000xf32>
    %swap3A = arith.constant 0 : index
    %swap3A_24 = arith.constant 0 : index
    %swap3A_25 = vector.load %arg4[%swap3A, %swap3A_24] : memref<1x10000xf32, #tpu.memory_space<vmem>>, vector<1x10000xf32>
    tpu.vector_store %arg4[%swap3A, %swap3A_24], %select_n3A {strides = array<i32>} : memref<1x10000xf32, #tpu.memory_space<vmem>>, vector<1x10000xf32>,
    %swap3A_26 = arith.constant 0 : index
    %swap3A_27 = arith.constant 0 : index
    %swap3A_28 = vector.load %arg5[%swap3A_26, %swap3A_27] : memref<1x10000xf32, #tpu.memory_space<vmem>>, vector<1x10000xf32>
    tpu.vector_store %arg5[%swap3A_26, %swap3A_27], %select_n3A_23 {strides = array<i32>} : memref<1x10000xf32, #tpu.memory_space<vmem>>, vector<1x10000xf32>,
    %get3A_29 = arith.constant 0 : index
    %get3A_30 = arith.constant 0 : index
    %get3A_31 = vector.load %arg0[%get3A_29, %get3A_30] : memref<10000x128xf32, #tpu.memory_space<vmem>>, vector<10000x128xf32>
    %transpose3A = tpu.transpose %get3A_31, [1, 0] : vector<10000x128xf32> -> vector<128x10000xf32>
    %mul3A = vector.broadcast %select_n3A : vector<1x10000xf32> to vector<128x10000xf32>
    %mul3A_32 = arith.mulf %transpose3A, %mul3A : vector<128x10000xf32>
    %slice3A = vector.extract_strided_slice %mul3A_32 {offsets = [0, 0], sizes = [64, 10000], strides = [1, 1]} : vector<128x10000xf32> to vector<64x10000xf32>
    %convert_element_type3A = arith.truncf %slice3A : vector<64x10000xf32> to vector<64x10000xbf16>
    %slice3A_33 = vector.extract_strided_slice %mul3A_32 {offsets = [64, 0], sizes = [64, 10000], strides = [1, 1]} : vector<128x10000xf32> to vector<64x10000xf32>
    %convert_element_type3A_34 = arith.truncf %slice3A_33 : vector<64x10000xf32> to vector<64x10000xbf16>
    %bitcast_convert_type3A = tpu.bitcast %convert_element_type3A : vector<64x10000xbf16> -> vector<64x10000xi16>
    %convert_element_type3A_35 = arith.extui %bitcast_convert_type3A : vector<64x10000xi16> to vector<64x10000xi32>
    %bitcast_convert_type3A_36 = tpu.bitcast %convert_element_type3A_34 : vector<64x10000xbf16> -> vector<64x10000xi16>
    %convert_element_type3A_37 = arith.extui %bitcast_convert_type3A_36 : vector<64x10000xi16> to vector<64x10000xi32>
    %shift_left3A = arith.constant 16 : i32
    %shift_left3A_38 = vector.broadcast %shift_left3A : i32 to vector<64x10000xi32>
    %shift_left3A_39 = arith.shli %convert_element_type3A_37, %shift_left3A_38 : vector<64x10000xi32>
    %or3A = arith.ori %convert_element_type3A_35, %shift_left3A_39 : vector<64x10000xi32>
    %bitcast_convert_type3A_40 = tpu.bitcast %or3A : vector<64x10000xi32> -> vector<64x10000xi32>
    %swap3A_41 = arith.constant 0 : index
    %swap3A_42 = arith.constant 0 : index
    %swap3A_43 = vector.load %arg3[%swap3A_41, %swap3A_42] : memref<64x10000xi32, #tpu.memory_space<vmem>>, vector<64x10000xi32>
    tpu.vector_store %arg3[%swap3A_41, %swap3A_42], %bitcast_convert_type3A_40 {strides = array<i32>} : memref<64x10000xi32, #tpu.memory_space<vmem>>, vector<64x10000xi32>,
    return
  }
}

module attributes {stable_mosaic.version = 14 : i64} {
  func.func @_tcB_body(%arg0: memref<128x10000xf32, #tpu.memory_space<vmem>>, %arg1: memref<1x10000xf32, #tpu.memory_space<vmem>>, %arg2: memref<1x10000xf32, #tpu.memory_space<vmem>>, %arg3: memref<128x128xf32, #tpu.memory_space<vmem>>, %arg4: memref<128x1xf32, #tpu.memory_space<vmem>>, %arg5: memref<64x10000xi32, #tpu.memory_space<vmem>>) attributes {dimension_semantics = [], scalar_prefetch = 0 : i64, scratch_operands = 0 : i64, tpu.core_type = #tpu.core_type<tc>} {
    %get3A = arith.constant 0 : index
    %get3A_0 = arith.constant 0 : index
    %get3A_1 = vector.load %arg0[%get3A, %get3A_0] : memref<128x10000xf32, #tpu.memory_space<vmem>>, vector<128x10000xf32>
    %get3A_2 = arith.constant 0 : index
    %get3A_3 = arith.constant 0 : index
    %get3A_4 = vector.load %arg1[%get3A_2, %get3A_3] : memref<1x10000xf32, #tpu.memory_space<vmem>>, vector<1x10000xf32>
    %mul3A = vector.broadcast %get3A_4 : vector<1x10000xf32> to vector<128x10000xf32>
    %mul3A_5 = arith.mulf %get3A_1, %mul3A : vector<128x10000xf32>
    %get3A_6 = arith.constant 0 : index
    %get3A_7 = arith.constant 0 : index
    %get3A_8 = vector.load %arg3[%get3A_6, %get3A_7] : memref<128x128xf32, #tpu.memory_space<vmem>>, vector<128x128xf32>
    %dot_general3A = arith.constant dense<0.000000e+00> : vector<128x10000xf32>
    %dot_general3A_9 = tpu.matmul %get3A_8, %mul3A_5, %dot_general3A {dimension_numbers = #tpu.dot_dimension_numbers<[0], [0], [1], [1], [0, 1, 1, 1], [], []>, transpose_lhs_hint = false} : vector<128x128xf32>, vector<128x10000xf32>, vector<128x10000xf32> -> vector<128x10000xf32>
    %get3A_10 = arith.constant 0 : index
    %get3A_11 = arith.constant 0 : index
    %get3A_12 = vector.load %arg4[%get3A_10, %get3A_11] : memref<128x1xf32, #tpu.memory_space<vmem>>, vector<128x1xf32>
    %add3A = vector.broadcast %get3A_12 : vector<128x1xf32> to vector<128x10000xf32>
    %add3A_13 = arith.addf %dot_general3A_9, %add3A : vector<128x10000xf32>
    %max3A = arith.constant 0.000000e+00 : f32
    %max3A_14 = vector.broadcast %max3A : f32 to vector<128x10000xf32>
    %max3A_15 = arith.maximumf %add3A_13, %max3A_14 : vector<128x10000xf32>
    %get3A_16 = arith.constant 0 : index
    %get3A_17 = arith.constant 0 : index
    %get3A_18 = vector.load %arg2[%get3A_16, %get3A_17] : memref<1x10000xf32, #tpu.memory_space<vmem>>, vector<1x10000xf32>
    %mul3A_19 = vector.broadcast %get3A_18 : vector<1x10000xf32> to vector<128x10000xf32>
    %mul3A_20 = arith.mulf %max3A_15, %mul3A_19 : vector<128x10000xf32>
    %slice3A = vector.extract_strided_slice %mul3A_20 {offsets = [0, 0], sizes = [64, 10000], strides = [1, 1]} : vector<128x10000xf32> to vector<64x10000xf32>
    %convert_element_type3A = arith.truncf %slice3A : vector<64x10000xf32> to vector<64x10000xbf16>
    %slice3A_21 = vector.extract_strided_slice %mul3A_20 {offsets = [64, 0], sizes = [64, 10000], strides = [1, 1]} : vector<128x10000xf32> to vector<64x10000xf32>
    %convert_element_type3A_22 = arith.truncf %slice3A_21 : vector<64x10000xf32> to vector<64x10000xbf16>
    %bitcast_convert_type3A = tpu.bitcast %convert_element_type3A : vector<64x10000xbf16> -> vector<64x10000xi16>
    %convert_element_type3A_23 = arith.extui %bitcast_convert_type3A : vector<64x10000xi16> to vector<64x10000xi32>
    %bitcast_convert_type3A_24 = tpu.bitcast %convert_element_type3A_22 : vector<64x10000xbf16> -> vector<64x10000xi16>
    %convert_element_type3A_25 = arith.extui %bitcast_convert_type3A_24 : vector<64x10000xi16> to vector<64x10000xi32>
    %shift_left3A = arith.constant 16 : i32
    %shift_left3A_26 = vector.broadcast %shift_left3A : i32 to vector<64x10000xi32>
    %shift_left3A_27 = arith.shli %convert_element_type3A_25, %shift_left3A_26 : vector<64x10000xi32>
    %or3A = arith.ori %convert_element_type3A_23, %shift_left3A_27 : vector<64x10000xi32>
    %bitcast_convert_type3A_28 = tpu.bitcast %or3A : vector<64x10000xi32> -> vector<64x10000xi32>
    %swap3A = arith.constant 0 : index
    %swap3A_29 = arith.constant 0 : index
    %swap3A_30 = vector.load %arg5[%swap3A, %swap3A_29] : memref<64x10000xi32, #tpu.memory_space<vmem>>, vector<64x10000xi32>
    tpu.vector_store %arg5[%swap3A, %swap3A_29], %bitcast_convert_type3A_28 {strides = array<i32>} : memref<64x10000xi32, #tpu.memory_space<vmem>>, vector<64x10000xi32>,
    return
  }
}

module attributes {stable_mosaic.version = 14 : i64} {
  func.func @_tcC_body(%arg0: memref<128x10000xf32, #tpu.memory_space<vmem>>, %arg1: memref<1x10000xf32, #tpu.memory_space<vmem>>, %arg2: memref<32x10000xf32, #tpu.memory_space<vmem>>, %arg3: memref<1x10000xf32, #tpu.memory_space<vmem>>, %arg4: memref<128x128xf32, #tpu.memory_space<vmem>>, %arg5: memref<128x1xf32, #tpu.memory_space<vmem>>, %arg6: memref<128x16xf32, #tpu.memory_space<vmem>>, %arg7: memref<16x1xf32, #tpu.memory_space<vmem>>, %arg8: memref<16x1xf32, #tpu.memory_space<vmem>>) attributes {dimension_semantics = [], scalar_prefetch = 0 : i64, scratch_operands = 0 : i64, tpu.core_type = #tpu.core_type<tc>} {
    %get3A = arith.constant 0 : index
    %get3A_0 = arith.constant 0 : index
    %get3A_1 = vector.load %arg0[%get3A, %get3A_0] : memref<128x10000xf32, #tpu.memory_space<vmem>>, vector<128x10000xf32>
    %get3A_2 = arith.constant 0 : index
    %get3A_3 = arith.constant 0 : index
    %get3A_4 = vector.load %arg1[%get3A_2, %get3A_3] : memref<1x10000xf32, #tpu.memory_space<vmem>>, vector<1x10000xf32>
    %mul3A = vector.broadcast %get3A_4 : vector<1x10000xf32> to vector<128x10000xf32>
    %mul3A_5 = arith.mulf %get3A_1, %mul3A : vector<128x10000xf32>
    %get3A_6 = arith.constant 0 : index
    %get3A_7 = arith.constant 0 : index
    %get3A_8 = vector.load %arg4[%get3A_6, %get3A_7] : memref<128x128xf32, #tpu.memory_space<vmem>>, vector<128x128xf32>
    %dot_general3A = arith.constant dense<0.000000e+00> : vector<128x10000xf32>
    %dot_general3A_9 = tpu.matmul %get3A_8, %mul3A_5, %dot_general3A {dimension_numbers = #tpu.dot_dimension_numbers<[0], [0], [1], [1], [0, 1, 1, 1], [], []>, transpose_lhs_hint = false} : vector<128x128xf32>, vector<128x10000xf32>, vector<128x10000xf32> -> vector<128x10000xf32>
    %get3A_10 = arith.constant 0 : index
    %get3A_11 = arith.constant 0 : index
    %get3A_12 = vector.load %arg5[%get3A_10, %get3A_11] : memref<128x1xf32, #tpu.memory_space<vmem>>, vector<128x1xf32>
    %add3A = vector.broadcast %get3A_12 : vector<128x1xf32> to vector<128x10000xf32>
    %add3A_13 = arith.addf %dot_general3A_9, %add3A : vector<128x10000xf32>
    %max3A = arith.constant 0.000000e+00 : f32
    %max3A_14 = vector.broadcast %max3A : f32 to vector<128x10000xf32>
    %max3A_15 = arith.maximumf %add3A_13, %max3A_14 : vector<128x10000xf32>
    %get3A_16 = arith.constant 0 : index
    %get3A_17 = arith.constant 0 : index
    %get3A_18 = vector.load %arg3[%get3A_16, %get3A_17] : memref<1x10000xf32, #tpu.memory_space<vmem>>, vector<1x10000xf32>
    %get3A_19 = arith.constant 0 : index
    %get3A_20 = arith.constant 0 : index
    %get3A_21 = vector.load %arg2[%get3A_19, %get3A_20] : memref<32x10000xf32, #tpu.memory_space<vmem>>, vector<32x10000xf32>
    %reduce_sum3A = arith.constant dense<0.000000e+00> : vector<10000xf32>
    %reduce_sum3A_22 = vector.multi_reduction <add>, %get3A_21, %reduce_sum3A [0] : vector<32x10000xf32> to vector<10000xf32>
    %broadcast_in_dim3A = vector.shape_cast %reduce_sum3A_22 : vector<10000xf32> to vector<1x10000xf32>
    %mul3A_23 = arith.mulf %get3A_18, %broadcast_in_dim3A : vector<1x10000xf32>
    %dot_general3A_24 = arith.constant dense<0.000000e+00> : vector<128x1xf32>
    %dot_general3A_25 = tpu.matmul %max3A_15, %mul3A_23, %dot_general3A_24 {dimension_numbers = #tpu.dot_dimension_numbers<[1], [1], [0], [0], [0, 0, 1, 0], [], []>, transpose_lhs_hint = false} : vector<128x10000xf32>, vector<1x10000xf32>, vector<128x1xf32> -> vector<128x1xf32>
    %mul3A_26 = arith.constant 9.99999974E-5 : f32
    %mul3A_27 = vector.broadcast %mul3A_26 : f32 to vector<128x1xf32>
    %mul3A_28 = arith.mulf %dot_general3A_25, %mul3A_27 : vector<128x1xf32>
    %get3A_29 = arith.constant 0 : index
    %get3A_30 = arith.constant 0 : index
    %get3A_31 = vector.load %arg6[%get3A_29, %get3A_30] : memref<128x16xf32, #tpu.memory_space<vmem>>, vector<128x16xf32>
    %dot_general3A_32 = arith.constant dense<0.000000e+00> : vector<16x1xf32>
    %dot_general3A_33 = tpu.matmul %get3A_31, %mul3A_28, %dot_general3A_32 {dimension_numbers = #tpu.dot_dimension_numbers<[0], [0], [1], [1], [0, 1, 1, 1], [], []>, transpose_lhs_hint = false} : vector<128x16xf32>, vector<128x1xf32>, vector<16x1xf32> -> vector<16x1xf32>
    %get3A_34 = arith.constant 0 : index
    %get3A_35 = arith.constant 0 : index
    %get3A_36 = vector.load %arg7[%get3A_34, %get3A_35] : memref<16x1xf32, #tpu.memory_space<vmem>>, vector<16x1xf32>
    %add3A_37 = arith.addf %dot_general3A_33, %get3A_36 : vector<16x1xf32>
    %reduce_max3A = arith.constant dense<0xFF800000> : vector<1xf32>
    %reduce_max3A_38 = vector.multi_reduction <maximumf>, %add3A_37, %reduce_max3A [0] : vector<16x1xf32> to vector<1xf32>
    %broadcast_in_dim3A_39 = vector.shape_cast %reduce_max3A_38 : vector<1xf32> to vector<1x1xf32>
    %sub3A = vector.broadcast %broadcast_in_dim3A_39 : vector<1x1xf32> to vector<16x1xf32>
    %sub3A_40 = arith.subf %add3A_37, %sub3A : vector<16x1xf32>
    %exp3A = math.exp %sub3A_40 : vector<16x1xf32>
    %reduce_sum3A_41 = arith.constant dense<0.000000e+00> : vector<1xf32>
    %reduce_sum3A_42 = vector.multi_reduction <add>, %exp3A, %reduce_sum3A_41 [0] : vector<16x1xf32> to vector<1xf32>
    %broadcast_in_dim3A_43 = vector.shape_cast %reduce_sum3A_42 : vector<1xf32> to vector<1x1xf32>
    %div3A = vector.broadcast %broadcast_in_dim3A_43 : vector<1x1xf32> to vector<16x1xf32>
    %div3A_44 = arith.divf %exp3A, %div3A : vector<16x1xf32>
    %swap3A = arith.constant 0 : index
    %swap3A_45 = arith.constant 0 : index
    %swap3A_46 = vector.load %arg8[%swap3A, %swap3A_45] : memref<16x1xf32, #tpu.memory_space<vmem>>, vector<16x1xf32>
    tpu.vector_store %arg8[%swap3A, %swap3A_45], %div3A_44 {strides = array<i32>} : memref<16x1xf32, #tpu.memory_space<vmem>>, vector<16x1xf32>,
    return
  }
}

</mosaic_0001>

<sc_bundles>
// kernel: kernel.11.cloned.1.call-start
scs
__scs_entry_jumppad:
0x0: {  	(pc) =	sbr.rel $0x88, $3  }
0x1: {  	(tag) =	ssettag $0x0;
	lr =	simm.s32 $0x1  }
0x2: {  	[smem:$0x3F99] =	sst lr;
	_ =	strace $0xD0000000  }
0x3: {  	_ = 	snop  }
0x4: {  	_ = 	snop  }
0x5: {  	_ = 	snop  }
0x6: {  	_ = 	snop  }
0x7: {  	_ = 	snop  }
__scs_overlays_trampoline_lowered:
0x8: {  	[smem:$0x3FA8] =	sst s0  }
0x9: {  	[smem:$0x3FA9] =	sst s1  }
0xa: {  	[smem:$0x3FAA] =	sst s2  }
0xb: {  	[smem:$0x3FAB] =	sst s3  }
0xc: {  	[smem:$0x3FAC] =	sst s4  }
0xd: {  	[smem:$0x3FAD] =	sst s5  }
0xe: {  	[smem:$0x3FAE] =	sst s6  }
0xf: {  	[smem:$0x3FAF] =	sst s7  }
0x10: {  	[smem:$0x3FB0] =	sst s8  }
0x11: {  	[smem:$0x3FB1] =	sst s9;
	s0 =	simm.s32 @!p0 $0x0  }
0x12: {  	s1 =	sld [smem:$0x3F97];
	s0 =	simm.s32 @p0 $0x1  }
0x13: {  	[smem:$0x3FB2] =	sst s0;
	s0 =	simm.s32 @!p1 $0x0  }
0x14: {  	s2 =	sld [smem:$0x3F96];
	s0 =	simm.s32 @p1 $0x1  }
0x15: {  	[smem:$0x3FB3] =	sst s0;
	s0 =	simm.s32 @!p2 $0x0  }
0x16: {  	s3 =	sld [smem:$0x3FDB];
	s0 =	simm.s32 @p2 $0x1  }
0x17: {  	s4 =	simm.s32 $0x1BF5;
	[smem:$0x3FB5] =	sst s0  }
0x18: {  	s0 =	sld [smem:$0x3F98];
	_ =	swait.ge [sflag:s4], $0x0  }
0x19: {  	s7 =	sld [smem:$0x3F99]  }
0x1a: {  	s8 =	sadd.s32 $0xFFFFE003, lr  }
0x1b: {  	s9 =	sadd.s32 $0xFFFFFEF7, lr;
	s5 =	simm.s32 $0xFFFFFFFF;
	p2 =	slt.u32 s8, $0xFFFFF086  }
0x1c: {  	p1 =	slt.u32 s9, $0xF7A;
	s5 =	simm.s32 @!p2 $0x0  }
0x1d: {  	s5 =	simm.s32 @p1 $0x1;
	p0 =	seq.s32 s7, s2  }
0x1e: {  	s7 =	smul.u32 @!p0 $0xF7A, s2;
	p2 =	seq.s32 @!p0 s5, $0x0  }
0x1f: {  	s9 =	smul.u32 $0xF7A, s1;
	s8 =	simm.s32 @!p0 $0x1BF5;
	p2 =	por !p2, p0  }
0x20: {  	[sflag:s8] =	ssyncset.s32 @!p0 $0xFFFFF086;
	s6 =	sadd.s32 @!p0 s3, s7;
	s7 =	simm.s32 @!p0 $0x108  }
0x21: {  	s3 =	sadd.s32 s3, s9;
	s6 =	sadd.s32 @!p0 $0x88, s6;
	s7 =	simm.s32 @p2 $0x1082  }
0x22: {  	[simem:s7], [sflag:s8] =	dma.local @!p0 [hbm:s6], $0xF7A  }
0x23: {  	s9 =	sor.u32 $0xD0000000, s2;
	s6 =	simm.s32 $0x108;
	_ =	swait.ge @!p0 [sflag:s8], $0x0  }
0x24: {  	s3 =	sadd.s32 $0x88, s3;
	s6 =	simm.s32 @!p1 $0x1082;
	[sflag:s4] =	ssyncset.s32 $0xFFFFF086  }
0x25: {  	[simem:s6], [sflag:s4] =	dma.local [hbm:s3], $0xF7A  }
0x26: {  	[smem:$0x3F99] =	sst s1;
	(tag) =	ssettag s2;
	_ =	strace s9  }
0x27: {  	s1 =	sld [smem:$0x3FA9]  }
0x28: {  	s2 =	sld [smem:$0x3FAA]  }
0x29: {  	s4 =	sld [smem:$0x3FAC]  }
0x2a: {  	p0 =	seq.s32 s5, $0x0;
	s5 =	sld [smem:$0x3FAD]  }
0x2b: {  	s6 =	sld [smem:$0x3FAE]  }
0x2c: {  	s7 =	sld [smem:$0x3FAF]  }
0x2d: {  	s3 =	simm.s32 $0x108;
	s8 =	sld [smem:$0x3FB0]  }
0x2e: {  	s3 =	simm.s32 @!p0 $0x1082;
	s9 =	sld [smem:$0x3FB1]  }
0x2f: {  	lr =	sadd.s32 s0, s3;
	s0 =	sld [smem:$0x3FA8]  }
0x30: {  	s3 =	sld [smem:$0x3FAB]  }
0x31: {  	[smem:$0x3FB4] =	sst s10  }
0x32: {  	s10 =	sld [smem:$0x3FB2];
	_ =	sdelay $0x3  }
0x33: {  	p0 =	seq.s32 s10, $0x1;
	s10 =	sld [smem:$0x3FB4];
	_ =	sdelay $0x3  }
0x34: {  	[smem:$0x3FB4] =	sst s10  }
0x35: {  	s10 =	sld [smem:$0x3FB3];
	_ =	sdelay $0x3  }
0x36: {  	p1 =	seq.s32 s10, $0x1;
	s10 =	sld [smem:$0x3FB4];
	_ =	sdelay $0x3  }
0x37: {  	[smem:$0x3FB4] =	sst s10  }
0x38: {  	s10 =	sld [smem:$0x3FB5]  }
0x39: {  	_ = 	snop;
	(pc) =	sbr.ind lr, $3  }
0x3a: {  	_ = 	snop  }
0x3b: {  	_ = 	snop  }
0x3c: {  	p2 =	seq.s32 s10, $0x1;
	s10 =	sld [smem:$0x3FB4]  }
0x3d: {  	_ =	shalt  }
0x3e: {  	_ =	shalt  }
0x3f: {  	_ =	shalt  }
0x40: {  	_ =	shalt  }
0x41: {  	_ =	shalt  }
0x42: {  	_ =	shalt  }
0x43: {  	_ =	shalt  }
0x44: {  	_ =	shalt  }
0x45: {  	_ =	shalt  }
0x46: {  	_ =	shalt  }
0x47: {  	_ =	shalt  }
0x48: {  	_ =	shalt  }
0x49: {  	_ =	shalt  }
0x4a: {  	_ =	shalt  }
0x4b: {  	_ =	shalt  }
0x4c: {  	_ =	shalt  }
0x4d: {  	_ =	shalt  }
0x4e: {  	_ =	shalt  }
0x4f: {  	_ =	shalt  }
0x50: {  	_ =	shalt  }
0x51: {  	_ =	shalt  }
0x52: {  	_ =	shalt  }
0x53: {  	_ =	shalt  }
0x54: {  	_ =	shalt  }
0x55: {  	_ =	shalt  }
0x56: {  	_ =	shalt  }
0x57: {  	_ =	shalt  }
0x58: {  	_ =	shalt  }
0x59: {  	_ =	shalt  }
0x5a: {  	_ =	shalt  }
0x5b: {  	_ =	shalt  }
0x5c: {  	_ =	shalt  }
0x5d: {  	_ =	shalt  }
0x5e: {  	_ =	shalt  }
0x5f: {  	_ =	shalt  }
0x60: {  	_ =	shalt  }
0x61: {  	_ =	shalt  }
0x62: {  	_ =	shalt  }
0x63: {  	_ =	shalt  }
0x64: {  	_ =	shalt  }
0x65: {  	_ =	shalt  }
0x66: {  	_ =	shalt  }
0x67: {  	_ =	shalt  }
0x68: {  	_ =	shalt  }
0x69: {  	_ =	shalt  }
0x6a: {  	_ =	shalt  }
0x6b: {  	_ =	shalt  }
0x6c: {  	_ =	shalt  }
0x6d: {  	_ =	shalt  }
0x6e: {  	_ =	shalt  }
0x6f: {  	_ =	shalt  }
0x70: {  	_ =	shalt  }
0x71: {  	_ =	shalt  }
0x72: {  	_ =	shalt  }
0x73: {  	_ =	shalt  }
0x74: {  	_ =	shalt  }
0x75: {  	_ =	shalt  }
0x76: {  	_ =	shalt  }
0x77: {  	_ =	shalt  }
0x78: {  	_ =	shalt  }
0x79: {  	_ =	shalt  }
0x7a: {  	_ =	shalt  }
0x7b: {  	_ =	shalt  }
0x7c: {  	_ =	shalt  }
0x7d: {  	_ =	shalt  }
0x7e: {  	_ =	shalt  }
0x7f: {  	_ =	shalt  }
0x80: {  	_ =	shalt  }
0x81: {  	_ =	shalt  }
0x82: {  	_ =	shalt  }
0x83: {  	_ =	shalt  }
0x84: {  	_ =	shalt  }
0x85: {  	_ =	shalt  }
0x86: {  	_ =	shalt  }
0x87: {  	_ =	shalt  }
.Lfunc_end0:
.L_simem_size_0:
called_computation.1_lowered:
.L_overlay_start_0:
0x88: {  	s2 =	sld [smem:$0x3FD9]  }
0x89: {  	s3 =	sld [smem:$0x3FFE];
	_ =	sdelay $0x1  }
0x8a: {  	s1 =	srdreg.scid  }
0x8b: {  	s0 =	sand.u32 $0x1, s1  }
0x8c: {  	s16 =	sshll.u32 s0, $0xA;
	s2 =	sadd.s32 s3, s2  }
0x8d: {  	s2 =	sadd.s32 s2, s16  }
0x8e: {  	[smem:$0x3FC0] =	sst s2  }
0x8f: {  	_ = 	snop  }
0x90: {  	(tm) =	ssettm $0x1  }
0x91: {  	s17 =	sld [smem:$0x3FFB];
	_ =	sdelay $0x3  }
0x92: {  	_ =	strace s17  }
0x93: {  	s2 =	sld [smem:$0x3FFC];
	_ =	sdelay $0x3  }
0x94: {  	_ =	strace s2  }
0x95: {  	s2 =	sld [smem:$0x3FFD];
	_ =	sdelay $0x3  }
0x96: {  	_ =	strace s2  }
0x97: {  	_ =	strace $0x8FFFFFFF  }
0x98: {  	s18 =	sld [smem:$0x3FDB];
	_ =	sdelay $0x1  }
0x99: {  	s19 =	simm.s32 $_scs_section_size  }
0x9a: {  	s4 =	simm.s32 $_size__tile_overlayer_lowered;
	s5 =	simm.s32 $_tile_overlayer_lowered  }
0x9b: {  	s22 =	simm.s32 $0x1BFF;
	s21 =	sshll.u32 s5, $0x1;
	s2 =	sadd.s32 s19, s18  }
0x9c: {  	s6 =	simm.s32 $0x0;
	s20 =	sshll.u32 s4, $0x1;
	s4 =	sadd.s32 s21, s2  }
0x9d: {  	[timem:s6], [sflag:s22] =	dma.local [hbm:s4], s20  }
0x9e: {  	_ =	swait.ge [sflag:s22], s20  }
0x9f: {  	s3 =	ssub.s32 $0x0, s20;
	[sflag:s22] =	ssyncset.done $0x0  }
0xa0: {  	[sflag:s22] =	ssyncadd.s32 s3;
	_ =	sdelay $0x1  }
0xa1: {  	s23 =	simm.s32 $0x1B8B  }
0xa2: {  	_ =	swait.ge [sflag:s23], $0x1  }
0xa3: {  	[sflag:s23] =	ssyncset.done $0x0  }
0xa4: {  	s25 =	simm.s32 $0x1B8E;
	s24 =	sld [smem:$0x3FFE];
	[sflag:s23] =	ssyncadd.s32 $0xFFFFFFFF  }
0xa5: {  	s26 =	simm.s32 $execute0_lowered;
	[smem:$0x3FD2] =	sst s25  }
0xa6: {  	s4 =	sshll.u32 s26, $0x1;
	_ =	strace $0x80000049;
	[dreg:$0x1] =	wrdreg $0xFFFFFFFF  }
0xa7: {  	s28 =	simm.s32 $_size_execute0_lowered;
	s2 =	sadd.s32 s2, s4;
	[dreg:$0x0] =	wrdreg $0x0  }
0xa8: {  	s4 =	sshll.u32 s28, $0x1;
	[dreg:$0x2] =	wrdreg s2  }
0xa9: {  	[dreg:$0x3] =	wrdreg s4  }
0xaa: {  	[dreg:$0x4] =	wrdreg $0xC0  }
0xab: {  	_ =	task [dreg:s6], $0x5FFFF  }
0xac: {  	[dreg:$0x1] =	wrdreg $0xFFFFFFFF  }
0xad: {  	[dreg:$0x0] =	wrdreg $0x60  }
0xae: {  	[dreg:$0x2] =	wrdreg s24  }
0xaf: {  	[dreg:$0x3] =	wrdreg $0x9  }
0xb0: {  	_ =	task.clear_ibuf [dreg:s6], $0x4FFFF;
	_ =	strace $0x90000049  }
0xb1: {  	s29 =	simm.s32 $0x9;
	_ =	strace $0x8000004B  }
0xb2: {  	_ =	swait.ge [sflag:s29], $0x1  }
0xb3: {  	[sflag:s29] =	ssyncadd.s32 $0xFFFFFFFF  }
0xb4: {  	_ =	strace $0x9000004B  }
0xb5: {  	_ =	sfence  }
0xb6: {  	s30 =	sld [smem:$0x0];
	_ =	sdelay $0x2  }
0xb7: {  	s31 =	sshll.u32 s1, $0xD;
	s1 =	sshrl.u32 s1, $0x2  }
0xb8: {  	s3 =	sand.u32 $0x4000, s31;
	s1 =	sadd.s32 s1, s30  }
0xb9: {  	s0 =	sor.u32 s3, s0;
	s1 =	sshll.u32 s1, $0x11  }
0xba: {  	s0 =	sor.u32 s1, s0  }
0xbb: {  	s0 =	sadd.s32 $0x8F2B, s0  }
0xbc: {  	[sflag:s0] =	ssyncadd.remote.s32 $0x1  }
0xbd: {  	_ =	sfence.sel $0xFFFF  }
0xbe: {  	[dreg:$0x0] =	wrdreg $0xFFFFFFFF;
	(pc) =	sbr.abs _section_cstart, $3  }
0xbf: {  	[dreg:$0x1] =	wrdreg $0xFFFFFFFF  }
0xc0: {  	_ =	task.clear_ibuf [dreg:s6], $0x2FFFF;
	_ =	strace $0x9FFFFFFF  }
0xc1: {  	(tm) =	ssettm $0x7FFFFFFF  }
tec
execute0_lowered:
.L_overlay_start_1:
0x0: {  	(tag) =	ssettag $0x1  }
0x1: {  	s0 =	rddreg [dreg:$0x0]  }
0x2: {  	s2 =	simm.s32 $0x0;
	s1 =	srdreg.scid;
	s3 =	stileid.u32  }
0x3: {  	s15 =	simm.s32 $0x3;
	s16 =	simm.s32 $0x2710;
	s17 =	simm.s32 $0x109A0  }
0x4: {  	s18 =	simm.s32 $0xEA60;
	s19 =	simm.s32 $0xFA00;
	s20 =	simm.s32 $0x1  }
0x5: {  	s21 =	simm.s32 $0x4E20;
	s22 =	simm.s32 $0x7530;
	s23 =	simm.s32 $0x9C40  }
0x6: {  	s24 =	simm.s32 $0xC350;
	s25 =	simm.s32 $0x130B0;
	s26 =	simm.s32 $0x2  }
0x7: {  	s28 =	simm.s32 $0x0;
	s1 =	sand.u32 $0x1, s1;
	s3 =	sshll.u32 s3, $0x1  }
0x8: {  	[smem:$0x7FF] =	sst s2;
	s7 =	sadd.s32 $0x2400, s0;
	s3 =	sor.u32 s1, s3  }
0x9: {  	s4 =	sadd.s32 $0x29A00, s0;
	s5 =	sadd.s32 $0x15E00, s0;
	s6 =	smul.u32 $0x4E20, s3  }
0xa: {  	s11 =	sadd.s32 $0x33800, s0;
	s1 =	ssub.s32 $0x2, s1;
	s8 =	smul.u32 $0x4E2, s3  }
0xb: {  	_ =	strace $0x8000004A;
	s9 =	smul.u32 $0x9C4, s3;
	s30 =	sshrl.u32 s1, $0x1  }
.Ltmp0:
0xc: {  	s1 =	ssub.s32 s1, s30;
	s10 =	sshrl.u32 s6, $0x3;
	(pc) =	sbr.rel .LBB2_1-.Ltmp0, $4  }
0xd: {  	s13 =	sadd.s32 s8, s0;
	s6 =	sadd.s32 s7, s9;
	s8 =	sadd.s32 $0x29BF4, s0  }
0xe: {  	s9 =	sadd.s32 s11, s9;
	s14 =	smax.u32 s1, $0x1;
	s12 =	sadd.s32 $0x4E2, s10  }
0xf: {  	s31 =	sadd.s32 s11, s10;
	s13 =	sadd.s32 $0x16400, s13;
	s7 =	sadd.s32 s7, s12  }
0x10: {  	v0 =	vimm.f32 $0.0e+00;
	s10 =	sadd.s32 $0x13880, s31;
	s11 =	sadd.s32 s11, s12;
	s12 =	sadd.s32 $0x13D62, s31  }
.LBB2_27:
0x11: {  	[hbm4b:s9+s2] =	stream.linear.scatter [tilespmem:s21], [sflag:$0x3], $0x2710, $0x38;
	[tilespmem:$0x157C0] =	vst v63  }
0x12: {  	_ =	swait.ge [sflag:s15], $0x2710  }
0x13: {  	[sflag:s15] =	ssyncset.done $0x0  }
0x14: {  	[sflag:s15] =	ssyncadd.s32 $0xFFFFD8F0  }
0x15: {  	[hbm4b:s10+s2] =	stream.linear.scatter [tilespmem:s22], [sflag:$0x3], $0x2710, $0x38;
	[tilespmem:$0x157C0] =	vst v63  }
0x16: {  	_ =	swait.ge [sflag:s15], $0x2710  }
0x17: {  	[sflag:s15] =	ssyncset.done $0x0  }
0x18: {  	[sflag:s15] =	ssyncadd.s32 $0xFFFFD8F0  }
0x19: {  	[hbm4b:s11+s2] =	stream.linear.scatter [tilespmem:s23], [sflag:$0x3], $0x2710, $0x38;
	[tilespmem:$0x157C0] =	vst v63  }
0x1a: {  	_ =	swait.ge [sflag:s15], $0x2710  }
0x1b: {  	[sflag:s15] =	ssyncset.done $0x0  }
0x1c: {  	[sflag:s15] =	ssyncadd.s32 $0xFFFFD8F0  }
0x1d: {  	[hbm4b:s12+s2] =	stream.linear.scatter [tilespmem:s24], [sflag:$0x3], $0x2710, $0x38;
	[tilespmem:$0x157C0] =	vst v63  }
0x1e: {  	s28 =	sadd.s32 $0x1, s28;
	_ =	swait.ge [sflag:s15], $0x2710  }
0x1f: {  	p0 =	sne.s32 s28, s14;
	[sflag:s15] =	ssyncset.done $0x0  }
.Ltmp1:
0x20: {  	[sflag:s15] =	ssyncadd.s32 $0xFFFFD8F0;
	(pc) =	sbr.rel @!p0 .LBB2_28-.Ltmp1, $4  }
0x21: {  	[hbm4b:s13+s2] =	stream.linear.scatter [tilespmem:s25], [sflag:$0x3], $0x2710, $0x38;
	[tilespmem:$0x157C0] =	vst v63  }
0x22: {  	_ =	swait.ge [sflag:s15], $0x2710  }
0x23: {  	[sflag:s15] =	ssyncset.done $0x0  }
0x24: {  	[sflag:s15] =	ssyncadd.s32 $0xFFFFD8F0  }
.LBB2_1:
0x25: {  	[tilespmem:s2], [sflag:$0x3] =	stream.linear.gather [hbm4b:s6+s2], $0x2710, $0x38;
	[tilespmem:$0x157C0] =	vst v63  }
0x26: {  	_ =	swait.ge [sflag:s15], $0x2710  }
0x27: {  	[sflag:s15] =	ssyncset.done $0x0  }
0x28: {  	[sflag:s15] =	ssyncadd.s32 $0xFFFFD8F0  }
0x29: {  	[tilespmem:s16], [sflag:$0x3] =	stream.linear.gather [hbm4b:s7+s2], $0x2710, $0x38;
	[tilespmem:$0x157C0] =	vst v63  }
0x2a: {  	_ =	swait.ge [sflag:s15], $0x2710  }
0x2b: {  	[sflag:s15] =	ssyncset.done $0x0  }
0x2c: {  	[sflag:s15] =	ssyncadd.s32 $0xFFFFD8F0  }
0x2d: {  	[tilespmem:s17], [sflag:$0x3] =	stream.linear.gather [hbm4b:s5+s2], $0x2710, $0x38;
	[tilespmem:$0x157C0] =	vst v63  }
0x2e: {  	_ =	swait.ge [sflag:s15], $0x2710  }
0x2f: {  	[sflag:s15] =	ssyncset.done $0x0  }
0x30: {  	s0 =	simm.s32 $0x130F0;
	[sflag:s15] =	ssyncadd.s32 $0xFFFFD8F0  }
0x31: {  	[tilespmem:s0+$0xFFFFFFC0] =	vst v0  }
0x32: {  	[tilespmem:s0+$0x30] =	vst v0  }
0x33: {  	[tilespmem:s0+$0x20] =	vst v0  }
0x34: {  	[tilespmem:s0+$0x10] =	vst v0  }
0x35: {  	[tilespmem:s0+$0x0] =	vst v0  }
0x36: {  	[tilespmem:s0+$0xFFFFFFF0] =	vst v0  }
0x37: {  	s1 =	simm.s32 $0x0;
	[tilespmem:s0+$0xFFFFFFE0] =	vst v0  }
.LBB2_2:
0x38: {  	s1 =	sadd.s32 $0x8, s1;
	[tilespmem:s0+$0xFFFFFFD0] =	vst v0;
	s0 =	sadd.s32 $0x80, s0  }
0x39: {  	[tilespmem:s0+$0xFFFFFFC0] =	vst v0;
	p0 =	slt.u32 s1, $0x268  }
0x3a: {  	[tilespmem:s0+$0x30] =	vst v0  }
.Ltmp2:
0x3b: {  	[tilespmem:s0+$0x20] =	vst v0;
	(pc) =	sbr.rel @p0 .LBB2_2-.Ltmp2, $4  }
0x3c: {  	[tilespmem:s0+$0x10] =	vst v0  }
0x3d: {  	[tilespmem:s0+$0x0] =	vst v0  }
0x3e: {  	[tilespmem:s0+$0xFFFFFFF0] =	vst v0  }
0x3f: {  	[tilespmem:s0+$0xFFFFFFE0] =	vst v0  }
0x40: {  	[tilespmem:s0+$0xFFFFFFD0] =	vst v0  }
0x41: {  	s0 =	simm.s32 $0x4E60;
	[tilespmem:$0x157B0] =	vst v0  }
0x42: {  	[tilespmem:s0+$0xFFFFFFC0] =	vst v0  }
0x43: {  	[tilespmem:s0+$0x30] =	vst v0  }
0x44: {  	[tilespmem:s0+$0x20] =	vst v0  }
0x45: {  	[tilespmem:s0+$0x10] =	vst v0  }
0x46: {  	[tilespmem:s0+$0x0] =	vst v0  }
0x47: {  	[tilespmem:s0+$0xFFFFFFF0] =	vst v0  }
0x48: {  	s1 =	simm.s32 $0x0;
	[tilespmem:s0+$0xFFFFFFE0] =	vst v0  }
.LBB2_4:
0x49: {  	s1 =	sadd.s32 $0x8, s1;
	[tilespmem:s0+$0xFFFFFFD0] =	vst v0;
	s0 =	sadd.s32 $0x80, s0  }
0x4a: {  	[tilespmem:s0+$0xFFFFFFC0] =	vst v0;
	p0 =	slt.u32 s1, $0x268  }
0x4b: {  	[tilespmem:s0+$0x30] =	vst v0  }
.Ltmp3:
0x4c: {  	[tilespmem:s0+$0x20] =	vst v0;
	(pc) =	sbr.rel @p0 .LBB2_4-.Ltmp3, $4  }
0x4d: {  	[tilespmem:s0+$0x10] =	vst v0  }
0x4e: {  	[tilespmem:s0+$0x0] =	vst v0  }
0x4f: {  	[tilespmem:s0+$0xFFFFFFF0] =	vst v0  }
0x50: {  	[tilespmem:s0+$0xFFFFFFE0] =	vst v0  }
0x51: {  	[tilespmem:s0+$0xFFFFFFD0] =	vst v0  }
0x52: {  	s0 =	simm.s32 $0x7570;
	[tilespmem:$0x7520] =	vst v0  }
0x53: {  	[tilespmem:s0+$0xFFFFFFC0] =	vst v0  }
0x54: {  	[tilespmem:s0+$0x30] =	vst v0  }
0x55: {  	[tilespmem:s0+$0x20] =	vst v0  }
0x56: {  	[tilespmem:s0+$0x10] =	vst v0  }
0x57: {  	[tilespmem:s0+$0x0] =	vst v0  }
0x58: {  	[tilespmem:s0+$0xFFFFFFF0] =	vst v0  }
0x59: {  	s1 =	simm.s32 $0x0;
	[tilespmem:s0+$0xFFFFFFE0] =	vst v0  }
.LBB2_6:
0x5a: {  	s1 =	sadd.s32 $0x8, s1;
	[tilespmem:s0+$0xFFFFFFD0] =	vst v0;
	s0 =	sadd.s32 $0x80, s0  }
0x5b: {  	[tilespmem:s0+$0xFFFFFFC0] =	vst v0;
	p0 =	slt.u32 s1, $0x268  }
0x5c: {  	[tilespmem:s0+$0x30] =	vst v0  }
.Ltmp4:
0x5d: {  	[tilespmem:s0+$0x20] =	vst v0;
	(pc) =	sbr.rel @p0 .LBB2_6-.Ltmp4, $4  }
0x5e: {  	[tilespmem:s0+$0x10] =	vst v0  }
0x5f: {  	[tilespmem:s0+$0x0] =	vst v0  }
0x60: {  	[tilespmem:s0+$0xFFFFFFF0] =	vst v0  }
0x61: {  	[tilespmem:s0+$0xFFFFFFE0] =	vst v0  }
0x62: {  	[tilespmem:s0+$0xFFFFFFD0] =	vst v0  }
0x63: {  	s0 =	simm.s32 $0x9C80;
	[tilespmem:$0x9C30] =	vst v0  }
0x64: {  	[tilespmem:s0+$0xFFFFFFC0] =	vst v0  }
0x65: {  	[tilespmem:s0+$0x30] =	vst v0  }
0x66: {  	[tilespmem:s0+$0x20] =	vst v0  }
0x67: {  	[tilespmem:s0+$0x10] =	vst v0  }
0x68: {  	[tilespmem:s0+$0x0] =	vst v0  }
0x69: {  	[tilespmem:s0+$0xFFFFFFF0] =	vst v0  }
0x6a: {  	s1 =	simm.s32 $0x0;
	[tilespmem:s0+$0xFFFFFFE0] =	vst v0  }
.LBB2_8:
0x6b: {  	s1 =	sadd.s32 $0x8, s1;
	[tilespmem:s0+$0xFFFFFFD0] =	vst v0;
	s0 =	sadd.s32 $0x80, s0  }
0x6c: {  	[tilespmem:s0+$0xFFFFFFC0] =	vst v0;
	p0 =	slt.u32 s1, $0x268  }
0x6d: {  	[tilespmem:s0+$0x30] =	vst v0  }
.Ltmp5:
0x6e: {  	[tilespmem:s0+$0x20] =	vst v0;
	(pc) =	sbr.rel @p0 .LBB2_8-.Ltmp5, $4  }
0x6f: {  	[tilespmem:s0+$0x10] =	vst v0  }
0x70: {  	[tilespmem:s0+$0x0] =	vst v0  }
0x71: {  	[tilespmem:s0+$0xFFFFFFF0] =	vst v0  }
0x72: {  	[tilespmem:s0+$0xFFFFFFE0] =	vst v0  }
0x73: {  	[tilespmem:s0+$0xFFFFFFD0] =	vst v0  }
0x74: {  	s0 =	simm.s32 $0xC390;
	[tilespmem:$0xC340] =	vst v0  }
0x75: {  	[tilespmem:s0+$0xFFFFFFC0] =	vst v0  }
0x76: {  	[tilespmem:s0+$0x30] =	vst v0  }
0x77: {  	[tilespmem:s0+$0x20] =	vst v0  }
0x78: {  	[tilespmem:s0+$0x10] =	vst v0  }
0x79: {  	[tilespmem:s0+$0x0] =	vst v0  }
0x7a: {  	[tilespmem:s0+$0xFFFFFFF0] =	vst v0  }
0x7b: {  	s1 =	simm.s32 $0x0;
	[tilespmem:s0+$0xFFFFFFE0] =	vst v0  }
.LBB2_10:
0x7c: {  	s1 =	sadd.s32 $0x8, s1;
	[tilespmem:s0+$0xFFFFFFD0] =	vst v0;
	s0 =	sadd.s32 $0x80, s0  }
0x7d: {  	[tilespmem:s0+$0xFFFFFFC0] =	vst v0;
	p0 =	slt.u32 s1, $0x268  }
0x7e: {  	[tilespmem:s0+$0x30] =	vst v0  }
.Ltmp6:
0x7f: {  	[tilespmem:s0+$0x20] =	vst v0;
	(pc) =	sbr.rel @p0 .LBB2_10-.Ltmp6, $4  }
0x80: {  	[tilespmem:s0+$0x10] =	vst v0  }
0x81: {  	[tilespmem:s0+$0x0] =	vst v0  }
0x82: {  	[tilespmem:s0+$0xFFFFFFF0] =	vst v0  }
0x83: {  	[tilespmem:s0+$0xFFFFFFE0] =	vst v0  }
.Ltmp7:
0x84: {  	[tilespmem:s0+$0xFFFFFFD0] =	vst v0;
	(pc) =	sbr.rel .LBB2_12-.Ltmp7, $4  }
0x85: {  	s29 =	simm.s32 $0x0;
	[tilespmem:$0xEA50] =	vst v0  }
0x86: {  	[tilespmem:s18], [sflag:$0x1] =	stream.linear.gather [hbm4b:s4+s29], $0xFA0, $0x38;
	[tilespmem:$0x157C0] =	vst v63  }
0x87: {  	_ = 	snop  }
0x88: {  	[tilespmem:s19], [sflag:$0x2] =	stream.linear.gather [hbm4b:s8+s29], $0xFA0, $0x38;
	[tilespmem:$0x157C0] =	vst v63  }
.LBB2_25:
0x89: {  	_ =	sdelay $0x3  }
0x8a: {  	[tilespmem:v3+s22+$0x0] =	vst.idx.add.f32.msk $0xffff, v12  }
0x8b: {  	[tilespmem:v5+s21+$0x0] =	vst.idx.add.f32.msk $0xffff, v11  }
0x8c: {  	[tilespmem:v1+s23+$0x0] =	vst.idx.add.f32.msk $0xffff, v8  }
0x8d: {  	v4 =	vld.idx.msk [tilespmem:v4+s16+$0x0], $0xffff  }
0x8e: {  	[tilespmem:v5+s22+$0x0] =	vst.idx.add.f32.msk $0xffff, v9  }
0x8f: {  	v59 =	vshll.u32 v10, $0x10;
	v2 =	vld.idx.msk [tilespmem:v2+s16+$0x0], $0xffff  }
0x90: {  	[tilespmem:v6+s23+$0x0] =	vst.idx.add.f32.msk $0xffff, v59  }
0x91: {  	v60 =	vand.u32 $0xFFFF0000, v10;
	[tilespmem:v1+s24+$0x0] =	vst.idx.add.f32.msk $0xffff, v7  }
0x92: {  	[tilespmem:v6+s24+$0x0] =	vst.idx.add.f32.msk $0xffff, v60;
	v61 =	vshll.u32 v4, $0x10  }
0x93: {  	v1 =	vand.u32 $0xFFFF0000, v4;
	[tilespmem:v3+s23+$0x0] =	vst.idx.add.f32.msk $0xffff, v61  }
0x94: {  	v62 =	vshll.u32 v2, $0x10;
	[tilespmem:v3+s24+$0x0] =	vst.idx.add.f32.msk $0xffff, v1  }
0x95: {  	v1 =	vand.u32 $0xFFFF0000, v2;
	[tilespmem:v5+s23+$0x0] =	vst.idx.add.f32.msk $0xffff, v62  }
0x96: {  	[tilespmem:v5+s24+$0x0] =	vst.idx.add.f32.msk $0xffff, v1  }
0x97: {  	v1 =	vld [tilespmem:$0x10990];
	_ =	sdelay $0x4  }
0x98: {  	v2 =	vand.u32 $0xFFFF, v1;
	_ =	sdelay $0x4  }
0x99: {  	v3 =	vld.idx.msk [tilespmem:v2+s2+$0x0], $0xffff  }
0x9a: {  	v1 =	vshra.s32 v1, $0x10;
	_ =	sdelay $0x3  }
0x9b: {  	v63 =	vshll.u32 v3, $0x10  }
0x9c: {  	v3 =	vand.u32 $0xFFFF0000, v3;
	[tilespmem:v1+s21+$0x0] =	vst.idx.add.f32.msk $0xffff, v63  }
0x9d: {  	[tilespmem:v1+s22+$0x0] =	vst.idx.add.f32.msk $0xffff, v3  }
0x9e: {  	v2 =	vld.idx.msk [tilespmem:v2+s16+$0x0], $0xffff;
	_ =	sdelay $0x4  }
0x9f: {  	v3 =	vshll.u32 v2, $0x10  }
0xa0: {  	v2 =	vand.u32 $0xFFFF0000, v2;
	[tilespmem:v1+s23+$0x0] =	vst.idx.add.f32.msk $0xffff, v3  }
0xa1: {  	[tilespmem:v1+s24+$0x0] =	vst.idx.add.f32.msk $0xffff, v2  }
.LBB2_26:
0xa2: {  	s29 =	sadd.s32 $0x1, s29  }
0xa3: {  	p0 =	sne.s32 s29, $0x28  }
.Ltmp8:
0xa4: {  	_ = 	snop;
	(pc) =	sbr.rel @!p0 .LBB2_27-.Ltmp8, $1  }
0xa5: {  	_ =	sdelay $0x3  }
.LBB2_12:
0xa6: {  	p0 =	seq.s32 s29, $0x27  }
0xa7: {  	s0 =	smul.u32 @!p0 $0x1F40, s29;
	_ =	sdelay $0x1  }
0xa8: {  	_ =	swait.ge [sflag:s20], $0xFA0;
	s0 =	sshrl.u32 @!p0 s0, $0x3  }
0xa9: {  	[sflag:s20] =	ssyncset.done $0x0;
	s1 =	simm.s32 @!p0 $0x0;
	s30 =	sadd.s32 @!p0 s4, s0  }
0xaa: {  	s31 =	simm.s32 @!p0 $0xEA60;
	[sflag:s20] =	ssyncadd.s32 $0xFFFFF060;
	s0 =	sadd.s32 @!p0 $0x3E8, s30  }
0xab: {  	[tilespmem:s31], [sflag:$0x1] =	stream.linear.gather @!p0 [hbm4b:s0+s1], $0xFA0, $0x38;
	[tilespmem:$0x157C0] =	vst v63  }
0xac: {  	s1 =	sshll.u32 s29, $0x1  }
0xad: {  	s31 =	sand.u32 $0x1E, s1  }
0xae: {  	p1 =	sne.s32 s31, s3  }
.Ltmp9:
0xaf: {  	_ = 	snop;
	(pc) =	sbr.rel @p1 .LBB2_16-.Ltmp9, $2  }
0xb0: {  	_ =	sdelay $0x2  }
0xb1: {  	s0 =	simm.s32 $0xEA80  }
0xb2: {  	v2 =	vld [tilespmem:s0+$0x0];
	_ =	sdelay $0x2  }
0xb3: {  	v3 =	vld [tilespmem:s0+$0xFFFFFFE0];
	_ =	sdelay $0x1  }
0xb4: {  	v4 =	vld [tilespmem:s0+$0xFFFFFFF0];
	v5 =	vand.u32 $0xFFFF, v2;
	_ =	sdelay $0x2  }
0xb5: {  	v9 =	vand.u32 $0xFFFF, v3;
	_ =	sdelay $0x1  }
0xb6: {  	v1 =	vand.u32 $0xFFFF, v4;
	v6 =	vld.idx.msk [tilespmem:v5+s2+$0x0], $0xffff  }
0xb7: {  	v2 =	vshra.s32 v2, $0x10;
	_ =	sdelay $0x1  }
0xb8: {  	s1 =	simm.s32 $0xEAB0;
	v7 =	vld.idx.msk [tilespmem:v9+s2+$0x0], $0xffff  }
0xb9: {  	v12 =	vld [tilespmem:s1+$0xFFFFFFE0];
	v8 =	vshra.s32 v3, $0x10  }
0xba: {  	v3 =	vld.idx.msk [tilespmem:v1+s2+$0x0], $0xffff;
	v10 =	vshll.u32 v6, $0x10  }
0xbb: {  	v11 =	vshra.s32 v4, $0x10;
	v4 =	vand.u32 $0xFFFF0000, v6;
	[tilespmem:v2+s21+$0x0] =	vst.idx.add.f32.msk $0xffff, v10  }
0xbc: {  	[tilespmem:v2+s22+$0x0] =	vst.idx.add.f32.msk $0xffff, v4  }
0xbd: {  	v4 =	vshll.u32 v7, $0x10;
	v6 =	vld.idx.msk [tilespmem:v5+s16+$0x0], $0xffff  }
0xbe: {  	v7 =	vand.u32 $0xFFFF0000, v7;
	[tilespmem:v8+s21+$0x0] =	vst.idx.add.f32.msk $0xffff, v4  }
0xbf: {  	v4 =	vshll.u32 v3, $0x10;
	[tilespmem:v8+s22+$0x0] =	vst.idx.add.f32.msk $0xffff, v7  }
0xc0: {  	[tilespmem:v11+s21+$0x0] =	vst.idx.add.f32.msk $0xffff, v4  }
0xc1: {  	v7 =	vld [tilespmem:s1+$0x0]  }
0xc2: {  	v4 =	vld.idx.msk [tilespmem:v9+s16+$0x0], $0xffff;
	v10 =	vshll.u32 v6, $0x10  }
0xc3: {  	[tilespmem:v2+s23+$0x0] =	vst.idx.add.f32.msk $0xffff, v10  }
0xc4: {  	v6 =	vand.u32 $0xFFFF0000, v6;
	v10 =	vld [tilespmem:s1+$0xFFFFFFF0]  }
0xc5: {  	[tilespmem:v2+s24+$0x0] =	vst.idx.add.f32.msk $0xffff, v6  }
0xc6: {  	v6 =	vld.idx.msk [tilespmem:v2+s17+$0x0], $0xffff;
	v2 =	vand.u32 $0xFFFF0000, v3  }
0xc7: {  	v3 =	vshll.u32 v4, $0x10;
	[tilespmem:v11+s22+$0x0] =	vst.idx.add.f32.msk $0xffff, v2  }
0xc8: {  	[tilespmem:v8+s23+$0x0] =	vst.idx.add.f32.msk $0xffff, v3  }
0xc9: {  	v4 =	vand.u32 $0xFFFF0000, v4;
	v2 =	vand.u32 $0xFFFF, v7;
	v13 =	vld.idx.msk [tilespmem:v1+s16+$0x0], $0xffff  }
0xca: {  	[tilespmem:v8+s24+$0x0] =	vst.idx.add.f32.msk $0xffff, v4;
	v4 =	vand.u32 $0xFFFF, v12;
	_ =	sdelay $0x1  }
0xcb: {  	v3 =	vand.u32 $0xFFFF, v10;
	[tilespmem:v5+s25+$0x0] =	vst.idx.add.f32.msk $0xffff, v6  }
0xcc: {  	v5 =	vld.idx.msk [tilespmem:v8+s17+$0x0], $0xffff  }
0xcd: {  	v14 =	vld.idx.msk [tilespmem:v2+s2+$0x0], $0xffff  }
0xce: {  	v6 =	vshll.u32 v13, $0x10;
	v63 =	vld.idx.msk [tilespmem:v4+s2+$0x0], $0xffff  }
0xcf: {  	v8 =	vshra.s32 v7, $0x10;
	[tilespmem:v11+s23+$0x0] =	vst.idx.add.f32.msk $0xffff, v6  }
0xd0: {  	v15 =	vld.idx.msk [tilespmem:v3+s2+$0x0], $0xffff;
	v6 =	vand.u32 $0xFFFF0000, v13  }
0xd1: {  	[tilespmem:v11+s24+$0x0] =	vst.idx.add.f32.msk $0xffff, v6  }
0xd2: {  	v6 =	vshra.s32 v12, $0x10;
	v7 =	vld.idx.msk [tilespmem:v11+s17+$0x0], $0xffff  }
0xd3: {  	[tilespmem:v9+s25+$0x0] =	vst.idx.add.f32.msk $0xffff, v5;
	v11 =	vshll.u32 v14, $0x10  }
0xd4: {  	v5 =	vshra.s32 v10, $0x10;
	v9 =	vand.u32 $0xFFFF0000, v14;
	[tilespmem:v8+s21+$0x0] =	vst.idx.add.f32.msk $0xffff, v11  }
0xd5: {  	[tilespmem:v8+s22+$0x0] =	vst.idx.add.f32.msk $0xffff, v9  }
0xd6: {  	v10 =	vshll.u32 v63, $0x10;
	v9 =	vld.idx.msk [tilespmem:v2+s16+$0x0], $0xffff  }
0xd7: {  	v11 =	vand.u32 $0xFFFF0000, v63;
	[tilespmem:v6+s21+$0x0] =	vst.idx.add.f32.msk $0xffff, v10  }
0xd8: {  	v10 =	vshll.u32 v15, $0x10;
	[tilespmem:v6+s22+$0x0] =	vst.idx.add.f32.msk $0xffff, v11  }
0xd9: {  	v11 =	vand.u32 $0xFFFF0000, v15;
	[tilespmem:v5+s21+$0x0] =	vst.idx.add.f32.msk $0xffff, v10  }
0xda: {  	[tilespmem:v5+s22+$0x0] =	vst.idx.add.f32.msk $0xffff, v11  }
0xdb: {  	s0 =	simm.s32 $0x3;
	s1 =	simm.s32 $0xEAE0;
	v10 =	vld.idx.msk [tilespmem:v4+s16+$0x0], $0xffff  }
.LBB2_14:
0xdc: {  	v11 =	vld [tilespmem:s1+$0x0];
	v12 =	vshll.u32 v9, $0x10  }
0xdd: {  	v9 =	vand.u32 $0xFFFF0000, v9;
	[tilespmem:v8+s23+$0x0] =	vst.idx.add.f32.msk $0xffff, v12  }
0xde: {  	[tilespmem:v8+s24+$0x0] =	vst.idx.add.f32.msk $0xffff, v9  }
0xdf: {  	v8 =	vld.idx.msk [tilespmem:v8+s17+$0x0], $0xffff  }
0xe0: {  	s0 =	sadd.s32 $0x3, s0;
	v9 =	vld [tilespmem:s1+$0xFFFFFFF0]  }
0xe1: {  	p1 =	slt.u32 s0, $0xF6;
	v13 =	vshll.u32 v10, $0x10;
	v10 =	vand.u32 $0xFFFF0000, v10;
	v12 =	vld [tilespmem:s1+$0xFFFFFFE0]  }
0xe2: {  	v14 =	vld.idx.msk [tilespmem:v3+s16+$0x0], $0xffff  }
0xe3: {  	v15 =	vand.u32 $0xFFFF, v11;
	[tilespmem:v6+s23+$0x0] =	vst.idx.add.f32.msk $0xffff, v13  }
0xe4: {  	[tilespmem:v6+s24+$0x0] =	vst.idx.add.f32.msk $0xffff, v10  }
0xe5: {  	v10 =	vshra.s32 v9, $0x10;
	v9 =	vand.u32 $0xFFFF, v9;
	[tilespmem:v2+s25+$0x0] =	vst.idx.add.f32.msk $0xffff, v8;
	v2 =	vmov v15  }
0xe6: {  	v13 =	vand.u32 $0xFFFF, v12;
	v16 =	vld.idx.msk [tilespmem:v6+s17+$0x0], $0xffff;
	v6 =	vshra.s32 v12, $0x10  }
0xe7: {  	[tilespmem:v1+s25+$0x0] =	vst.idx.add.f32.msk $0xffff, v7;
	v1 =	vmov v3;
	v3 =	vmov v9  }
0xe8: {  	v7 =	vshll.u32 v14, $0x10;
	v14 =	vand.u32 $0xFFFF0000, v14;
	v12 =	vld.idx.msk [tilespmem:v15+s2+$0x0], $0xffff  }
0xe9: {  	[tilespmem:v5+s23+$0x0] =	vst.idx.add.f32.msk $0xffff, v7  }
0xea: {  	v8 =	vshra.s32 v11, $0x10;
	v9 =	vld.idx.msk [tilespmem:v9+s2+$0x0], $0xffff  }
0xeb: {  	v11 =	vld.idx.msk [tilespmem:v13+s2+$0x0], $0xffff  }
0xec: {  	[tilespmem:v5+s24+$0x0] =	vst.idx.add.f32.msk $0xffff, v14  }
0xed: {  	v7 =	vld.idx.msk [tilespmem:v5+s17+$0x0], $0xffff;
	v5 =	vmov v10  }
0xee: {  	v10 =	vshll.u32 v12, $0x10;
	[tilespmem:v4+s25+$0x0] =	vst.idx.add.f32.msk $0xffff, v16;
	v4 =	vmov v13  }
0xef: {  	v12 =	vand.u32 $0xFFFF0000, v12;
	[tilespmem:v8+s21+$0x0] =	vst.idx.add.f32.msk $0xffff, v10  }
0xf0: {  	v10 =	vshll.u32 v9, $0x10;
	v13 =	vand.u32 $0xFFFF0000, v9;
	[tilespmem:v8+s22+$0x0] =	vst.idx.add.f32.msk $0xffff, v12  }
0xf1: {  	v12 =	vshll.u32 v11, $0x10;
	v11 =	vand.u32 $0xFFFF0000, v11;
	v9 =	vld.idx.msk [tilespmem:v15+s16+$0x0], $0xffff  }
.Ltmp10:
0xf2: {  	[tilespmem:v6+s21+$0x0] =	vst.idx.add.f32.msk $0xffff, v12;
	(pc) =	sbr.rel @p1 .LBB2_14-.Ltmp10, $4  }
0xf3: {  	[tilespmem:v6+s22+$0x0] =	vst.idx.add.f32.msk $0xffff, v11  }
0xf4: {  	[tilespmem:v5+s21+$0x0] =	vst.idx.add.f32.msk $0xffff, v10  }
0xf5: {  	[tilespmem:v5+s22+$0x0] =	vst.idx.add.f32.msk $0xffff, v13  }
0xf6: {  	s1 =	sadd.s32 $0x30, s1;
	v10 =	vld.idx.msk [tilespmem:v4+s16+$0x0], $0xffff  }
0xf7: {  	_ =	sdelay $0x3  }
0xf8: {  	v11 =	vshll.u32 v9, $0x10;
	v57 =	vld.idx.msk [tilespmem:v3+s16+$0x0], $0xffff  }
0xf9: {  	v56 =	vand.u32 $0xFFFF0000, v9;
	[tilespmem:v8+s23+$0x0] =	vst.idx.add.f32.msk $0xffff, v11  }
0xfa: {  	[tilespmem:v8+s24+$0x0] =	vst.idx.add.f32.msk $0xffff, v56  }
0xfb: {  	v8 =	vld.idx.msk [tilespmem:v8+s17+$0x0], $0xffff;
	v58 =	vshll.u32 v10, $0x10  }
0xfc: {  	v59 =	vand.u32 $0xFFFF0000, v10;
	[tilespmem:v6+s23+$0x0] =	vst.idx.add.f32.msk $0xffff, v58  }
0xfd: {  	v60 =	vshll.u32 v57, $0x10;
	[tilespmem:v6+s24+$0x0] =	vst.idx.add.f32.msk $0xffff, v59  }
0xfe: {  	[tilespmem:v5+s23+$0x0] =	vst.idx.add.f32.msk $0xffff, v60  }
0xff: {  	v61 =	vand.u32 $0xFFFF0000, v57;
	v6 =	vld.idx.msk [tilespmem:v6+s17+$0x0], $0xffff  }
0x100: {  	[tilespmem:v5+s24+$0x0] =	vst.idx.add.f32.msk $0xffff, v61  }
0x101: {  	v5 =	vld.idx.msk [tilespmem:v5+s17+$0x0], $0xffff;
	_ =	sdelay $0x1  }
0x102: {  	[tilespmem:v1+s25+$0x0] =	vst.idx.add.f32.msk $0xffff, v7  }
0x103: {  	[tilespmem:v2+s25+$0x0] =	vst.idx.add.f32.msk $0xffff, v8  }
0x104: {  	[tilespmem:v4+s25+$0x0] =	vst.idx.add.f32.msk $0xffff, v6  }
0x105: {  	[tilespmem:v3+s25+$0x0] =	vst.idx.add.f32.msk $0xffff, v5  }
0x106: {  	v1 =	vld [tilespmem:$0xF9F0];
	_ =	sdelay $0x4  }
0x107: {  	v2 =	vand.u32 $0xFFFF, v1;
	_ =	sdelay $0x4  }
0x108: {  	v3 =	vld.idx.msk [tilespmem:v2+s2+$0x0], $0xffff  }
0x109: {  	v1 =	vshra.s32 v1, $0x10;
	_ =	sdelay $0x3  }
0x10a: {  	v62 =	vshll.u32 v3, $0x10  }
0x10b: {  	v3 =	vand.u32 $0xFFFF0000, v3;
	[tilespmem:v1+s21+$0x0] =	vst.idx.add.f32.msk $0xffff, v62  }
0x10c: {  	[tilespmem:v1+s22+$0x0] =	vst.idx.add.f32.msk $0xffff, v3  }
0x10d: {  	v3 =	vld.idx.msk [tilespmem:v2+s16+$0x0], $0xffff;
	_ =	sdelay $0x4  }
0x10e: {  	v63 =	vshll.u32 v3, $0x10  }
0x10f: {  	v3 =	vand.u32 $0xFFFF0000, v3;
	[tilespmem:v1+s23+$0x0] =	vst.idx.add.f32.msk $0xffff, v63  }
0x110: {  	[tilespmem:v1+s24+$0x0] =	vst.idx.add.f32.msk $0xffff, v3  }
0x111: {  	v1 =	vld.idx.msk [tilespmem:v1+s17+$0x0], $0xffff  }
.Ltmp11:
0x112: {  	_ = 	snop;
	(pc) =	sbr.rel .LBB2_19-.Ltmp11, $2  }
0x113: {  	_ =	sdelay $0x2  }
0x114: {  	[tilespmem:v2+s25+$0x0] =	vst.idx.add.f32.msk $0xffff, v1  }
.LBB2_16:
0x115: {  	v1 =	vld [tilespmem:s0+$0x0];
	_ =	sdelay $0x2  }
0x116: {  	v2 =	vld [tilespmem:s0+$0xFFFFFFE0]  }
0x117: {  	v3 =	vld [tilespmem:s0+$0xFFFFFFF0]  }
0x118: {  	v4 =	vand.u32 $0xFFFF, v1;
	_ =	sdelay $0x2  }
0x119: {  	v5 =	vand.u32 $0xFFFF, v2  }
0x11a: {  	v6 =	vand.u32 $0xFFFF, v3  }
0x11b: {  	v7 =	vld.idx.msk [tilespmem:v4+s2+$0x0], $0xffff  }
0x11c: {  	s1 =	simm.s32 $0xEAB0;
	v8 =	vshra.s32 v1, $0x10  }
0x11d: {  	v12 =	vld [tilespmem:s1+$0xFFFFFFF0]  }
0x11e: {  	v9 =	vld.idx.msk [tilespmem:v5+s2+$0x0], $0xffff  }
0x11f: {  	v10 =	vshra.s32 v2, $0x10;
	v11 =	vld.idx.msk [tilespmem:v6+s2+$0x0], $0xffff  }
0x120: {  	v1 =	vshll.u32 v7, $0x10;
	v2 =	vand.u32 $0xFFFF0000, v7;
	v7 =	vld [tilespmem:s1+$0x0]  }
0x121: {  	[tilespmem:v8+s21+$0x0] =	vst.idx.add.f32.msk $0xffff, v1  }
0x122: {  	[tilespmem:v8+s22+$0x0] =	vst.idx.add.f32.msk $0xffff, v2  }
0x123: {  	v1 =	vshra.s32 v3, $0x10;
	v3 =	vshll.u32 v9, $0x10;
	v2 =	vld.idx.msk [tilespmem:v4+s16+$0x0], $0xffff  }
0x124: {  	[tilespmem:v10+s21+$0x0] =	vst.idx.add.f32.msk $0xffff, v3  }
0x125: {  	v3 =	vand.u32 $0xFFFF0000, v9;
	v9 =	vld [tilespmem:s1+$0xFFFFFFE0]  }
0x126: {  	[tilespmem:v10+s22+$0x0] =	vst.idx.add.f32.msk $0xffff, v3  }
0x127: {  	v4 =	vshll.u32 v11, $0x10;
	v5 =	vld.idx.msk [tilespmem:v5+s16+$0x0], $0xffff;
	v13 =	vand.u32 $0xFFFF, v7  }
0x128: {  	[tilespmem:v1+s21+$0x0] =	vst.idx.add.f32.msk $0xffff, v4;
	v3 =	vshll.u32 v2, $0x10  }
0x129: {  	v4 =	vand.u32 $0xFFFF0000, v2;
	[tilespmem:v8+s23+$0x0] =	vst.idx.add.f32.msk $0xffff, v3  }
0x12a: {  	v3 =	vand.u32 $0xFFFF0000, v11;
	[tilespmem:v8+s24+$0x0] =	vst.idx.add.f32.msk $0xffff, v4;
	v4 =	vand.u32 $0xFFFF, v9  }
0x12b: {  	v2 =	vand.u32 $0xFFFF, v12;
	[tilespmem:v1+s22+$0x0] =	vst.idx.add.f32.msk $0xffff, v3  }
0x12c: {  	v8 =	vld.idx.msk [tilespmem:v13+s2+$0x0], $0xffff  }
0x12d: {  	v11 =	vld.idx.msk [tilespmem:v6+s16+$0x0], $0xffff;
	v6 =	vshra.s32 v7, $0x10;
	v7 =	vshll.u32 v5, $0x10  }
0x12e: {  	[tilespmem:v10+s23+$0x0] =	vst.idx.add.f32.msk $0xffff, v7  }
0x12f: {  	v15 =	vld.idx.msk [tilespmem:v4+s2+$0x0], $0xffff  }
0x130: {  	v3 =	vshra.s32 v9, $0x10;
	v5 =	vand.u32 $0xFFFF0000, v5;
	v14 =	vld.idx.msk [tilespmem:v2+s2+$0x0], $0xffff  }
0x131: {  	[tilespmem:v10+s24+$0x0] =	vst.idx.add.f32.msk $0xffff, v5;
	v7 =	vshll.u32 v8, $0x10  }
0x132: {  	v8 =	vand.u32 $0xFFFF0000, v8;
	[tilespmem:v6+s21+$0x0] =	vst.idx.add.f32.msk $0xffff, v7  }
0x133: {  	v5 =	vshra.s32 v12, $0x10;
	[tilespmem:v6+s22+$0x0] =	vst.idx.add.f32.msk $0xffff, v8  }
0x134: {  	v7 =	vand.u32 $0xFFFF0000, v11;
	v8 =	vshll.u32 v11, $0x10;
	v10 =	vld.idx.msk [tilespmem:v13+s16+$0x0], $0xffff;
	v16 =	vshll.u32 v15, $0x10  }
0x135: {  	s0 =	simm.s32 $0x3;
	s1 =	simm.s32 $0xEAE0;
	v11 =	vshll.u32 v14, $0x10;
	v9 =	vand.u32 $0xFFFF0000, v14;
	v12 =	vand.u32 $0xFFFF0000, v15;
	[tilespmem:v3+s21+$0x0] =	vst.idx.add.f32.msk $0xffff, v16  }
.LBB2_17:
0x136: {  	v13 =	vld [tilespmem:s1+$0x0]  }
0x137: {  	v14 =	vld [tilespmem:s1+$0xFFFFFFF0]  }
0x138: {  	s0 =	sadd.s32 $0x3, s0;
	v15 =	vld [tilespmem:s1+$0xFFFFFFE0]  }
0x139: {  	p1 =	slt.u32 s0, $0xF6;
	[tilespmem:v3+s22+$0x0] =	vst.idx.add.f32.msk $0xffff, v12  }
0x13a: {  	[tilespmem:v5+s21+$0x0] =	vst.idx.add.f32.msk $0xffff, v11;
	v11 =	vshll.u32 v10, $0x10  }
0x13b: {  	v10 =	vand.u32 $0xFFFF0000, v10;
	v16 =	vand.u32 $0xFFFF, v13;
	[tilespmem:v6+s23+$0x0] =	vst.idx.add.f32.msk $0xffff, v11  }
0x13c: {  	v11 =	vshra.s32 v14, $0x10;
	v12 =	vand.u32 $0xFFFF, v14;
	[tilespmem:v6+s24+$0x0] =	vst.idx.add.f32.msk $0xffff, v10  }
0x13d: {  	v14 =	vshra.s32 v15, $0x10;
	v6 =	vand.u32 $0xFFFF, v15;
	[tilespmem:v5+s22+$0x0] =	vst.idx.add.f32.msk $0xffff, v9  }
0x13e: {  	v9 =	vld.idx.msk [tilespmem:v4+s16+$0x0], $0xffff;
	v4 =	vmov v6  }
0x13f: {  	v10 =	vld.idx.msk [tilespmem:v2+s16+$0x0], $0xffff;
	v2 =	vmov v12  }
0x140: {  	v15 =	vld.idx.msk [tilespmem:v16+s2+$0x0], $0xffff  }
0x141: {  	v12 =	vld.idx.msk [tilespmem:v12+s2+$0x0], $0xffff  }
0x142: {  	v17 =	vld.idx.msk [tilespmem:v6+s2+$0x0], $0xffff;
	v6 =	vshra.s32 v13, $0x10  }
0x143: {  	[tilespmem:v1+s23+$0x0] =	vst.idx.add.f32.msk $0xffff, v8  }
0x144: {  	v8 =	vshll.u32 v9, $0x10;
	v9 =	vand.u32 $0xFFFF0000, v9;
	[tilespmem:v1+s24+$0x0] =	vst.idx.add.f32.msk $0xffff, v7;
	v1 =	vmovc v5;
	v5 =	vmov v11  }
0x145: {  	v7 =	vand.u32 $0xFFFF0000, v10;
	[tilespmem:v3+s23+$0x0] =	vst.idx.add.f32.msk $0xffff, v8;
	v8 =	vshll.u32 v10, $0x10  }
.Ltmp12:
0x146: {  	v10 =	vshll.u32 v15, $0x10;
	[tilespmem:v3+s24+$0x0] =	vst.idx.add.f32.msk $0xffff, v9;
	v3 =	vmov v14;
	(pc) =	sbr.rel @p1 .LBB2_17-.Ltmp12, $4  }
0x147: {  	v13 =	vand.u32 $0xFFFF0000, v15;
	v11 =	vshll.u32 v12, $0x10;
	v9 =	vand.u32 $0xFFFF0000, v12;
	[tilespmem:v6+s21+$0x0] =	vst.idx.add.f32.msk $0xffff, v10  }
0x148: {  	v15 =	vshll.u32 v17, $0x10;
	v12 =	vand.u32 $0xFFFF0000, v17;
	[tilespmem:v6+s22+$0x0] =	vst.idx.add.f32.msk $0xffff, v13  }
0x149: {  	v10 =	vld.idx.msk [tilespmem:v16+s16+$0x0], $0xffff  }
0x14a: {  	s1 =	sadd.s32 $0x30, s1;
	[tilespmem:v14+s21+$0x0] =	vst.idx.add.f32.msk $0xffff, v15  }
0x14b: {  	_ =	sdelay $0x3  }
0x14c: {  	[tilespmem:v3+s22+$0x0] =	vst.idx.add.f32.msk $0xffff, v12  }
0x14d: {  	[tilespmem:v5+s21+$0x0] =	vst.idx.add.f32.msk $0xffff, v11  }
0x14e: {  	[tilespmem:v1+s23+$0x0] =	vst.idx.add.f32.msk $0xffff, v8  }
0x14f: {  	v4 =	vld.idx.msk [tilespmem:v4+s16+$0x0], $0xffff  }
0x150: {  	[tilespmem:v5+s22+$0x0] =	vst.idx.add.f32.msk $0xffff, v9  }
0x151: {  	v2 =	vld.idx.msk [tilespmem:v2+s16+$0x0], $0xffff  }
0x152: {  	[tilespmem:v1+s24+$0x0] =	vst.idx.add.f32.msk $0xffff, v7;
	v59 =	vshll.u32 v10, $0x10  }
0x153: {  	v60 =	vand.u32 $0xFFFF0000, v10;
	[tilespmem:v6+s23+$0x0] =	vst.idx.add.f32.msk $0xffff, v59  }
0x154: {  	[tilespmem:v6+s24+$0x0] =	vst.idx.add.f32.msk $0xffff, v60;
	v61 =	vshll.u32 v4, $0x10  }
0x155: {  	v1 =	vand.u32 $0xFFFF0000, v4;
	[tilespmem:v3+s23+$0x0] =	vst.idx.add.f32.msk $0xffff, v61  }
0x156: {  	v62 =	vshll.u32 v2, $0x10;
	[tilespmem:v3+s24+$0x0] =	vst.idx.add.f32.msk $0xffff, v1  }
0x157: {  	v1 =	vand.u32 $0xFFFF0000, v2;
	[tilespmem:v5+s23+$0x0] =	vst.idx.add.f32.msk $0xffff, v62  }
0x158: {  	[tilespmem:v5+s24+$0x0] =	vst.idx.add.f32.msk $0xffff, v1  }
0x159: {  	v1 =	vld [tilespmem:$0xF9F0];
	_ =	sdelay $0x4  }
0x15a: {  	v2 =	vand.u32 $0xFFFF, v1;
	_ =	sdelay $0x4  }
0x15b: {  	v3 =	vld.idx.msk [tilespmem:v2+s2+$0x0], $0xffff  }
0x15c: {  	v1 =	vshra.s32 v1, $0x10;
	_ =	sdelay $0x3  }
0x15d: {  	v63 =	vshll.u32 v3, $0x10  }
0x15e: {  	v3 =	vand.u32 $0xFFFF0000, v3;
	[tilespmem:v1+s21+$0x0] =	vst.idx.add.f32.msk $0xffff, v63  }
0x15f: {  	[tilespmem:v1+s22+$0x0] =	vst.idx.add.f32.msk $0xffff, v3  }
0x160: {  	v2 =	vld.idx.msk [tilespmem:v2+s16+$0x0], $0xffff;
	_ =	sdelay $0x4  }
0x161: {  	v3 =	vshll.u32 v2, $0x10  }
0x162: {  	v2 =	vand.u32 $0xFFFF0000, v2;
	[tilespmem:v1+s23+$0x0] =	vst.idx.add.f32.msk $0xffff, v3  }
0x163: {  	[tilespmem:v1+s24+$0x0] =	vst.idx.add.f32.msk $0xffff, v2  }
.LBB2_19:
0x164: {  	_ =	swait.ge [sflag:s26], $0xFA0  }
0x165: {  	s0 =	sadd.s32 @!p0 $0x5DC, s30;
	s1 =	simm.s32 @!p0 $0x0;
	[sflag:s26] =	ssyncset.done $0x0  }
0x166: {  	s30 =	simm.s32 @!p0 $0xFA00;
	s31 =	sor.u32 $0x1, s31;
	[sflag:s26] =	ssyncadd.s32 $0xFFFFF060  }
0x167: {  	[tilespmem:s30], [sflag:$0x2] =	stream.linear.gather @!p0 [hbm4b:s0+s1], $0xFA0, $0x38;
	[tilespmem:$0x157C0] =	vst v63  }
0x168: {  	p0 =	sne.s32 s31, s3  }
.Ltmp13:
0x169: {  	_ = 	snop;
	(pc) =	sbr.rel @p0 .LBB2_23-.Ltmp13, $2  }
0x16a: {  	_ =	sdelay $0x2  }
0x16b: {  	s0 =	simm.s32 $0xFA20  }
0x16c: {  	v2 =	vld [tilespmem:s0+$0x0];
	_ =	sdelay $0x2  }
0x16d: {  	v3 =	vld [tilespmem:s0+$0xFFFFFFE0];
	_ =	sdelay $0x1  }
0x16e: {  	v4 =	vld [tilespmem:s0+$0xFFFFFFF0];
	v5 =	vand.u32 $0xFFFF, v2;
	_ =	sdelay $0x2  }
0x16f: {  	v9 =	vand.u32 $0xFFFF, v3;
	_ =	sdelay $0x1  }
0x170: {  	v1 =	vand.u32 $0xFFFF, v4;
	v6 =	vld.idx.msk [tilespmem:v5+s2+$0x0], $0xffff  }
0x171: {  	v2 =	vshra.s32 v2, $0x10;
	_ =	sdelay $0x1  }
0x172: {  	s31 =	simm.s32 $0xFA50;
	v7 =	vld.idx.msk [tilespmem:v9+s2+$0x0], $0xffff  }
0x173: {  	v12 =	vld [tilespmem:s31+$0xFFFFFFE0];
	v8 =	vshra.s32 v3, $0x10  }
0x174: {  	v3 =	vld.idx.msk [tilespmem:v1+s2+$0x0], $0xffff;
	v10 =	vshll.u32 v6, $0x10  }
0x175: {  	v11 =	vshra.s32 v4, $0x10;
	v4 =	vand.u32 $0xFFFF0000, v6;
	[tilespmem:v2+s21+$0x0] =	vst.idx.add.f32.msk $0xffff, v10  }
0x176: {  	[tilespmem:v2+s22+$0x0] =	vst.idx.add.f32.msk $0xffff, v4  }
0x177: {  	v4 =	vshll.u32 v7, $0x10;
	v6 =	vld.idx.msk [tilespmem:v5+s16+$0x0], $0xffff  }
0x178: {  	v7 =	vand.u32 $0xFFFF0000, v7;
	[tilespmem:v8+s21+$0x0] =	vst.idx.add.f32.msk $0xffff, v4  }
0x179: {  	v4 =	vshll.u32 v3, $0x10;
	[tilespmem:v8+s22+$0x0] =	vst.idx.add.f32.msk $0xffff, v7  }
0x17a: {  	[tilespmem:v11+s21+$0x0] =	vst.idx.add.f32.msk $0xffff, v4  }
0x17b: {  	v7 =	vld [tilespmem:s31+$0x0]  }
0x17c: {  	v4 =	vld.idx.msk [tilespmem:v9+s16+$0x0], $0xffff;
	v10 =	vshll.u32 v6, $0x10  }
0x17d: {  	[tilespmem:v2+s23+$0x0] =	vst.idx.add.f32.msk $0xffff, v10  }
0x17e: {  	v6 =	vand.u32 $0xFFFF0000, v6;
	v10 =	vld [tilespmem:s31+$0xFFFFFFF0]  }
0x17f: {  	[tilespmem:v2+s24+$0x0] =	vst.idx.add.f32.msk $0xffff, v6  }
0x180: {  	v6 =	vld.idx.msk [tilespmem:v2+s17+$0x0], $0xffff;
	v2 =	vand.u32 $0xFFFF0000, v3  }
0x181: {  	v3 =	vshll.u32 v4, $0x10;
	[tilespmem:v11+s22+$0x0] =	vst.idx.add.f32.msk $0xffff, v2  }
0x182: {  	[tilespmem:v8+s23+$0x0] =	vst.idx.add.f32.msk $0xffff, v3  }
0x183: {  	v4 =	vand.u32 $0xFFFF0000, v4;
	v2 =	vand.u32 $0xFFFF, v7;
	v13 =	vld.idx.msk [tilespmem:v1+s16+$0x0], $0xffff  }
0x184: {  	[tilespmem:v8+s24+$0x0] =	vst.idx.add.f32.msk $0xffff, v4;
	v4 =	vand.u32 $0xFFFF, v12;
	_ =	sdelay $0x1  }
0x185: {  	v3 =	vand.u32 $0xFFFF, v10;
	[tilespmem:v5+s25+$0x0] =	vst.idx.add.f32.msk $0xffff, v6  }
0x186: {  	v5 =	vld.idx.msk [tilespmem:v8+s17+$0x0], $0xffff  }
0x187: {  	v14 =	vld.idx.msk [tilespmem:v2+s2+$0x0], $0xffff  }
0x188: {  	v6 =	vshll.u32 v13, $0x10;
	v63 =	vld.idx.msk [tilespmem:v4+s2+$0x0], $0xffff  }
0x189: {  	v8 =	vshra.s32 v7, $0x10;
	[tilespmem:v11+s23+$0x0] =	vst.idx.add.f32.msk $0xffff, v6  }
0x18a: {  	v15 =	vld.idx.msk [tilespmem:v3+s2+$0x0], $0xffff;
	v6 =	vand.u32 $0xFFFF0000, v13  }
0x18b: {  	[tilespmem:v11+s24+$0x0] =	vst.idx.add.f32.msk $0xffff, v6  }
0x18c: {  	v6 =	vshra.s32 v12, $0x10;
	v7 =	vld.idx.msk [tilespmem:v11+s17+$0x0], $0xffff  }
0x18d: {  	[tilespmem:v9+s25+$0x0] =	vst.idx.add.f32.msk $0xffff, v5;
	v11 =	vshll.u32 v14, $0x10  }
0x18e: {  	v5 =	vshra.s32 v10, $0x10;
	v9 =	vand.u32 $0xFFFF0000, v14;
	[tilespmem:v8+s21+$0x0] =	vst.idx.add.f32.msk $0xffff, v11  }
0x18f: {  	[tilespmem:v8+s22+$0x0] =	vst.idx.add.f32.msk $0xffff, v9  }
0x190: {  	v10 =	vshll.u32 v63, $0x10;
	v9 =	vld.idx.msk [tilespmem:v2+s16+$0x0], $0xffff  }
0x191: {  	v11 =	vand.u32 $0xFFFF0000, v63;
	[tilespmem:v6+s21+$0x0] =	vst.idx.add.f32.msk $0xffff, v10  }
0x192: {  	v10 =	vshll.u32 v15, $0x10;
	[tilespmem:v6+s22+$0x0] =	vst.idx.add.f32.msk $0xffff, v11  }
0x193: {  	v11 =	vand.u32 $0xFFFF0000, v15;
	[tilespmem:v5+s21+$0x0] =	vst.idx.add.f32.msk $0xffff, v10  }
0x194: {  	[tilespmem:v5+s22+$0x0] =	vst.idx.add.f32.msk $0xffff, v11  }
0x195: {  	s0 =	simm.s32 $0x3;
	s1 =	simm.s32 $0xFA80;
	v10 =	vld.idx.msk [tilespmem:v4+s16+$0x0], $0xffff  }
.LBB2_21:
0x196: {  	v11 =	vld [tilespmem:s1+$0x0];
	v12 =	vshll.u32 v9, $0x10  }
0x197: {  	v9 =	vand.u32 $0xFFFF0000, v9;
	[tilespmem:v8+s23+$0x0] =	vst.idx.add.f32.msk $0xffff, v12  }
0x198: {  	[tilespmem:v8+s24+$0x0] =	vst.idx.add.f32.msk $0xffff, v9  }
0x199: {  	v8 =	vld.idx.msk [tilespmem:v8+s17+$0x0], $0xffff  }
0x19a: {  	s0 =	sadd.s32 $0x3, s0;
	v9 =	vld [tilespmem:s1+$0xFFFFFFF0]  }
0x19b: {  	p0 =	slt.u32 s0, $0xF6;
	v13 =	vshll.u32 v10, $0x10;
	v10 =	vand.u32 $0xFFFF0000, v10;
	v12 =	vld [tilespmem:s1+$0xFFFFFFE0]  }
0x19c: {  	v14 =	vld.idx.msk [tilespmem:v3+s16+$0x0], $0xffff  }
0x19d: {  	v15 =	vand.u32 $0xFFFF, v11;
	[tilespmem:v6+s23+$0x0] =	vst.idx.add.f32.msk $0xffff, v13  }
0x19e: {  	[tilespmem:v6+s24+$0x0] =	vst.idx.add.f32.msk $0xffff, v10  }
0x19f: {  	v10 =	vshra.s32 v9, $0x10;
	v9 =	vand.u32 $0xFFFF, v9;
	[tilespmem:v2+s25+$0x0] =	vst.idx.add.f32.msk $0xffff, v8;
	v2 =	vmov v15  }
0x1a0: {  	v13 =	vand.u32 $0xFFFF, v12;
	v16 =	vld.idx.msk [tilespmem:v6+s17+$0x0], $0xffff;
	v6 =	vshra.s32 v12, $0x10  }
0x1a1: {  	[tilespmem:v1+s25+$0x0] =	vst.idx.add.f32.msk $0xffff, v7;
	v1 =	vmov v3;
	v3 =	vmov v9  }
0x1a2: {  	v7 =	vshll.u32 v14, $0x10;
	v14 =	vand.u32 $0xFFFF0000, v14;
	v12 =	vld.idx.msk [tilespmem:v15+s2+$0x0], $0xffff  }
0x1a3: {  	[tilespmem:v5+s23+$0x0] =	vst.idx.add.f32.msk $0xffff, v7  }
0x1a4: {  	v8 =	vshra.s32 v11, $0x10;
	v9 =	vld.idx.msk [tilespmem:v9+s2+$0x0], $0xffff  }
0x1a5: {  	v11 =	vld.idx.msk [tilespmem:v13+s2+$0x0], $0xffff  }
0x1a6: {  	[tilespmem:v5+s24+$0x0] =	vst.idx.add.f32.msk $0xffff, v14  }
0x1a7: {  	v7 =	vld.idx.msk [tilespmem:v5+s17+$0x0], $0xffff;
	v5 =	vmov v10  }
0x1a8: {  	v10 =	vshll.u32 v12, $0x10;
	[tilespmem:v4+s25+$0x0] =	vst.idx.add.f32.msk $0xffff, v16;
	v4 =	vmov v13  }
0x1a9: {  	v12 =	vand.u32 $0xFFFF0000, v12;
	[tilespmem:v8+s21+$0x0] =	vst.idx.add.f32.msk $0xffff, v10  }
0x1aa: {  	v10 =	vshll.u32 v9, $0x10;
	v13 =	vand.u32 $0xFFFF0000, v9;
	[tilespmem:v8+s22+$0x0] =	vst.idx.add.f32.msk $0xffff, v12  }
0x1ab: {  	v12 =	vshll.u32 v11, $0x10;
	v11 =	vand.u32 $0xFFFF0000, v11;
	v9 =	vld.idx.msk [tilespmem:v15+s16+$0x0], $0xffff  }
.Ltmp14:
0x1ac: {  	[tilespmem:v6+s21+$0x0] =	vst.idx.add.f32.msk $0xffff, v12;
	(pc) =	sbr.rel @p0 .LBB2_21-.Ltmp14, $4  }
0x1ad: {  	[tilespmem:v6+s22+$0x0] =	vst.idx.add.f32.msk $0xffff, v11  }
0x1ae: {  	[tilespmem:v5+s21+$0x0] =	vst.idx.add.f32.msk $0xffff, v10  }
0x1af: {  	[tilespmem:v5+s22+$0x0] =	vst.idx.add.f32.msk $0xffff, v13  }
0x1b0: {  	s1 =	sadd.s32 $0x30, s1;
	v10 =	vld.idx.msk [tilespmem:v4+s16+$0x0], $0xffff  }
0x1b1: {  	_ =	sdelay $0x3  }
0x1b2: {  	v11 =	vshll.u32 v9, $0x10;
	v57 =	vld.idx.msk [tilespmem:v3+s16+$0x0], $0xffff  }
0x1b3: {  	v56 =	vand.u32 $0xFFFF0000, v9;
	[tilespmem:v8+s23+$0x0] =	vst.idx.add.f32.msk $0xffff, v11  }
0x1b4: {  	[tilespmem:v8+s24+$0x0] =	vst.idx.add.f32.msk $0xffff, v56  }
0x1b5: {  	v8 =	vld.idx.msk [tilespmem:v8+s17+$0x0], $0xffff;
	v58 =	vshll.u32 v10, $0x10  }
0x1b6: {  	v59 =	vand.u32 $0xFFFF0000, v10;
	[tilespmem:v6+s23+$0x0] =	vst.idx.add.f32.msk $0xffff, v58  }
0x1b7: {  	v60 =	vshll.u32 v57, $0x10;
	[tilespmem:v6+s24+$0x0] =	vst.idx.add.f32.msk $0xffff, v59  }
0x1b8: {  	[tilespmem:v5+s23+$0x0] =	vst.idx.add.f32.msk $0xffff, v60  }
0x1b9: {  	v61 =	vand.u32 $0xFFFF0000, v57;
	v6 =	vld.idx.msk [tilespmem:v6+s17+$0x0], $0xffff  }
0x1ba: {  	[tilespmem:v5+s24+$0x0] =	vst.idx.add.f32.msk $0xffff, v61  }
0x1bb: {  	v5 =	vld.idx.msk [tilespmem:v5+s17+$0x0], $0xffff;
	_ =	sdelay $0x1  }
0x1bc: {  	[tilespmem:v1+s25+$0x0] =	vst.idx.add.f32.msk $0xffff, v7  }
0x1bd: {  	[tilespmem:v2+s25+$0x0] =	vst.idx.add.f32.msk $0xffff, v8  }
0x1be: {  	[tilespmem:v4+s25+$0x0] =	vst.idx.add.f32.msk $0xffff, v6  }
0x1bf: {  	[tilespmem:v3+s25+$0x0] =	vst.idx.add.f32.msk $0xffff, v5  }
0x1c0: {  	v1 =	vld [tilespmem:$0x10990];
	_ =	sdelay $0x4  }
0x1c1: {  	v2 =	vand.u32 $0xFFFF, v1;
	_ =	sdelay $0x4  }
0x1c2: {  	v3 =	vld.idx.msk [tilespmem:v2+s2+$0x0], $0xffff  }
0x1c3: {  	v1 =	vshra.s32 v1, $0x10;
	_ =	sdelay $0x3  }
0x1c4: {  	v62 =	vshll.u32 v3, $0x10  }
0x1c5: {  	v3 =	vand.u32 $0xFFFF0000, v3;
	[tilespmem:v1+s21+$0x0] =	vst.idx.add.f32.msk $0xffff, v62  }
0x1c6: {  	[tilespmem:v1+s22+$0x0] =	vst.idx.add.f32.msk $0xffff, v3  }
0x1c7: {  	v3 =	vld.idx.msk [tilespmem:v2+s16+$0x0], $0xffff;
	_ =	sdelay $0x4  }
0x1c8: {  	v63 =	vshll.u32 v3, $0x10  }
0x1c9: {  	v3 =	vand.u32 $0xFFFF0000, v3;
	[tilespmem:v1+s23+$0x0] =	vst.idx.add.f32.msk $0xffff, v63  }
0x1ca: {  	[tilespmem:v1+s24+$0x0] =	vst.idx.add.f32.msk $0xffff, v3  }
0x1cb: {  	v1 =	vld.idx.msk [tilespmem:v1+s17+$0x0], $0xffff  }
.Ltmp15:
0x1cc: {  	_ = 	snop;
	(pc) =	sbr.rel .LBB2_26-.Ltmp15, $2  }
0x1cd: {  	_ =	sdelay $0x2  }
0x1ce: {  	[tilespmem:v2+s25+$0x0] =	vst.idx.add.f32.msk $0xffff, v1  }
.LBB2_23:
0x1cf: {  	v1 =	vld [tilespmem:s0+$0x0];
	_ =	sdelay $0x2  }
0x1d0: {  	v2 =	vld [tilespmem:s0+$0xFFFFFFE0]  }
0x1d1: {  	v3 =	vld [tilespmem:s0+$0xFFFFFFF0]  }
0x1d2: {  	v4 =	vand.u32 $0xFFFF, v1;
	_ =	sdelay $0x2  }
0x1d3: {  	v5 =	vand.u32 $0xFFFF, v2  }
0x1d4: {  	v6 =	vand.u32 $0xFFFF, v3  }
0x1d5: {  	v7 =	vld.idx.msk [tilespmem:v4+s2+$0x0], $0xffff  }
0x1d6: {  	s31 =	simm.s32 $0xFA50;
	v8 =	vshra.s32 v1, $0x10  }
0x1d7: {  	v12 =	vld [tilespmem:s31+$0xFFFFFFF0]  }
0x1d8: {  	v9 =	vld.idx.msk [tilespmem:v5+s2+$0x0], $0xffff  }
0x1d9: {  	v10 =	vshra.s32 v2, $0x10;
	v11 =	vld.idx.msk [tilespmem:v6+s2+$0x0], $0xffff  }
0x1da: {  	v1 =	vshll.u32 v7, $0x10;
	v2 =	vand.u32 $0xFFFF0000, v7;
	v7 =	vld [tilespmem:s31+$0x0]  }
0x1db: {  	[tilespmem:v8+s21+$0x0] =	vst.idx.add.f32.msk $0xffff, v1  }
0x1dc: {  	[tilespmem:v8+s22+$0x0] =	vst.idx.add.f32.msk $0xffff, v2  }
0x1dd: {  	v1 =	vshra.s32 v3, $0x10;
	v3 =	vshll.u32 v9, $0x10;
	v2 =	vld.idx.msk [tilespmem:v4+s16+$0x0], $0xffff  }
0x1de: {  	[tilespmem:v10+s21+$0x0] =	vst.idx.add.f32.msk $0xffff, v3  }
0x1df: {  	v3 =	vand.u32 $0xFFFF0000, v9;
	v9 =	vld [tilespmem:s31+$0xFFFFFFE0]  }
0x1e0: {  	[tilespmem:v10+s22+$0x0] =	vst.idx.add.f32.msk $0xffff, v3  }
0x1e1: {  	v4 =	vshll.u32 v11, $0x10;
	v5 =	vld.idx.msk [tilespmem:v5+s16+$0x0], $0xffff;
	v13 =	vand.u32 $0xFFFF, v7  }
0x1e2: {  	[tilespmem:v1+s21+$0x0] =	vst.idx.add.f32.msk $0xffff, v4;
	v3 =	vshll.u32 v2, $0x10  }
0x1e3: {  	v4 =	vand.u32 $0xFFFF0000, v2;
	[tilespmem:v8+s23+$0x0] =	vst.idx.add.f32.msk $0xffff, v3  }
0x1e4: {  	v3 =	vand.u32 $0xFFFF0000, v11;
	[tilespmem:v8+s24+$0x0] =	vst.idx.add.f32.msk $0xffff, v4;
	v4 =	vand.u32 $0xFFFF, v9  }
0x1e5: {  	v2 =	vand.u32 $0xFFFF, v12;
	[tilespmem:v1+s22+$0x0] =	vst.idx.add.f32.msk $0xffff, v3  }
0x1e6: {  	v8 =	vld.idx.msk [tilespmem:v13+s2+$0x0], $0xffff  }
0x1e7: {  	v11 =	vld.idx.msk [tilespmem:v6+s16+$0x0], $0xffff;
	v6 =	vshra.s32 v7, $0x10;
	v7 =	vshll.u32 v5, $0x10  }
0x1e8: {  	[tilespmem:v10+s23+$0x0] =	vst.idx.add.f32.msk $0xffff, v7  }
0x1e9: {  	v15 =	vld.idx.msk [tilespmem:v4+s2+$0x0], $0xffff  }
0x1ea: {  	v3 =	vshra.s32 v9, $0x10;
	v5 =	vand.u32 $0xFFFF0000, v5;
	v14 =	vld.idx.msk [tilespmem:v2+s2+$0x0], $0xffff  }
0x1eb: {  	[tilespmem:v10+s24+$0x0] =	vst.idx.add.f32.msk $0xffff, v5;
	v7 =	vshll.u32 v8, $0x10  }
0x1ec: {  	v8 =	vand.u32 $0xFFFF0000, v8;
	[tilespmem:v6+s21+$0x0] =	vst.idx.add.f32.msk $0xffff, v7  }
0x1ed: {  	v5 =	vshra.s32 v12, $0x10;
	[tilespmem:v6+s22+$0x0] =	vst.idx.add.f32.msk $0xffff, v8  }
0x1ee: {  	v7 =	vand.u32 $0xFFFF0000, v11;
	v8 =	vshll.u32 v11, $0x10;
	v10 =	vld.idx.msk [tilespmem:v13+s16+$0x0], $0xffff;
	v16 =	vshll.u32 v15, $0x10  }
0x1ef: {  	s0 =	simm.s32 $0x3;
	s1 =	simm.s32 $0xFA80;
	v11 =	vshll.u32 v14, $0x10;
	v9 =	vand.u32 $0xFFFF0000, v14;
	v12 =	vand.u32 $0xFFFF0000, v15;
	[tilespmem:v3+s21+$0x0] =	vst.idx.add.f32.msk $0xffff, v16  }
.LBB2_24:
0x1f0: {  	v13 =	vld [tilespmem:s1+$0x0]  }
0x1f1: {  	v14 =	vld [tilespmem:s1+$0xFFFFFFF0]  }
0x1f2: {  	s0 =	sadd.s32 $0x3, s0;
	v15 =	vld [tilespmem:s1+$0xFFFFFFE0]  }
0x1f3: {  	p0 =	slt.u32 s0, $0xF6;
	[tilespmem:v3+s22+$0x0] =	vst.idx.add.f32.msk $0xffff, v12  }
0x1f4: {  	[tilespmem:v5+s21+$0x0] =	vst.idx.add.f32.msk $0xffff, v11;
	v11 =	vshll.u32 v10, $0x10  }
0x1f5: {  	v10 =	vand.u32 $0xFFFF0000, v10;
	v16 =	vand.u32 $0xFFFF, v13;
	[tilespmem:v6+s23+$0x0] =	vst.idx.add.f32.msk $0xffff, v11  }
0x1f6: {  	v11 =	vshra.s32 v14, $0x10;
	v12 =	vand.u32 $0xFFFF, v14;
	[tilespmem:v6+s24+$0x0] =	vst.idx.add.f32.msk $0xffff, v10  }
0x1f7: {  	v14 =	vshra.s32 v15, $0x10;
	v6 =	vand.u32 $0xFFFF, v15;
	[tilespmem:v5+s22+$0x0] =	vst.idx.add.f32.msk $0xffff, v9  }
0x1f8: {  	v9 =	vld.idx.msk [tilespmem:v4+s16+$0x0], $0xffff;
	v4 =	vmov v6  }
0x1f9: {  	v10 =	vld.idx.msk [tilespmem:v2+s16+$0x0], $0xffff;
	v2 =	vmov v12  }
0x1fa: {  	v15 =	vld.idx.msk [tilespmem:v16+s2+$0x0], $0xffff  }
0x1fb: {  	v12 =	vld.idx.msk [tilespmem:v12+s2+$0x0], $0xffff  }
0x1fc: {  	v17 =	vld.idx.msk [tilespmem:v6+s2+$0x0], $0xffff;
	v6 =	vshra.s32 v13, $0x10  }
0x1fd: {  	[tilespmem:v1+s23+$0x0] =	vst.idx.add.f32.msk $0xffff, v8  }
0x1fe: {  	v8 =	vshll.u32 v9, $0x10;
	v9 =	vand.u32 $0xFFFF0000, v9;
	[tilespmem:v1+s24+$0x0] =	vst.idx.add.f32.msk $0xffff, v7;
	v1 =	vmovc v5;
	v5 =	vmov v11  }
0x1ff: {  	v7 =	vand.u32 $0xFFFF0000, v10;
	[tilespmem:v3+s23+$0x0] =	vst.idx.add.f32.msk $0xffff, v8;
	v8 =	vshll.u32 v10, $0x10  }
.Ltmp16:
0x200: {  	v10 =	vshll.u32 v15, $0x10;
	[tilespmem:v3+s24+$0x0] =	vst.idx.add.f32.msk $0xffff, v9;
	v3 =	vmov v14;
	(pc) =	sbr.rel @p0 .LBB2_24-.Ltmp16, $4  }
0x201: {  	v13 =	vand.u32 $0xFFFF0000, v15;
	v11 =	vshll.u32 v12, $0x10;
	v9 =	vand.u32 $0xFFFF0000, v12;
	[tilespmem:v6+s21+$0x0] =	vst.idx.add.f32.msk $0xffff, v10  }
0x202: {  	v15 =	vshll.u32 v17, $0x10;
	v12 =	vand.u32 $0xFFFF0000, v17;
	[tilespmem:v6+s22+$0x0] =	vst.idx.add.f32.msk $0xffff, v13  }
0x203: {  	v10 =	vld.idx.msk [tilespmem:v16+s16+$0x0], $0xffff  }
0x204: {  	s1 =	sadd.s32 $0x30, s1;
	[tilespmem:v14+s21+$0x0] =	vst.idx.add.f32.msk $0xffff, v15  }
.Ltmp17:
0x205: {  	_ = 	snop;
	(pc) =	sbr.rel .LBB2_25-.Ltmp17, $1  }
0x206: {  	_ =	sdelay $0x3  }
.LBB2_28:
0x207: {  	_ =	sfence.sel $0x180000  }
0x208: {  	[bflag:$0x0] =	sbarrier.arrive $0xFFFF  }
0x209: {  	_ =	strace $0x9000004A  }
0x20a: {  	s0 =	stileid.u32;
	[bflag:$0x2] =	sbarrier.arrive $0xFFFF  }
0x20b: {  	p0 =	sne.s32 s0, $0x0;
	s0 =	rddreg [dreg:$0x1]  }
0x20c: {  	s0 =	sadd.s32 @!p0 $0x100000, s0  }
0x20d: {  	[sflag:s0] =	ssyncadd.tile.s32 @!p0 $0x1;
	_ =	shalt  }
.Lfunc_end2:
_tile_overlayer_lowered:
.L_overlay_start_2:
0x20e: {  	(tag) =	ssettag $0x2  }
0x20f: {  	s0 =	rddreg [dreg:$0x0];
	s2 =	stileid.u32  }
0x210: {  	s1 =	rddreg [dreg:$0x1];
	p0 =	sne.s32 s2, $0x0  }
0x211: {  	s3 =	rddreg [dreg:$0x2];
	[bflag:$0x3] =	sbarrier.arrive $0xFFFF;
	s2 =	simm.s32 @!p0 $0x1C03  }
0x212: {  	[timem:s3], [sflag:s2] =	dma.local @!p0 [hbm:s0], s1  }
0x213: {  	s0 =	simm.s32 @!p0 $0x3  }
0x214: {  	_ =	swait.ge @!p0 [sflag:s0], s1  }
0x215: {  	s1 =	ssub.s32 @!p0 $0x0, s1;
	[sflag:s0] =	ssyncset.done @!p0 $0x0  }
0x216: {  	[sflag:s0] =	ssyncadd.s32 @!p0 s1  }
0x217: {  	[bflag:$0x3] =	sbarrier.arrive $0xFFFF  }
0x218: {  	_ =	shalt  }

// kernel: kernel.14.cloned.1.call-start
scs
__scs_entry_jumppad:
0x0: {  	(pc) =	sbr.rel $0x88, $3  }
0x1: {  	(tag) =	ssettag $0x0;
	lr =	simm.s32 $0x1  }
0x2: {  	[smem:$0x3F99] =	sst lr;
	_ =	strace $0xD0000000  }
0x3: {  	_ = 	snop  }
0x4: {  	_ = 	snop  }
0x5: {  	_ = 	snop  }
0x6: {  	_ = 	snop  }
0x7: {  	_ = 	snop  }
__scs_overlays_trampoline_lowered:
0x8: {  	[smem:$0x3FA8] =	sst s0  }
0x9: {  	[smem:$0x3FA9] =	sst s1  }
0xa: {  	[smem:$0x3FAA] =	sst s2  }
0xb: {  	[smem:$0x3FAB] =	sst s3  }
0xc: {  	[smem:$0x3FAC] =	sst s4  }
0xd: {  	[smem:$0x3FAD] =	sst s5  }
0xe: {  	[smem:$0x3FAE] =	sst s6  }
0xf: {  	[smem:$0x3FAF] =	sst s7  }
0x10: {  	[smem:$0x3FB0] =	sst s8  }
0x11: {  	[smem:$0x3FB1] =	sst s9;
	s0 =	simm.s32 @!p0 $0x0  }
0x12: {  	s1 =	sld [smem:$0x3F97];
	s0 =	simm.s32 @p0 $0x1  }
0x13: {  	[smem:$0x3FB2] =	sst s0;
	s0 =	simm.s32 @!p1 $0x0  }
0x14: {  	s2 =	sld [smem:$0x3F96];
	s0 =	simm.s32 @p1 $0x1  }
0x15: {  	[smem:$0x3FB3] =	sst s0;
	s0 =	simm.s32 @!p2 $0x0  }
0x16: {  	s3 =	sld [smem:$0x3FDB];
	s0 =	simm.s32 @p2 $0x1  }
0x17: {  	s4 =	simm.s32 $0x1BF5;
	[smem:$0x3FB5] =	sst s0  }
0x18: {  	s0 =	sld [smem:$0x3F98];
	_ =	swait.ge [sflag:s4], $0x0  }
0x19: {  	s7 =	sld [smem:$0x3F99]  }
0x1a: {  	s8 =	sadd.s32 $0xFFFFE003, lr  }
0x1b: {  	s9 =	sadd.s32 $0xFFFFFEF7, lr;
	s5 =	simm.s32 $0xFFFFFFFF;
	p2 =	slt.u32 s8, $0xFFFFF086  }
0x1c: {  	p1 =	slt.u32 s9, $0xF7A;
	s5 =	simm.s32 @!p2 $0x0  }
0x1d: {  	s5 =	simm.s32 @p1 $0x1;
	p0 =	seq.s32 s7, s2  }
0x1e: {  	s7 =	smul.u32 @!p0 $0xF7A, s2;
	p2 =	seq.s32 @!p0 s5, $0x0  }
0x1f: {  	s9 =	smul.u32 $0xF7A, s1;
	s8 =	simm.s32 @!p0 $0x1BF5;
	p2 =	por !p2, p0  }
0x20: {  	[sflag:s8] =	ssyncset.s32 @!p0 $0xFFFFF086;
	s6 =	sadd.s32 @!p0 s3, s7;
	s7 =	simm.s32 @!p0 $0x108  }
0x21: {  	s3 =	sadd.s32 s3, s9;
	s6 =	sadd.s32 @!p0 $0x88, s6;
	s7 =	simm.s32 @p2 $0x1082  }
0x22: {  	[simem:s7], [sflag:s8] =	dma.local @!p0 [hbm:s6], $0xF7A  }
0x23: {  	s9 =	sor.u32 $0xD0000000, s2;
	s6 =	simm.s32 $0x108;
	_ =	swait.ge @!p0 [sflag:s8], $0x0  }
0x24: {  	s3 =	sadd.s32 $0x88, s3;
	s6 =	simm.s32 @!p1 $0x1082;
	[sflag:s4] =	ssyncset.s32 $0xFFFFF086  }
0x25: {  	[simem:s6], [sflag:s4] =	dma.local [hbm:s3], $0xF7A  }
0x26: {  	[smem:$0x3F99] =	sst s1;
	(tag) =	ssettag s2;
	_ =	strace s9  }
0x27: {  	s1 =	sld [smem:$0x3FA9]  }
0x28: {  	s2 =	sld [smem:$0x3FAA]  }
0x29: {  	s4 =	sld [smem:$0x3FAC]  }
0x2a: {  	p0 =	seq.s32 s5, $0x0;
	s5 =	sld [smem:$0x3FAD]  }
0x2b: {  	s6 =	sld [smem:$0x3FAE]  }
0x2c: {  	s7 =	sld [smem:$0x3FAF]  }
0x2d: {  	s3 =	simm.s32 $0x108;
	s8 =	sld [smem:$0x3FB0]  }
0x2e: {  	s3 =	simm.s32 @!p0 $0x1082;
	s9 =	sld [smem:$0x3FB1]  }
0x2f: {  	lr =	sadd.s32 s0, s3;
	s0 =	sld [smem:$0x3FA8]  }
0x30: {  	s3 =	sld [smem:$0x3FAB]  }
0x31: {  	[smem:$0x3FB4] =	sst s10  }
0x32: {  	s10 =	sld [smem:$0x3FB2];
	_ =	sdelay $0x3  }
0x33: {  	p0 =	seq.s32 s10, $0x1;
	s10 =	sld [smem:$0x3FB4];
	_ =	sdelay $0x3  }
0x34: {  	[smem:$0x3FB4] =	sst s10  }
0x35: {  	s10 =	sld [smem:$0x3FB3];
	_ =	sdelay $0x3  }
0x36: {  	p1 =	seq.s32 s10, $0x1;
	s10 =	sld [smem:$0x3FB4];
	_ =	sdelay $0x3  }
0x37: {  	[smem:$0x3FB4] =	sst s10  }
0x38: {  	s10 =	sld [smem:$0x3FB5]  }
0x39: {  	_ = 	snop;
	(pc) =	sbr.ind lr, $3  }
0x3a: {  	_ = 	snop  }
0x3b: {  	_ = 	snop  }
0x3c: {  	p2 =	seq.s32 s10, $0x1;
	s10 =	sld [smem:$0x3FB4]  }
0x3d: {  	_ =	shalt  }
0x3e: {  	_ =	shalt  }
0x3f: {  	_ =	shalt  }
0x40: {  	_ =	shalt  }
0x41: {  	_ =	shalt  }
0x42: {  	_ =	shalt  }
0x43: {  	_ =	shalt  }
0x44: {  	_ =	shalt  }
0x45: {  	_ =	shalt  }
0x46: {  	_ =	shalt  }
0x47: {  	_ =	shalt  }
0x48: {  	_ =	shalt  }
0x49: {  	_ =	shalt  }
0x4a: {  	_ =	shalt  }
0x4b: {  	_ =	shalt  }
0x4c: {  	_ =	shalt  }
0x4d: {  	_ =	shalt  }
0x4e: {  	_ =	shalt  }
0x4f: {  	_ =	shalt  }
0x50: {  	_ =	shalt  }
0x51: {  	_ =	shalt  }
0x52: {  	_ =	shalt  }
0x53: {  	_ =	shalt  }
0x54: {  	_ =	shalt  }
0x55: {  	_ =	shalt  }
0x56: {  	_ =	shalt  }
0x57: {  	_ =	shalt  }
0x58: {  	_ =	shalt  }
0x59: {  	_ =	shalt  }
0x5a: {  	_ =	shalt  }
0x5b: {  	_ =	shalt  }
0x5c: {  	_ =	shalt  }
0x5d: {  	_ =	shalt  }
0x5e: {  	_ =	shalt  }
0x5f: {  	_ =	shalt  }
0x60: {  	_ =	shalt  }
0x61: {  	_ =	shalt  }
0x62: {  	_ =	shalt  }
0x63: {  	_ =	shalt  }
0x64: {  	_ =	shalt  }
0x65: {  	_ =	shalt  }
0x66: {  	_ =	shalt  }
0x67: {  	_ =	shalt  }
0x68: {  	_ =	shalt  }
0x69: {  	_ =	shalt  }
0x6a: {  	_ =	shalt  }
0x6b: {  	_ =	shalt  }
0x6c: {  	_ =	shalt  }
0x6d: {  	_ =	shalt  }
0x6e: {  	_ =	shalt  }
0x6f: {  	_ =	shalt  }
0x70: {  	_ =	shalt  }
0x71: {  	_ =	shalt  }
0x72: {  	_ =	shalt  }
0x73: {  	_ =	shalt  }
0x74: {  	_ =	shalt  }
0x75: {  	_ =	shalt  }
0x76: {  	_ =	shalt  }
0x77: {  	_ =	shalt  }
0x78: {  	_ =	shalt  }
0x79: {  	_ =	shalt  }
0x7a: {  	_ =	shalt  }
0x7b: {  	_ =	shalt  }
0x7c: {  	_ =	shalt  }
0x7d: {  	_ =	shalt  }
0x7e: {  	_ =	shalt  }
0x7f: {  	_ =	shalt  }
0x80: {  	_ =	shalt  }
0x81: {  	_ =	shalt  }
0x82: {  	_ =	shalt  }
0x83: {  	_ =	shalt  }
0x84: {  	_ =	shalt  }
0x85: {  	_ =	shalt  }
0x86: {  	_ =	shalt  }
0x87: {  	_ =	shalt  }
.Lfunc_end0:
.L_simem_size_0:
called_computation.2_lowered:
.L_overlay_start_0:
0x88: {  	s2 =	sld [smem:$0x3FD9]  }
0x89: {  	s3 =	sld [smem:$0x3FFE];
	_ =	sdelay $0x1  }
0x8a: {  	s1 =	srdreg.scid  }
0x8b: {  	s0 =	sand.u32 $0x1, s1  }
0x8c: {  	s16 =	sshll.u32 s0, $0xA;
	s2 =	sadd.s32 s3, s2  }
0x8d: {  	s2 =	sadd.s32 s2, s16  }
0x8e: {  	[smem:$0x3FC0] =	sst s2  }
0x8f: {  	_ = 	snop  }
0x90: {  	(tm) =	ssettm $0x1  }
0x91: {  	s17 =	sld [smem:$0x3FFB];
	_ =	sdelay $0x3  }
0x92: {  	_ =	strace s17  }
0x93: {  	s2 =	sld [smem:$0x3FFC];
	_ =	sdelay $0x3  }
0x94: {  	_ =	strace s2  }
0x95: {  	s2 =	sld [smem:$0x3FFD];
	_ =	sdelay $0x3  }
0x96: {  	_ =	strace s2  }
0x97: {  	_ =	strace $0x8FFFFFFF  }
0x98: {  	s18 =	sld [smem:$0x3FDB];
	_ =	sdelay $0x1  }
0x99: {  	s19 =	simm.s32 $_scs_section_size  }
0x9a: {  	s4 =	simm.s32 $_size__tile_overlayer_lowered;
	s5 =	simm.s32 $_tile_overlayer_lowered  }
0x9b: {  	s22 =	simm.s32 $0x1BFF;
	s21 =	sshll.u32 s5, $0x1;
	s2 =	sadd.s32 s19, s18  }
0x9c: {  	s6 =	simm.s32 $0x0;
	s20 =	sshll.u32 s4, $0x1;
	s4 =	sadd.s32 s21, s2  }
0x9d: {  	[timem:s6], [sflag:s22] =	dma.local [hbm:s4], s20  }
0x9e: {  	_ =	swait.ge [sflag:s22], s20  }
0x9f: {  	s3 =	ssub.s32 $0x0, s20;
	[sflag:s22] =	ssyncset.done $0x0  }
0xa0: {  	[sflag:s22] =	ssyncadd.s32 s3;
	_ =	sdelay $0x1  }
0xa1: {  	s23 =	simm.s32 $0x1B8B  }
0xa2: {  	_ =	swait.ge [sflag:s23], $0x1  }
0xa3: {  	[sflag:s23] =	ssyncset.done $0x0  }
0xa4: {  	s25 =	simm.s32 $0x1B8E;
	s24 =	sld [smem:$0x3FFE];
	[sflag:s23] =	ssyncadd.s32 $0xFFFFFFFF  }
0xa5: {  	s26 =	simm.s32 $execute0_lowered;
	[smem:$0x3FD2] =	sst s25  }
0xa6: {  	s4 =	sshll.u32 s26, $0x1;
	_ =	strace $0x8000004C;
	[dreg:$0x1] =	wrdreg $0xFFFFFFFF  }
0xa7: {  	s28 =	simm.s32 $_size_execute0_lowered;
	s2 =	sadd.s32 s2, s4;
	[dreg:$0x0] =	wrdreg $0x0  }
0xa8: {  	s4 =	sshll.u32 s28, $0x1;
	[dreg:$0x2] =	wrdreg s2  }
0xa9: {  	[dreg:$0x3] =	wrdreg s4  }
0xaa: {  	[dreg:$0x4] =	wrdreg $0xC0  }
0xab: {  	_ =	task [dreg:s6], $0x5FFFF  }
0xac: {  	[dreg:$0x1] =	wrdreg $0xFFFFFFFF  }
0xad: {  	[dreg:$0x0] =	wrdreg $0x60  }
0xae: {  	[dreg:$0x2] =	wrdreg s24  }
0xaf: {  	[dreg:$0x3] =	wrdreg $0x9  }
0xb0: {  	_ =	task.clear_ibuf [dreg:s6], $0x4FFFF;
	_ =	strace $0x9000004C  }
0xb1: {  	s29 =	simm.s32 $0x9;
	_ =	strace $0x8000004E  }
0xb2: {  	_ =	swait.ge [sflag:s29], $0x1  }
0xb3: {  	[sflag:s29] =	ssyncadd.s32 $0xFFFFFFFF  }
0xb4: {  	_ =	strace $0x9000004E  }
0xb5: {  	_ =	sfence  }
0xb6: {  	s30 =	sld [smem:$0x0];
	_ =	sdelay $0x2  }
0xb7: {  	s31 =	sshll.u32 s1, $0xD;
	s1 =	sshrl.u32 s1, $0x2  }
0xb8: {  	s3 =	sand.u32 $0x4000, s31;
	s1 =	sadd.s32 s1, s30  }
0xb9: {  	s0 =	sor.u32 s3, s0;
	s1 =	sshll.u32 s1, $0x11  }
0xba: {  	s0 =	sor.u32 s1, s0  }
0xbb: {  	s0 =	sadd.s32 $0x8F2B, s0  }
0xbc: {  	[sflag:s0] =	ssyncadd.remote.s32 $0x1  }
0xbd: {  	_ =	sfence.sel $0xFFFF  }
0xbe: {  	[dreg:$0x0] =	wrdreg $0xFFFFFFFF;
	(pc) =	sbr.abs _section_cstart, $3  }
0xbf: {  	[dreg:$0x1] =	wrdreg $0xFFFFFFFF  }
0xc0: {  	_ =	task.clear_ibuf [dreg:s6], $0x2FFFF;
	_ =	strace $0x9FFFFFFF  }
0xc1: {  	(tm) =	ssettm $0x7FFFFFFF  }
tec
execute0_lowered:
.L_overlay_start_1:
0x0: {  	(tag) =	ssettag $0x1  }
0x1: {  	s1 =	srdreg.scid;
	s0 =	stileid.u32  }
0x2: {  	s6 =	rddreg [dreg:$0x0];
	s2 =	simm.s32 $0x0;
	s14 =	simm.s32 $0xEA60  }
0x3: {  	s15 =	simm.s32 $0xFA00;
	s16 =	simm.s32 $0x1;
	s17 =	simm.s32 $0x4E20  }
0x4: {  	s18 =	simm.s32 $0x7530;
	s19 =	simm.s32 $0x9C40;
	s20 =	simm.s32 $0xC350  }
0x5: {  	s21 =	simm.s32 $0x2;
	s22 =	simm.s32 $0x0;
	s4 =	sand.u32 $0x1, s1  }
0x6: {  	s3 =	sshll.u32 s0, $0x2;
	s1 =	rddreg [dreg:$0x1];
	s5 =	sshll.u32 s4, $0x1  }
0x7: {  	[smem:$0x7FF] =	sst s2;
	s8 =	sadd.s32 $0x2400, s6;
	s5 =	sor.u32 s5, s3  }
0x8: {  	s11 =	sadd.s32 $0x33800, s6;
	_ =	strace $0x8000004D;
	s7 =	smul.u32 $0x2710, s5  }
0x9: {  	s4 =	ssub.s32 $0x2, s4;
	s3 =	sadd.s32 $0x29A00, s6;
	s9 =	smul.u32 $0x4E2, s5  }
0xa: {  	s31 =	sshrl.u32 s4, $0x1;
	s6 =	sadd.s32 $0x29BF4, s6;
	s10 =	sshrl.u32 s7, $0x3  }
0xb: {  	s13 =	ssub.s32 s4, s31;
	s4 =	sadd.s32 s8, s9;
	s12 =	sadd.s32 $0x4E2, s10  }
0xc: {  	s7 =	sadd.s32 s11, s9;
	s10 =	sadd.s32 s11, s10;
	s5 =	sadd.s32 s8, s12  }
0xd: {  	s8 =	sadd.s32 $0x13880, s10;
	s9 =	sadd.s32 s11, s12;
	s10 =	sadd.s32 $0x13D62, s10  }
0xe: {  	v0 =	vimm.f32 $0.0e+00;
	s11 =	smax.u32 s13, $0x1;
	s12 =	simm.s32 $0x3;
	s13 =	simm.s32 $0x2710  }
.LBB2_1:
0xf: {  	[tilespmem:s2], [sflag:$0x3] =	stream.linear.gather [hbm4b:s4+s2], $0x2710, $0x38;
	[tilespmem:$0x109A0] =	vst v63  }
0x10: {  	_ =	swait.ge [sflag:s12], $0x2710  }
0x11: {  	[sflag:s12] =	ssyncset.done $0x0  }
0x12: {  	[sflag:s12] =	ssyncadd.s32 $0xFFFFD8F0  }
0x13: {  	[tilespmem:s13], [sflag:$0x3] =	stream.linear.gather [hbm4b:s5+s2], $0x2710, $0x38;
	[tilespmem:$0x109A0] =	vst v63  }
0x14: {  	_ =	swait.ge [sflag:s12], $0x2710  }
0x15: {  	[sflag:s12] =	ssyncset.done $0x0  }
0x16: {  	s23 =	simm.s32 $0x4E60;
	[sflag:s12] =	ssyncadd.s32 $0xFFFFD8F0  }
0x17: {  	[tilespmem:s23+$0xFFFFFFC0] =	vst v0  }
0x18: {  	[tilespmem:s23+$0x30] =	vst v0  }
0x19: {  	[tilespmem:s23+$0x20] =	vst v0  }
0x1a: {  	[tilespmem:s23+$0x10] =	vst v0  }
0x1b: {  	[tilespmem:s23+$0x0] =	vst v0  }
0x1c: {  	[tilespmem:s23+$0xFFFFFFF0] =	vst v0  }
0x1d: {  	s24 =	simm.s32 $0x0;
	[tilespmem:s23+$0xFFFFFFE0] =	vst v0  }
.LBB2_2:
0x1e: {  	s24 =	sadd.s32 $0x8, s24;
	[tilespmem:s23+$0xFFFFFFD0] =	vst v0;
	s23 =	sadd.s32 $0x80, s23  }
0x1f: {  	[tilespmem:s23+$0xFFFFFFC0] =	vst v0;
	p0 =	slt.u32 s24, $0x268  }
0x20: {  	[tilespmem:s23+$0x30] =	vst v0  }
.Ltmp0:
0x21: {  	[tilespmem:s23+$0x20] =	vst v0;
	(pc) =	sbr.rel @p0 .LBB2_2-.Ltmp0, $4  }
0x22: {  	[tilespmem:s23+$0x10] =	vst v0  }
0x23: {  	[tilespmem:s23+$0x0] =	vst v0  }
0x24: {  	[tilespmem:s23+$0xFFFFFFF0] =	vst v0  }
0x25: {  	[tilespmem:s23+$0xFFFFFFE0] =	vst v0  }
0x26: {  	[tilespmem:s23+$0xFFFFFFD0] =	vst v0  }
0x27: {  	s23 =	simm.s32 $0x7570;
	[tilespmem:$0x7520] =	vst v0  }
0x28: {  	[tilespmem:s23+$0xFFFFFFC0] =	vst v0  }
0x29: {  	[tilespmem:s23+$0x30] =	vst v0  }
0x2a: {  	[tilespmem:s23+$0x20] =	vst v0  }
0x2b: {  	[tilespmem:s23+$0x10] =	vst v0  }
0x2c: {  	[tilespmem:s23+$0x0] =	vst v0  }
0x2d: {  	[tilespmem:s23+$0xFFFFFFF0] =	vst v0  }
0x2e: {  	s24 =	simm.s32 $0x0;
	[tilespmem:s23+$0xFFFFFFE0] =	vst v0  }
.LBB2_4:
0x2f: {  	s24 =	sadd.s32 $0x8, s24;
	[tilespmem:s23+$0xFFFFFFD0] =	vst v0;
	s23 =	sadd.s32 $0x80, s23  }
0x30: {  	[tilespmem:s23+$0xFFFFFFC0] =	vst v0;
	p0 =	slt.u32 s24, $0x268  }
0x31: {  	[tilespmem:s23+$0x30] =	vst v0  }
.Ltmp1:
0x32: {  	[tilespmem:s23+$0x20] =	vst v0;
	(pc) =	sbr.rel @p0 .LBB2_4-.Ltmp1, $4  }
0x33: {  	[tilespmem:s23+$0x10] =	vst v0  }
0x34: {  	[tilespmem:s23+$0x0] =	vst v0  }
0x35: {  	[tilespmem:s23+$0xFFFFFFF0] =	vst v0  }
0x36: {  	[tilespmem:s23+$0xFFFFFFE0] =	vst v0  }
0x37: {  	[tilespmem:s23+$0xFFFFFFD0] =	vst v0  }
0x38: {  	s23 =	simm.s32 $0x9C80;
	[tilespmem:$0x9C30] =	vst v0  }
0x39: {  	[tilespmem:s23+$0xFFFFFFC0] =	vst v0  }
0x3a: {  	[tilespmem:s23+$0x30] =	vst v0  }
0x3b: {  	[tilespmem:s23+$0x20] =	vst v0  }
0x3c: {  	[tilespmem:s23+$0x10] =	vst v0  }
0x3d: {  	[tilespmem:s23+$0x0] =	vst v0  }
0x3e: {  	[tilespmem:s23+$0xFFFFFFF0] =	vst v0  }
0x3f: {  	s24 =	simm.s32 $0x0;
	[tilespmem:s23+$0xFFFFFFE0] =	vst v0  }
.LBB2_6:
0x40: {  	s24 =	sadd.s32 $0x8, s24;
	[tilespmem:s23+$0xFFFFFFD0] =	vst v0;
	s23 =	sadd.s32 $0x80, s23  }
0x41: {  	[tilespmem:s23+$0xFFFFFFC0] =	vst v0;
	p0 =	slt.u32 s24, $0x268  }
0x42: {  	[tilespmem:s23+$0x30] =	vst v0  }
.Ltmp2:
0x43: {  	[tilespmem:s23+$0x20] =	vst v0;
	(pc) =	sbr.rel @p0 .LBB2_6-.Ltmp2, $4  }
0x44: {  	[tilespmem:s23+$0x10] =	vst v0  }
0x45: {  	[tilespmem:s23+$0x0] =	vst v0  }
0x46: {  	[tilespmem:s23+$0xFFFFFFF0] =	vst v0  }
0x47: {  	[tilespmem:s23+$0xFFFFFFE0] =	vst v0  }
0x48: {  	[tilespmem:s23+$0xFFFFFFD0] =	vst v0  }
0x49: {  	s23 =	simm.s32 $0xC390;
	[tilespmem:$0xC340] =	vst v0  }
0x4a: {  	[tilespmem:s23+$0xFFFFFFC0] =	vst v0  }
0x4b: {  	[tilespmem:s23+$0x30] =	vst v0  }
0x4c: {  	[tilespmem:s23+$0x20] =	vst v0  }
0x4d: {  	[tilespmem:s23+$0x10] =	vst v0  }
0x4e: {  	[tilespmem:s23+$0x0] =	vst v0  }
0x4f: {  	[tilespmem:s23+$0xFFFFFFF0] =	vst v0  }
0x50: {  	s24 =	simm.s32 $0x0;
	[tilespmem:s23+$0xFFFFFFE0] =	vst v0  }
.LBB2_8:
0x51: {  	s24 =	sadd.s32 $0x8, s24;
	[tilespmem:s23+$0xFFFFFFD0] =	vst v0;
	s23 =	sadd.s32 $0x80, s23  }
0x52: {  	[tilespmem:s23+$0xFFFFFFC0] =	vst v0;
	p0 =	slt.u32 s24, $0x268  }
0x53: {  	[tilespmem:s23+$0x30] =	vst v0  }
.Ltmp3:
0x54: {  	[tilespmem:s23+$0x20] =	vst v0;
	(pc) =	sbr.rel @p0 .LBB2_8-.Ltmp3, $4  }
0x55: {  	[tilespmem:s23+$0x10] =	vst v0  }
0x56: {  	[tilespmem:s23+$0x0] =	vst v0  }
0x57: {  	[tilespmem:s23+$0xFFFFFFF0] =	vst v0  }
0x58: {  	[tilespmem:s23+$0xFFFFFFE0] =	vst v0  }
0x59: {  	[tilespmem:s23+$0xFFFFFFD0] =	vst v0  }
0x5a: {  	s23 =	simm.s32 $0x0;
	[tilespmem:$0xEA50] =	vst v0  }
0x5b: {  	[tilespmem:s14], [sflag:$0x1] =	stream.linear.gather [hbm4b:s3+s23], $0xFA0, $0x38;
	[tilespmem:$0x109A0] =	vst v63  }
0x5c: {  	_ = 	snop  }
0x5d: {  	[tilespmem:s15], [sflag:$0x2] =	stream.linear.gather [hbm4b:s6+s23], $0xFA0, $0x38;
	[tilespmem:$0x109A0] =	vst v63  }
.LBB2_10:
0x5e: {  	p0 =	seq.s32 s23, $0x27  }
0x5f: {  	s24 =	smul.u32 @!p0 $0x1F40, s23;
	_ =	sdelay $0x1  }
0x60: {  	_ =	swait.ge [sflag:s16], $0xFA0;
	s30 =	simm.s32 $0xEA80;
	s24 =	sshrl.u32 @!p0 s24, $0x3  }
0x61: {  	[sflag:s16] =	ssyncset.done $0x0;
	s26 =	simm.s32 @!p0 $0x0;
	s24 =	sadd.s32 @!p0 s3, s24  }
0x62: {  	s28 =	simm.s32 @!p0 $0xEA60;
	[sflag:s16] =	ssyncadd.s32 $0xFFFFF060;
	s25 =	sadd.s32 @!p0 $0x3E8, s24  }
0x63: {  	[tilespmem:s28], [sflag:$0x1] =	stream.linear.gather @!p0 [hbm4b:s25+s26], $0xFA0, $0x38;
	[tilespmem:$0x109A0] =	vst v63  }
0x64: {  	v1 =	vld [tilespmem:s30+$0x0];
	_ =	sdelay $0x2  }
0x65: {  	v2 =	vld [tilespmem:s30+$0xFFFFFFE0]  }
0x66: {  	v3 =	vld [tilespmem:s30+$0xFFFFFFF0]  }
0x67: {  	v4 =	vand.u32 $0xFFFF, v1;
	_ =	sdelay $0x2  }
0x68: {  	v5 =	vand.u32 $0xFFFF, v2  }
0x69: {  	v6 =	vand.u32 $0xFFFF, v3  }
0x6a: {  	v7 =	vld.idx.msk [tilespmem:v4+s2+$0x0], $0xffff  }
0x6b: {  	s31 =	simm.s32 $0xEAB0;
	v8 =	vshra.s32 v1, $0x10  }
0x6c: {  	v12 =	vld [tilespmem:s31+$0xFFFFFFF0]  }
0x6d: {  	v9 =	vld.idx.msk [tilespmem:v5+s2+$0x0], $0xffff  }
0x6e: {  	v10 =	vshra.s32 v2, $0x10;
	v11 =	vld.idx.msk [tilespmem:v6+s2+$0x0], $0xffff  }
0x6f: {  	v1 =	vshll.u32 v7, $0x10;
	v2 =	vand.u32 $0xFFFF0000, v7;
	v7 =	vld [tilespmem:s31+$0x0]  }
0x70: {  	[tilespmem:v8+s17+$0x0] =	vst.idx.add.f32.msk $0xffff, v1  }
0x71: {  	[tilespmem:v8+s18+$0x0] =	vst.idx.add.f32.msk $0xffff, v2  }
0x72: {  	v1 =	vshra.s32 v3, $0x10;
	v3 =	vshll.u32 v9, $0x10;
	v2 =	vld.idx.msk [tilespmem:v4+s13+$0x0], $0xffff  }
0x73: {  	[tilespmem:v10+s17+$0x0] =	vst.idx.add.f32.msk $0xffff, v3  }
0x74: {  	v3 =	vand.u32 $0xFFFF0000, v9;
	v9 =	vld [tilespmem:s31+$0xFFFFFFE0]  }
0x75: {  	[tilespmem:v10+s18+$0x0] =	vst.idx.add.f32.msk $0xffff, v3  }
0x76: {  	v4 =	vshll.u32 v11, $0x10;
	v5 =	vld.idx.msk [tilespmem:v5+s13+$0x0], $0xffff;
	v13 =	vand.u32 $0xFFFF, v7  }
0x77: {  	[tilespmem:v1+s17+$0x0] =	vst.idx.add.f32.msk $0xffff, v4;
	v3 =	vshll.u32 v2, $0x10  }
0x78: {  	v4 =	vand.u32 $0xFFFF0000, v2;
	[tilespmem:v8+s19+$0x0] =	vst.idx.add.f32.msk $0xffff, v3  }
0x79: {  	v3 =	vand.u32 $0xFFFF0000, v11;
	[tilespmem:v8+s20+$0x0] =	vst.idx.add.f32.msk $0xffff, v4;
	v4 =	vand.u32 $0xFFFF, v9  }
0x7a: {  	v2 =	vand.u32 $0xFFFF, v12;
	[tilespmem:v1+s18+$0x0] =	vst.idx.add.f32.msk $0xffff, v3  }
0x7b: {  	v8 =	vld.idx.msk [tilespmem:v13+s2+$0x0], $0xffff  }
0x7c: {  	v11 =	vld.idx.msk [tilespmem:v6+s13+$0x0], $0xffff;
	v6 =	vshra.s32 v7, $0x10;
	v7 =	vshll.u32 v5, $0x10  }
0x7d: {  	[tilespmem:v10+s19+$0x0] =	vst.idx.add.f32.msk $0xffff, v7  }
0x7e: {  	v15 =	vld.idx.msk [tilespmem:v4+s2+$0x0], $0xffff  }
0x7f: {  	v3 =	vshra.s32 v9, $0x10;
	v5 =	vand.u32 $0xFFFF0000, v5;
	v14 =	vld.idx.msk [tilespmem:v2+s2+$0x0], $0xffff  }
0x80: {  	[tilespmem:v10+s20+$0x0] =	vst.idx.add.f32.msk $0xffff, v5;
	v7 =	vshll.u32 v8, $0x10  }
0x81: {  	v8 =	vand.u32 $0xFFFF0000, v8;
	[tilespmem:v6+s17+$0x0] =	vst.idx.add.f32.msk $0xffff, v7  }
0x82: {  	v5 =	vshra.s32 v12, $0x10;
	[tilespmem:v6+s18+$0x0] =	vst.idx.add.f32.msk $0xffff, v8  }
0x83: {  	v7 =	vand.u32 $0xFFFF0000, v11;
	v8 =	vshll.u32 v11, $0x10;
	v10 =	vld.idx.msk [tilespmem:v13+s13+$0x0], $0xffff;
	v16 =	vshll.u32 v15, $0x10  }
0x84: {  	s25 =	simm.s32 $0x3;
	s26 =	simm.s32 $0xEAE0;
	v11 =	vshll.u32 v14, $0x10;
	v9 =	vand.u32 $0xFFFF0000, v14;
	v12 =	vand.u32 $0xFFFF0000, v15;
	[tilespmem:v3+s17+$0x0] =	vst.idx.add.f32.msk $0xffff, v16  }
.LBB2_11:
0x85: {  	v13 =	vld [tilespmem:s26+$0x0]  }
0x86: {  	v14 =	vld [tilespmem:s26+$0xFFFFFFF0]  }
0x87: {  	s25 =	sadd.s32 $0x3, s25;
	v15 =	vld [tilespmem:s26+$0xFFFFFFE0]  }
0x88: {  	p1 =	slt.u32 s25, $0xF6;
	[tilespmem:v3+s18+$0x0] =	vst.idx.add.f32.msk $0xffff, v12  }
0x89: {  	[tilespmem:v5+s17+$0x0] =	vst.idx.add.f32.msk $0xffff, v11;
	v11 =	vshll.u32 v10, $0x10  }
0x8a: {  	v10 =	vand.u32 $0xFFFF0000, v10;
	v16 =	vand.u32 $0xFFFF, v13;
	[tilespmem:v6+s19+$0x0] =	vst.idx.add.f32.msk $0xffff, v11  }
0x8b: {  	v11 =	vshra.s32 v14, $0x10;
	v12 =	vand.u32 $0xFFFF, v14;
	[tilespmem:v6+s20+$0x0] =	vst.idx.add.f32.msk $0xffff, v10  }
0x8c: {  	v14 =	vshra.s32 v15, $0x10;
	v6 =	vand.u32 $0xFFFF, v15;
	[tilespmem:v5+s18+$0x0] =	vst.idx.add.f32.msk $0xffff, v9  }
0x8d: {  	v9 =	vld.idx.msk [tilespmem:v4+s13+$0x0], $0xffff;
	v4 =	vmov v6  }
0x8e: {  	v10 =	vld.idx.msk [tilespmem:v2+s13+$0x0], $0xffff;
	v2 =	vmov v12  }
0x8f: {  	v15 =	vld.idx.msk [tilespmem:v16+s2+$0x0], $0xffff  }
0x90: {  	v12 =	vld.idx.msk [tilespmem:v12+s2+$0x0], $0xffff  }
0x91: {  	v17 =	vld.idx.msk [tilespmem:v6+s2+$0x0], $0xffff;
	v6 =	vshra.s32 v13, $0x10  }
0x92: {  	[tilespmem:v1+s19+$0x0] =	vst.idx.add.f32.msk $0xffff, v8  }
0x93: {  	v8 =	vshll.u32 v9, $0x10;
	v9 =	vand.u32 $0xFFFF0000, v9;
	[tilespmem:v1+s20+$0x0] =	vst.idx.add.f32.msk $0xffff, v7;
	v1 =	vmovc v5;
	v5 =	vmov v11  }
0x94: {  	v7 =	vand.u32 $0xFFFF0000, v10;
	[tilespmem:v3+s19+$0x0] =	vst.idx.add.f32.msk $0xffff, v8;
	v8 =	vshll.u32 v10, $0x10  }
.Ltmp4:
0x95: {  	v10 =	vshll.u32 v15, $0x10;
	[tilespmem:v3+s20+$0x0] =	vst.idx.add.f32.msk $0xffff, v9;
	v3 =	vmov v14;
	(pc) =	sbr.rel @p1 .LBB2_11-.Ltmp4, $4  }
0x96: {  	v13 =	vand.u32 $0xFFFF0000, v15;
	v11 =	vshll.u32 v12, $0x10;
	v9 =	vand.u32 $0xFFFF0000, v12;
	[tilespmem:v6+s17+$0x0] =	vst.idx.add.f32.msk $0xffff, v10  }
0x97: {  	v15 =	vshll.u32 v17, $0x10;
	v12 =	vand.u32 $0xFFFF0000, v17;
	[tilespmem:v6+s18+$0x0] =	vst.idx.add.f32.msk $0xffff, v13  }
0x98: {  	v10 =	vld.idx.msk [tilespmem:v16+s13+$0x0], $0xffff  }
0x99: {  	s26 =	sadd.s32 $0x30, s26;
	[tilespmem:v14+s17+$0x0] =	vst.idx.add.f32.msk $0xffff, v15  }
0x9a: {  	_ =	sdelay $0x3  }
0x9b: {  	[tilespmem:v3+s18+$0x0] =	vst.idx.add.f32.msk $0xffff, v12  }
0x9c: {  	[tilespmem:v5+s17+$0x0] =	vst.idx.add.f32.msk $0xffff, v11  }
0x9d: {  	[tilespmem:v1+s19+$0x0] =	vst.idx.add.f32.msk $0xffff, v8  }
0x9e: {  	v4 =	vld.idx.msk [tilespmem:v4+s13+$0x0], $0xffff  }
0x9f: {  	[tilespmem:v5+s18+$0x0] =	vst.idx.add.f32.msk $0xffff, v9  }
0xa0: {  	v2 =	vld.idx.msk [tilespmem:v2+s13+$0x0], $0xffff  }
0xa1: {  	[tilespmem:v1+s20+$0x0] =	vst.idx.add.f32.msk $0xffff, v7;
	v11 =	vshll.u32 v10, $0x10  }
0xa2: {  	v9 =	vand.u32 $0xFFFF0000, v10;
	[tilespmem:v6+s19+$0x0] =	vst.idx.add.f32.msk $0xffff, v11  }
0xa3: {  	[tilespmem:v6+s20+$0x0] =	vst.idx.add.f32.msk $0xffff, v9;
	v6 =	vshll.u32 v4, $0x10  }
0xa4: {  	v1 =	vand.u32 $0xFFFF0000, v4;
	[tilespmem:v3+s19+$0x0] =	vst.idx.add.f32.msk $0xffff, v6  }
0xa5: {  	v4 =	vshll.u32 v2, $0x10;
	[tilespmem:v3+s20+$0x0] =	vst.idx.add.f32.msk $0xffff, v1  }
0xa6: {  	v1 =	vand.u32 $0xFFFF0000, v2;
	[tilespmem:v5+s19+$0x0] =	vst.idx.add.f32.msk $0xffff, v4  }
0xa7: {  	[tilespmem:v5+s20+$0x0] =	vst.idx.add.f32.msk $0xffff, v1  }
0xa8: {  	v1 =	vld [tilespmem:$0xF9F0];
	_ =	sdelay $0x4  }
0xa9: {  	v2 =	vand.u32 $0xFFFF, v1;
	_ =	sdelay $0x4  }
0xaa: {  	v3 =	vld.idx.msk [tilespmem:v2+s2+$0x0], $0xffff  }
0xab: {  	v1 =	vshra.s32 v1, $0x10;
	_ =	sdelay $0x3  }
0xac: {  	v4 =	vshll.u32 v3, $0x10  }
0xad: {  	v3 =	vand.u32 $0xFFFF0000, v3;
	[tilespmem:v1+s17+$0x0] =	vst.idx.add.f32.msk $0xffff, v4  }
0xae: {  	[tilespmem:v1+s18+$0x0] =	vst.idx.add.f32.msk $0xffff, v3  }
0xaf: {  	v2 =	vld.idx.msk [tilespmem:v2+s13+$0x0], $0xffff;
	_ =	sdelay $0x4  }
0xb0: {  	v3 =	vshll.u32 v2, $0x10  }
0xb1: {  	v2 =	vand.u32 $0xFFFF0000, v2;
	[tilespmem:v1+s19+$0x0] =	vst.idx.add.f32.msk $0xffff, v3  }
0xb2: {  	[tilespmem:v1+s20+$0x0] =	vst.idx.add.f32.msk $0xffff, v2  }
0xb3: {  	_ =	swait.ge [sflag:s21], $0xFA0  }
0xb4: {  	s24 =	sadd.s32 @!p0 $0x5DC, s24;
	s25 =	simm.s32 @!p0 $0x0;
	[sflag:s21] =	ssyncset.done $0x0  }
0xb5: {  	s26 =	simm.s32 @!p0 $0xFA00;
	s30 =	simm.s32 $0xFA20;
	[sflag:s21] =	ssyncadd.s32 $0xFFFFF060  }
0xb6: {  	[tilespmem:s26], [sflag:$0x2] =	stream.linear.gather @!p0 [hbm4b:s24+s25], $0xFA0, $0x38;
	[tilespmem:$0x109A0] =	vst v63  }
0xb7: {  	v1 =	vld [tilespmem:s30+$0x0];
	_ =	sdelay $0x2  }
0xb8: {  	v2 =	vld [tilespmem:s30+$0xFFFFFFE0]  }
0xb9: {  	v3 =	vld [tilespmem:s30+$0xFFFFFFF0]  }
0xba: {  	v4 =	vand.u32 $0xFFFF, v1;
	_ =	sdelay $0x2  }
0xbb: {  	v5 =	vand.u32 $0xFFFF, v2  }
0xbc: {  	v6 =	vand.u32 $0xFFFF, v3  }
0xbd: {  	v7 =	vld.idx.msk [tilespmem:v4+s2+$0x0], $0xffff  }
0xbe: {  	s31 =	simm.s32 $0xFA50;
	v8 =	vshra.s32 v1, $0x10  }
0xbf: {  	v12 =	vld [tilespmem:s31+$0xFFFFFFF0]  }
0xc0: {  	v9 =	vld.idx.msk [tilespmem:v5+s2+$0x0], $0xffff  }
0xc1: {  	v10 =	vshra.s32 v2, $0x10;
	v11 =	vld.idx.msk [tilespmem:v6+s2+$0x0], $0xffff  }
0xc2: {  	v1 =	vshll.u32 v7, $0x10;
	v2 =	vand.u32 $0xFFFF0000, v7;
	v7 =	vld [tilespmem:s31+$0x0]  }
0xc3: {  	[tilespmem:v8+s17+$0x0] =	vst.idx.add.f32.msk $0xffff, v1  }
0xc4: {  	[tilespmem:v8+s18+$0x0] =	vst.idx.add.f32.msk $0xffff, v2  }
0xc5: {  	v1 =	vshra.s32 v3, $0x10;
	v3 =	vshll.u32 v9, $0x10;
	v2 =	vld.idx.msk [tilespmem:v4+s13+$0x0], $0xffff  }
0xc6: {  	[tilespmem:v10+s17+$0x0] =	vst.idx.add.f32.msk $0xffff, v3  }
0xc7: {  	v3 =	vand.u32 $0xFFFF0000, v9;
	v9 =	vld [tilespmem:s31+$0xFFFFFFE0]  }
0xc8: {  	[tilespmem:v10+s18+$0x0] =	vst.idx.add.f32.msk $0xffff, v3  }
0xc9: {  	v4 =	vshll.u32 v11, $0x10;
	v5 =	vld.idx.msk [tilespmem:v5+s13+$0x0], $0xffff;
	v13 =	vand.u32 $0xFFFF, v7  }
0xca: {  	[tilespmem:v1+s17+$0x0] =	vst.idx.add.f32.msk $0xffff, v4;
	v3 =	vshll.u32 v2, $0x10  }
0xcb: {  	v4 =	vand.u32 $0xFFFF0000, v2;
	[tilespmem:v8+s19+$0x0] =	vst.idx.add.f32.msk $0xffff, v3  }
0xcc: {  	v3 =	vand.u32 $0xFFFF0000, v11;
	[tilespmem:v8+s20+$0x0] =	vst.idx.add.f32.msk $0xffff, v4;
	v4 =	vand.u32 $0xFFFF, v9  }
0xcd: {  	v2 =	vand.u32 $0xFFFF, v12;
	[tilespmem:v1+s18+$0x0] =	vst.idx.add.f32.msk $0xffff, v3  }
0xce: {  	v8 =	vld.idx.msk [tilespmem:v13+s2+$0x0], $0xffff  }
0xcf: {  	v11 =	vld.idx.msk [tilespmem:v6+s13+$0x0], $0xffff;
	v6 =	vshra.s32 v7, $0x10;
	v7 =	vshll.u32 v5, $0x10  }
0xd0: {  	[tilespmem:v10+s19+$0x0] =	vst.idx.add.f32.msk $0xffff, v7  }
0xd1: {  	v15 =	vld.idx.msk [tilespmem:v4+s2+$0x0], $0xffff  }
0xd2: {  	v3 =	vshra.s32 v9, $0x10;
	v5 =	vand.u32 $0xFFFF0000, v5;
	v14 =	vld.idx.msk [tilespmem:v2+s2+$0x0], $0xffff  }
0xd3: {  	[tilespmem:v10+s20+$0x0] =	vst.idx.add.f32.msk $0xffff, v5;
	v7 =	vshll.u32 v8, $0x10  }
0xd4: {  	v8 =	vand.u32 $0xFFFF0000, v8;
	[tilespmem:v6+s17+$0x0] =	vst.idx.add.f32.msk $0xffff, v7  }
0xd5: {  	v5 =	vshra.s32 v12, $0x10;
	[tilespmem:v6+s18+$0x0] =	vst.idx.add.f32.msk $0xffff, v8  }
0xd6: {  	v7 =	vand.u32 $0xFFFF0000, v11;
	v8 =	vshll.u32 v11, $0x10;
	v10 =	vld.idx.msk [tilespmem:v13+s13+$0x0], $0xffff;
	v16 =	vshll.u32 v15, $0x10  }
0xd7: {  	s24 =	simm.s32 $0x3;
	s25 =	simm.s32 $0xFA80;
	v11 =	vshll.u32 v14, $0x10;
	v9 =	vand.u32 $0xFFFF0000, v14;
	v12 =	vand.u32 $0xFFFF0000, v15;
	[tilespmem:v3+s17+$0x0] =	vst.idx.add.f32.msk $0xffff, v16  }
.LBB2_13:
0xd8: {  	v13 =	vld [tilespmem:s25+$0x0]  }
0xd9: {  	v14 =	vld [tilespmem:s25+$0xFFFFFFF0]  }
0xda: {  	s24 =	sadd.s32 $0x3, s24;
	v15 =	vld [tilespmem:s25+$0xFFFFFFE0]  }
0xdb: {  	p0 =	slt.u32 s24, $0xF6;
	[tilespmem:v3+s18+$0x0] =	vst.idx.add.f32.msk $0xffff, v12  }
0xdc: {  	[tilespmem:v5+s17+$0x0] =	vst.idx.add.f32.msk $0xffff, v11;
	v11 =	vshll.u32 v10, $0x10  }
0xdd: {  	v10 =	vand.u32 $0xFFFF0000, v10;
	v16 =	vand.u32 $0xFFFF, v13;
	[tilespmem:v6+s19+$0x0] =	vst.idx.add.f32.msk $0xffff, v11  }
0xde: {  	v11 =	vshra.s32 v14, $0x10;
	v12 =	vand.u32 $0xFFFF, v14;
	[tilespmem:v6+s20+$0x0] =	vst.idx.add.f32.msk $0xffff, v10  }
0xdf: {  	v14 =	vshra.s32 v15, $0x10;
	v6 =	vand.u32 $0xFFFF, v15;
	[tilespmem:v5+s18+$0x0] =	vst.idx.add.f32.msk $0xffff, v9  }
0xe0: {  	v9 =	vld.idx.msk [tilespmem:v4+s13+$0x0], $0xffff;
	v4 =	vmov v6  }
0xe1: {  	v10 =	vld.idx.msk [tilespmem:v2+s13+$0x0], $0xffff;
	v2 =	vmov v12  }
0xe2: {  	v15 =	vld.idx.msk [tilespmem:v16+s2+$0x0], $0xffff  }
0xe3: {  	v12 =	vld.idx.msk [tilespmem:v12+s2+$0x0], $0xffff  }
0xe4: {  	v17 =	vld.idx.msk [tilespmem:v6+s2+$0x0], $0xffff;
	v6 =	vshra.s32 v13, $0x10  }
0xe5: {  	[tilespmem:v1+s19+$0x0] =	vst.idx.add.f32.msk $0xffff, v8  }
0xe6: {  	v8 =	vshll.u32 v9, $0x10;
	v9 =	vand.u32 $0xFFFF0000, v9;
	[tilespmem:v1+s20+$0x0] =	vst.idx.add.f32.msk $0xffff, v7;
	v1 =	vmovc v5;
	v5 =	vmov v11  }
0xe7: {  	v7 =	vand.u32 $0xFFFF0000, v10;
	[tilespmem:v3+s19+$0x0] =	vst.idx.add.f32.msk $0xffff, v8;
	v8 =	vshll.u32 v10, $0x10  }
.Ltmp5:
0xe8: {  	v10 =	vshll.u32 v15, $0x10;
	[tilespmem:v3+s20+$0x0] =	vst.idx.add.f32.msk $0xffff, v9;
	v3 =	vmov v14;
	(pc) =	sbr.rel @p0 .LBB2_13-.Ltmp5, $4  }
0xe9: {  	v13 =	vand.u32 $0xFFFF0000, v15;
	v11 =	vshll.u32 v12, $0x10;
	v9 =	vand.u32 $0xFFFF0000, v12;
	[tilespmem:v6+s17+$0x0] =	vst.idx.add.f32.msk $0xffff, v10  }
0xea: {  	v15 =	vshll.u32 v17, $0x10;
	v12 =	vand.u32 $0xFFFF0000, v17;
	[tilespmem:v6+s18+$0x0] =	vst.idx.add.f32.msk $0xffff, v13  }
0xeb: {  	v10 =	vld.idx.msk [tilespmem:v16+s13+$0x0], $0xffff  }
0xec: {  	s25 =	sadd.s32 $0x30, s25;
	[tilespmem:v14+s17+$0x0] =	vst.idx.add.f32.msk $0xffff, v15  }
0xed: {  	_ =	sdelay $0x3  }
0xee: {  	[tilespmem:v3+s18+$0x0] =	vst.idx.add.f32.msk $0xffff, v12  }
0xef: {  	[tilespmem:v5+s17+$0x0] =	vst.idx.add.f32.msk $0xffff, v11  }
0xf0: {  	[tilespmem:v1+s19+$0x0] =	vst.idx.add.f32.msk $0xffff, v8  }
0xf1: {  	v4 =	vld.idx.msk [tilespmem:v4+s13+$0x0], $0xffff  }
0xf2: {  	[tilespmem:v5+s18+$0x0] =	vst.idx.add.f32.msk $0xffff, v9  }
0xf3: {  	v2 =	vld.idx.msk [tilespmem:v2+s13+$0x0], $0xffff  }
0xf4: {  	[tilespmem:v1+s20+$0x0] =	vst.idx.add.f32.msk $0xffff, v7;
	v59 =	vshll.u32 v10, $0x10  }
0xf5: {  	v60 =	vand.u32 $0xFFFF0000, v10;
	[tilespmem:v6+s19+$0x0] =	vst.idx.add.f32.msk $0xffff, v59  }
0xf6: {  	[tilespmem:v6+s20+$0x0] =	vst.idx.add.f32.msk $0xffff, v60;
	v61 =	vshll.u32 v4, $0x10  }
0xf7: {  	v1 =	vand.u32 $0xFFFF0000, v4;
	[tilespmem:v3+s19+$0x0] =	vst.idx.add.f32.msk $0xffff, v61  }
0xf8: {  	v62 =	vshll.u32 v2, $0x10;
	[tilespmem:v3+s20+$0x0] =	vst.idx.add.f32.msk $0xffff, v1  }
0xf9: {  	v1 =	vand.u32 $0xFFFF0000, v2;
	[tilespmem:v5+s19+$0x0] =	vst.idx.add.f32.msk $0xffff, v62  }
0xfa: {  	[tilespmem:v5+s20+$0x0] =	vst.idx.add.f32.msk $0xffff, v1  }
0xfb: {  	v1 =	vld [tilespmem:$0x10990];
	_ =	sdelay $0x4  }
0xfc: {  	v2 =	vand.u32 $0xFFFF, v1;
	_ =	sdelay $0x4  }
0xfd: {  	v3 =	vld.idx.msk [tilespmem:v2+s2+$0x0], $0xffff  }
0xfe: {  	v1 =	vshra.s32 v1, $0x10;
	_ =	sdelay $0x3  }
0xff: {  	v63 =	vshll.u32 v3, $0x10  }
0x100: {  	v3 =	vand.u32 $0xFFFF0000, v3;
	[tilespmem:v1+s17+$0x0] =	vst.idx.add.f32.msk $0xffff, v63  }
0x101: {  	[tilespmem:v1+s18+$0x0] =	vst.idx.add.f32.msk $0xffff, v3  }
0x102: {  	v2 =	vld.idx.msk [tilespmem:v2+s13+$0x0], $0xffff  }
0x103: {  	s23 =	sadd.s32 $0x1, s23  }
0x104: {  	p0 =	sne.s32 s23, $0x28  }
.Ltmp6:
0x105: {  	_ = 	snop;
	(pc) =	sbr.rel @p0 .LBB2_10-.Ltmp6, $4  }
0x106: {  	_ = 	snop  }
0x107: {  	v3 =	vshll.u32 v2, $0x10  }
0x108: {  	v2 =	vand.u32 $0xFFFF0000, v2;
	[tilespmem:v1+s19+$0x0] =	vst.idx.add.f32.msk $0xffff, v3  }
0x109: {  	[tilespmem:v1+s20+$0x0] =	vst.idx.add.f32.msk $0xffff, v2  }
0x10a: {  	[hbm4b:s7+s2] =	stream.linear.scatter [tilespmem:s17], [sflag:$0x3], $0x2710, $0x38;
	[tilespmem:$0x109A0] =	vst v63  }
0x10b: {  	_ =	swait.ge [sflag:s12], $0x2710  }
0x10c: {  	[sflag:s12] =	ssyncset.done $0x0  }
0x10d: {  	[sflag:s12] =	ssyncadd.s32 $0xFFFFD8F0  }
0x10e: {  	[hbm4b:s8+s2] =	stream.linear.scatter [tilespmem:s18], [sflag:$0x3], $0x2710, $0x38;
	[tilespmem:$0x109A0] =	vst v63  }
0x10f: {  	_ =	swait.ge [sflag:s12], $0x2710  }
0x110: {  	[sflag:s12] =	ssyncset.done $0x0  }
0x111: {  	[sflag:s12] =	ssyncadd.s32 $0xFFFFD8F0  }
0x112: {  	[hbm4b:s9+s2] =	stream.linear.scatter [tilespmem:s19], [sflag:$0x3], $0x2710, $0x38;
	[tilespmem:$0x109A0] =	vst v63  }
0x113: {  	s22 =	sadd.s32 $0x1, s22;
	_ =	swait.ge [sflag:s12], $0x2710  }
0x114: {  	p0 =	sne.s32 s22, s11;
	[sflag:s12] =	ssyncset.done $0x0  }
.Ltmp7:
0x115: {  	[sflag:s12] =	ssyncadd.s32 $0xFFFFD8F0;
	(pc) =	sbr.rel @p0 .LBB2_1-.Ltmp7, $4  }
0x116: {  	[hbm4b:s10+s2] =	stream.linear.scatter [tilespmem:s20], [sflag:$0x3], $0x2710, $0x38;
	[tilespmem:$0x109A0] =	vst v63  }
0x117: {  	_ =	swait.ge [sflag:s12], $0x2710  }
0x118: {  	[sflag:s12] =	ssyncset.done $0x0  }
0x119: {  	[sflag:s12] =	ssyncadd.s32 $0xFFFFD8F0  }
0x11a: {  	_ =	sfence.sel $0x180000  }
0x11b: {  	[bflag:$0x0] =	sbarrier.arrive $0xFFFF  }
0x11c: {  	p0 =	sne.s32 s0, $0x0;
	_ =	strace $0x9000004D  }
0x11d: {  	s0 =	sadd.s32 @!p0 $0x100000, s1;
	[bflag:$0x2] =	sbarrier.arrive $0xFFFF  }
0x11e: {  	[sflag:s0] =	ssyncadd.tile.s32 @!p0 $0x1;
	_ =	shalt  }
.Lfunc_end2:
_tile_overlayer_lowered:
.L_overlay_start_2:
0x11f: {  	(tag) =	ssettag $0x2  }
0x120: {  	s0 =	rddreg [dreg:$0x0];
	s2 =	stileid.u32  }
0x121: {  	s1 =	rddreg [dreg:$0x1];
	p0 =	sne.s32 s2, $0x0  }
0x122: {  	s3 =	rddreg [dreg:$0x2];
	[bflag:$0x3] =	sbarrier.arrive $0xFFFF;
	s2 =	simm.s32 @!p0 $0x1C03  }
0x123: {  	[timem:s3], [sflag:s2] =	dma.local @!p0 [hbm:s0], s1  }
0x124: {  	s0 =	simm.s32 @!p0 $0x3  }
0x125: {  	_ =	swait.ge @!p0 [sflag:s0], s1  }
0x126: {  	s1 =	ssub.s32 @!p0 $0x0, s1;
	[sflag:s0] =	ssyncset.done @!p0 $0x0  }
0x127: {  	[sflag:s0] =	ssyncadd.s32 @!p0 s1  }
0x128: {  	[bflag:$0x3] =	sbarrier.arrive $0xFFFF  }
0x129: {  	_ =	shalt  }

// kernel: kernel.8.cloned.1.call-start
scs
__scs_entry_jumppad:
0x0: {  	(pc) =	sbr.rel $0x88, $3  }
0x1: {  	(tag) =	ssettag $0x0;
	lr =	simm.s32 $0x1  }
0x2: {  	[smem:$0x3F99] =	sst lr;
	_ =	strace $0xD0000000  }
0x3: {  	_ = 	snop  }
0x4: {  	_ = 	snop  }
0x5: {  	_ = 	snop  }
0x6: {  	_ = 	snop  }
0x7: {  	_ = 	snop  }
__scs_overlays_trampoline_lowered:
0x8: {  	[smem:$0x3FA8] =	sst s0  }
0x9: {  	[smem:$0x3FA9] =	sst s1  }
0xa: {  	[smem:$0x3FAA] =	sst s2  }
0xb: {  	[smem:$0x3FAB] =	sst s3  }
0xc: {  	[smem:$0x3FAC] =	sst s4  }
0xd: {  	[smem:$0x3FAD] =	sst s5  }
0xe: {  	[smem:$0x3FAE] =	sst s6  }
0xf: {  	[smem:$0x3FAF] =	sst s7  }
0x10: {  	[smem:$0x3FB0] =	sst s8  }
0x11: {  	[smem:$0x3FB1] =	sst s9;
	s0 =	simm.s32 @!p0 $0x0  }
0x12: {  	s1 =	sld [smem:$0x3F97];
	s0 =	simm.s32 @p0 $0x1  }
0x13: {  	[smem:$0x3FB2] =	sst s0;
	s0 =	simm.s32 @!p1 $0x0  }
0x14: {  	s2 =	sld [smem:$0x3F96];
	s0 =	simm.s32 @p1 $0x1  }
0x15: {  	[smem:$0x3FB3] =	sst s0;
	s0 =	simm.s32 @!p2 $0x0  }
0x16: {  	s3 =	sld [smem:$0x3FDB];
	s0 =	simm.s32 @p2 $0x1  }
0x17: {  	s4 =	simm.s32 $0x1BF5;
	[smem:$0x3FB5] =	sst s0  }
0x18: {  	s0 =	sld [smem:$0x3F98];
	_ =	swait.ge [sflag:s4], $0x0  }
0x19: {  	s7 =	sld [smem:$0x3F99]  }
0x1a: {  	s8 =	sadd.s32 $0xFFFFE003, lr  }
0x1b: {  	s9 =	sadd.s32 $0xFFFFFEF7, lr;
	s5 =	simm.s32 $0xFFFFFFFF;
	p2 =	slt.u32 s8, $0xFFFFF086  }
0x1c: {  	p1 =	slt.u32 s9, $0xF7A;
	s5 =	simm.s32 @!p2 $0x0  }
0x1d: {  	s5 =	simm.s32 @p1 $0x1;
	p0 =	seq.s32 s7, s2  }
0x1e: {  	s7 =	smul.u32 @!p0 $0xF7A, s2;
	p2 =	seq.s32 @!p0 s5, $0x0  }
0x1f: {  	s9 =	smul.u32 $0xF7A, s1;
	s8 =	simm.s32 @!p0 $0x1BF5;
	p2 =	por !p2, p0  }
0x20: {  	[sflag:s8] =	ssyncset.s32 @!p0 $0xFFFFF086;
	s6 =	sadd.s32 @!p0 s3, s7;
	s7 =	simm.s32 @!p0 $0x108  }
0x21: {  	s3 =	sadd.s32 s3, s9;
	s6 =	sadd.s32 @!p0 $0x88, s6;
	s7 =	simm.s32 @p2 $0x1082  }
0x22: {  	[simem:s7], [sflag:s8] =	dma.local @!p0 [hbm:s6], $0xF7A  }
0x23: {  	s9 =	sor.u32 $0xD0000000, s2;
	s6 =	simm.s32 $0x108;
	_ =	swait.ge @!p0 [sflag:s8], $0x0  }
0x24: {  	s3 =	sadd.s32 $0x88, s3;
	s6 =	simm.s32 @!p1 $0x1082;
	[sflag:s4] =	ssyncset.s32 $0xFFFFF086  }
0x25: {  	[simem:s6], [sflag:s4] =	dma.local [hbm:s3], $0xF7A  }
0x26: {  	[smem:$0x3F99] =	sst s1;
	(tag) =	ssettag s2;
	_ =	strace s9  }
0x27: {  	s1 =	sld [smem:$0x3FA9]  }
0x28: {  	s2 =	sld [smem:$0x3FAA]  }
0x29: {  	s4 =	sld [smem:$0x3FAC]  }
0x2a: {  	p0 =	seq.s32 s5, $0x0;
	s5 =	sld [smem:$0x3FAD]  }
0x2b: {  	s6 =	sld [smem:$0x3FAE]  }
0x2c: {  	s7 =	sld [smem:$0x3FAF]  }
0x2d: {  	s3 =	simm.s32 $0x108;
	s8 =	sld [smem:$0x3FB0]  }
0x2e: {  	s3 =	simm.s32 @!p0 $0x1082;
	s9 =	sld [smem:$0x3FB1]  }
0x2f: {  	lr =	sadd.s32 s0, s3;
	s0 =	sld [smem:$0x3FA8]  }
0x30: {  	s3 =	sld [smem:$0x3FAB]  }
0x31: {  	[smem:$0x3FB4] =	sst s10  }
0x32: {  	s10 =	sld [smem:$0x3FB2];
	_ =	sdelay $0x3  }
0x33: {  	p0 =	seq.s32 s10, $0x1;
	s10 =	sld [smem:$0x3FB4];
	_ =	sdelay $0x3  }
0x34: {  	[smem:$0x3FB4] =	sst s10  }
0x35: {  	s10 =	sld [smem:$0x3FB3];
	_ =	sdelay $0x3  }
0x36: {  	p1 =	seq.s32 s10, $0x1;
	s10 =	sld [smem:$0x3FB4];
	_ =	sdelay $0x3  }
0x37: {  	[smem:$0x3FB4] =	sst s10  }
0x38: {  	s10 =	sld [smem:$0x3FB5]  }
0x39: {  	_ = 	snop;
	(pc) =	sbr.ind lr, $3  }
0x3a: {  	_ = 	snop  }
0x3b: {  	_ = 	snop  }
0x3c: {  	p2 =	seq.s32 s10, $0x1;
	s10 =	sld [smem:$0x3FB4]  }
0x3d: {  	_ =	shalt  }
0x3e: {  	_ =	shalt  }
0x3f: {  	_ =	shalt  }
0x40: {  	_ =	shalt  }
0x41: {  	_ =	shalt  }
0x42: {  	_ =	shalt  }
0x43: {  	_ =	shalt  }
0x44: {  	_ =	shalt  }
0x45: {  	_ =	shalt  }
0x46: {  	_ =	shalt  }
0x47: {  	_ =	shalt  }
0x48: {  	_ =	shalt  }
0x49: {  	_ =	shalt  }
0x4a: {  	_ =	shalt  }
0x4b: {  	_ =	shalt  }
0x4c: {  	_ =	shalt  }
0x4d: {  	_ =	shalt  }
0x4e: {  	_ =	shalt  }
0x4f: {  	_ =	shalt  }
0x50: {  	_ =	shalt  }
0x51: {  	_ =	shalt  }
0x52: {  	_ =	shalt  }
0x53: {  	_ =	shalt  }
0x54: {  	_ =	shalt  }
0x55: {  	_ =	shalt  }
0x56: {  	_ =	shalt  }
0x57: {  	_ =	shalt  }
0x58: {  	_ =	shalt  }
0x59: {  	_ =	shalt  }
0x5a: {  	_ =	shalt  }
0x5b: {  	_ =	shalt  }
0x5c: {  	_ =	shalt  }
0x5d: {  	_ =	shalt  }
0x5e: {  	_ =	shalt  }
0x5f: {  	_ =	shalt  }
0x60: {  	_ =	shalt  }
0x61: {  	_ =	shalt  }
0x62: {  	_ =	shalt  }
0x63: {  	_ =	shalt  }
0x64: {  	_ =	shalt  }
0x65: {  	_ =	shalt  }
0x66: {  	_ =	shalt  }
0x67: {  	_ =	shalt  }
0x68: {  	_ =	shalt  }
0x69: {  	_ =	shalt  }
0x6a: {  	_ =	shalt  }
0x6b: {  	_ =	shalt  }
0x6c: {  	_ =	shalt  }
0x6d: {  	_ =	shalt  }
0x6e: {  	_ =	shalt  }
0x6f: {  	_ =	shalt  }
0x70: {  	_ =	shalt  }
0x71: {  	_ =	shalt  }
0x72: {  	_ =	shalt  }
0x73: {  	_ =	shalt  }
0x74: {  	_ =	shalt  }
0x75: {  	_ =	shalt  }
0x76: {  	_ =	shalt  }
0x77: {  	_ =	shalt  }
0x78: {  	_ =	shalt  }
0x79: {  	_ =	shalt  }
0x7a: {  	_ =	shalt  }
0x7b: {  	_ =	shalt  }
0x7c: {  	_ =	shalt  }
0x7d: {  	_ =	shalt  }
0x7e: {  	_ =	shalt  }
0x7f: {  	_ =	shalt  }
0x80: {  	_ =	shalt  }
0x81: {  	_ =	shalt  }
0x82: {  	_ =	shalt  }
0x83: {  	_ =	shalt  }
0x84: {  	_ =	shalt  }
0x85: {  	_ =	shalt  }
0x86: {  	_ =	shalt  }
0x87: {  	_ =	shalt  }
.Lfunc_end0:
.L_simem_size_0:
called_computation_lowered:
.L_overlay_start_0:
0x88: {  	s2 =	sld [smem:$0x3FD9]  }
0x89: {  	s3 =	sld [smem:$0x3FFE];
	_ =	sdelay $0x1  }
0x8a: {  	s1 =	srdreg.scid  }
0x8b: {  	s0 =	sand.u32 $0x1, s1  }
0x8c: {  	s16 =	sshll.u32 s0, $0xA;
	s2 =	sadd.s32 s3, s2  }
0x8d: {  	s2 =	sadd.s32 s2, s16  }
0x8e: {  	[smem:$0x3FC0] =	sst s2  }
0x8f: {  	_ = 	snop  }
0x90: {  	(tm) =	ssettm $0x1  }
0x91: {  	s17 =	sld [smem:$0x3FFB];
	_ =	sdelay $0x3  }
0x92: {  	_ =	strace s17  }
0x93: {  	s2 =	sld [smem:$0x3FFC];
	_ =	sdelay $0x3  }
0x94: {  	_ =	strace s2  }
0x95: {  	s2 =	sld [smem:$0x3FFD];
	_ =	sdelay $0x3  }
0x96: {  	_ =	strace s2  }
0x97: {  	_ =	strace $0x8FFFFFFF  }
0x98: {  	s18 =	sld [smem:$0x3FDB];
	_ =	sdelay $0x1  }
0x99: {  	s19 =	simm.s32 $_scs_section_size  }
0x9a: {  	s4 =	simm.s32 $_size__tile_overlayer_lowered;
	s5 =	simm.s32 $_tile_overlayer_lowered  }
0x9b: {  	s22 =	simm.s32 $0x1BFF;
	s21 =	sshll.u32 s5, $0x1;
	s2 =	sadd.s32 s19, s18  }
0x9c: {  	s6 =	simm.s32 $0x0;
	s20 =	sshll.u32 s4, $0x1;
	s4 =	sadd.s32 s21, s2  }
0x9d: {  	[timem:s6], [sflag:s22] =	dma.local [hbm:s4], s20  }
0x9e: {  	_ =	swait.ge [sflag:s22], s20  }
0x9f: {  	s3 =	ssub.s32 $0x0, s20;
	[sflag:s22] =	ssyncset.done $0x0  }
0xa0: {  	[sflag:s22] =	ssyncadd.s32 s3;
	_ =	sdelay $0x1  }
0xa1: {  	s23 =	simm.s32 $0x1B8B  }
0xa2: {  	_ =	swait.ge [sflag:s23], $0x1  }
0xa3: {  	[sflag:s23] =	ssyncset.done $0x0  }
0xa4: {  	s25 =	simm.s32 $0x1B8E;
	s24 =	sld [smem:$0x3FFE];
	[sflag:s23] =	ssyncadd.s32 $0xFFFFFFFF  }
0xa5: {  	s26 =	simm.s32 $execute0_lowered;
	[smem:$0x3FD2] =	sst s25  }
0xa6: {  	s4 =	sshll.u32 s26, $0x1;
	_ =	strace $0x80000046;
	[dreg:$0x1] =	wrdreg $0xFFFFFFFF  }
0xa7: {  	s28 =	simm.s32 $_size_execute0_lowered;
	s2 =	sadd.s32 s2, s4;
	[dreg:$0x0] =	wrdreg $0x0  }
0xa8: {  	s4 =	sshll.u32 s28, $0x1;
	[dreg:$0x2] =	wrdreg s2  }
0xa9: {  	[dreg:$0x3] =	wrdreg s4  }
0xaa: {  	[dreg:$0x4] =	wrdreg $0xC0  }
0xab: {  	_ =	task [dreg:s6], $0x5FFFF  }
0xac: {  	[dreg:$0x1] =	wrdreg $0xFFFFFFFF  }
0xad: {  	[dreg:$0x0] =	wrdreg $0x60  }
0xae: {  	[dreg:$0x2] =	wrdreg s24  }
0xaf: {  	[dreg:$0x3] =	wrdreg $0x9  }
0xb0: {  	_ =	task.clear_ibuf [dreg:s6], $0x4FFFF;
	_ =	strace $0x90000046  }
0xb1: {  	s29 =	simm.s32 $0x9;
	_ =	strace $0x80000048  }
0xb2: {  	_ =	swait.ge [sflag:s29], $0x1  }
0xb3: {  	[sflag:s29] =	ssyncadd.s32 $0xFFFFFFFF  }
0xb4: {  	_ =	strace $0x90000048  }
0xb5: {  	_ =	sfence  }
0xb6: {  	s30 =	sld [smem:$0x0];
	_ =	sdelay $0x2  }
0xb7: {  	s31 =	sshll.u32 s1, $0xD;
	s1 =	sshrl.u32 s1, $0x2  }
0xb8: {  	s3 =	sand.u32 $0x4000, s31;
	s1 =	sadd.s32 s1, s30  }
0xb9: {  	s0 =	sor.u32 s3, s0;
	s1 =	sshll.u32 s1, $0x11  }
0xba: {  	s0 =	sor.u32 s1, s0  }
0xbb: {  	s0 =	sadd.s32 $0x8F2B, s0  }
0xbc: {  	[sflag:s0] =	ssyncadd.remote.s32 $0x1  }
0xbd: {  	_ =	sfence.sel $0xFFFF  }
0xbe: {  	[dreg:$0x0] =	wrdreg $0xFFFFFFFF;
	(pc) =	sbr.abs _section_cstart, $3  }
0xbf: {  	[dreg:$0x1] =	wrdreg $0xFFFFFFFF  }
0xc0: {  	_ =	task.clear_ibuf [dreg:s6], $0x2FFFF;
	_ =	strace $0x9FFFFFFF  }
0xc1: {  	(tm) =	ssettm $0x7FFFFFFF  }
tec
execute0_lowered:
.L_overlay_start_1:
0x0: {  	(tag) =	ssettag $0x1  }
0x1: {  	s1 =	srdreg.scid  }
0x2: {  	s0 =	stileid.u32;
	s4 =	rddreg [dreg:$0x0];
	s2 =	simm.s32 $0x0  }
0x3: {  	s9 =	simm.s32 $0x1;
	s3 =	sand.u32 $0x1, s1;
	s31 =	sshll.u32 s0, $0x1  }
0x4: {  	s10 =	simm.s32 $0x2710;
	s11 =	simm.s32 $0x7530;
	s1 =	sor.u32 s3, s31  }
0x5: {  	s12 =	simm.s32 $0x9C40;
	s13 =	simm.s32 $0x4E20;
	s5 =	smul.u32 $0x2710, s1  }
0x6: {  	s14 =	simm.s32 $0x0;
	[smem:$0x7FF] =	sst s2;
	s3 =	ssub.s32 $0x2, s3  }
0x7: {  	s1 =	rddreg [dreg:$0x1];
	s6 =	sshrl.u32 s3, $0x1;
	s5 =	sshrl.u32 s5, $0x3  }
0x8: {  	_ =	strace $0x80000047;
	s8 =	ssub.s32 s3, s6;
	s7 =	sadd.s32 s5, s4  }
0x9: {  	s8 =	smax.u32 s8, $0x1;
	s3 =	sadd.s32 $0x2400, s7;
	s4 =	sadd.s32 $0xC040, s7  }
0xa: {  	v0 =	vimm.f32 $0.0e+00;
	v1 =	vimm.f32 $1.000000000e+00;
	s5 =	sadd.s32 $0x29A00, s7;
	s6 =	sadd.s32 $0x1FC00, s7;
	s7 =	sadd.s32 $0x15E00, s7  }
.LBB2_1:
0xb: {  	[tilespmem:s2], [sflag:$0x1] =	stream.linear.gather [hbm4b:s3+s2], $0x2710, $0x38;
	[tilespmem:$0xC350] =	vst v63  }
0xc: {  	_ =	swait.ge [sflag:s9], $0x2710  }
0xd: {  	[sflag:s9] =	ssyncset.done $0x0  }
0xe: {  	[sflag:s9] =	ssyncadd.s32 $0xFFFFD8F0  }
0xf: {  	[tilespmem:s10], [sflag:$0x1] =	stream.linear.gather [hbm4b:s4+s2], $0x2710, $0x38;
	[tilespmem:$0xC350] =	vst v63  }
0x10: {  	_ =	swait.ge [sflag:s9], $0x2710  }
0x11: {  	[sflag:s9] =	ssyncset.done $0x0  }
0x12: {  	s15 =	simm.s32 $0x7570;
	[sflag:s9] =	ssyncadd.s32 $0xFFFFD8F0  }
0x13: {  	[tilespmem:s15+$0xFFFFFFC0] =	vst v0  }
0x14: {  	[tilespmem:s15+$0x30] =	vst v0  }
0x15: {  	[tilespmem:s15+$0x20] =	vst v0  }
0x16: {  	[tilespmem:s15+$0x10] =	vst v0  }
0x17: {  	[tilespmem:s15+$0x0] =	vst v0  }
0x18: {  	[tilespmem:s15+$0xFFFFFFF0] =	vst v0  }
0x19: {  	s16 =	simm.s32 $0x0;
	[tilespmem:s15+$0xFFFFFFE0] =	vst v0  }
.LBB2_2:
0x1a: {  	s16 =	sadd.s32 $0x8, s16;
	[tilespmem:s15+$0xFFFFFFD0] =	vst v0;
	s15 =	sadd.s32 $0x80, s15  }
0x1b: {  	[tilespmem:s15+$0xFFFFFFC0] =	vst v0;
	p0 =	slt.u32 s16, $0x268  }
0x1c: {  	[tilespmem:s15+$0x30] =	vst v0  }
.Ltmp0:
0x1d: {  	[tilespmem:s15+$0x20] =	vst v0;
	(pc) =	sbr.rel @p0 .LBB2_2-.Ltmp0, $4  }
0x1e: {  	[tilespmem:s15+$0x10] =	vst v0  }
0x1f: {  	[tilespmem:s15+$0x0] =	vst v0  }
0x20: {  	[tilespmem:s15+$0xFFFFFFF0] =	vst v0  }
0x21: {  	[tilespmem:s15+$0xFFFFFFE0] =	vst v0  }
0x22: {  	[tilespmem:s15+$0xFFFFFFD0] =	vst v0  }
0x23: {  	s15 =	simm.s32 $0x9C80;
	[tilespmem:$0x9C30] =	vst v0  }
0x24: {  	[tilespmem:s15+$0xFFFFFFC0] =	vst v0  }
0x25: {  	[tilespmem:s15+$0x30] =	vst v0  }
0x26: {  	[tilespmem:s15+$0x20] =	vst v0  }
0x27: {  	[tilespmem:s15+$0x10] =	vst v0  }
0x28: {  	[tilespmem:s15+$0x0] =	vst v0  }
0x29: {  	[tilespmem:s15+$0xFFFFFFF0] =	vst v0  }
0x2a: {  	s16 =	simm.s32 $0x0;
	[tilespmem:s15+$0xFFFFFFE0] =	vst v0  }
.LBB2_4:
0x2b: {  	s16 =	sadd.s32 $0x8, s16;
	[tilespmem:s15+$0xFFFFFFD0] =	vst v0;
	s15 =	sadd.s32 $0x80, s15  }
0x2c: {  	[tilespmem:s15+$0xFFFFFFC0] =	vst v0;
	p0 =	slt.u32 s16, $0x268  }
0x2d: {  	[tilespmem:s15+$0x30] =	vst v0  }
.Ltmp1:
0x2e: {  	[tilespmem:s15+$0x20] =	vst v0;
	(pc) =	sbr.rel @p0 .LBB2_4-.Ltmp1, $4  }
0x2f: {  	[tilespmem:s15+$0x10] =	vst v0  }
0x30: {  	[tilespmem:s15+$0x0] =	vst v0  }
0x31: {  	[tilespmem:s15+$0xFFFFFFF0] =	vst v0  }
0x32: {  	[tilespmem:s15+$0xFFFFFFE0] =	vst v0  }
0x33: {  	[tilespmem:s15+$0xFFFFFFD0] =	vst v0  }
0x34: {  	s16 =	simm.s32 $0x20;
	[tilespmem:$0xC340] =	vst v0  }
0x35: {  	s18 =	simm.s32 $0x2730;
	v7 =	vld [tilespmem:s16+$0xFFFFFFE0]  }
0x36: {  	v5 =	vld [tilespmem:s18+$0xFFFFFFE0]  }
0x37: {  	v9 =	vld [tilespmem:s18+$0x20]  }
0x38: {  	v8 =	vld [tilespmem:s16+$0x20];
	_ =	sdelay $0x1  }
0x39: {  	v4 =	vld [tilespmem:s18+$0xFFFFFFF0]  }
0x3a: {  	v3 =	vld [tilespmem:s16+$0xFFFFFFF0]  }
0x3b: {  	v2 =	vld [tilespmem:s18+$0x0];
	v6 =	vshll.u32 v5, $0x10  }
0x3c: {  	s15 =	simm.s32 $0x4E40;
	v11 =	vld [tilespmem:s16+$0x0];
	v12 =	vshll.u32 v9, $0x10;
	v10 =	vor.u32 v7, v6  }
0x3d: {  	s17 =	simm.s32 $0x0;
	v6 =	vld [tilespmem:s16+$0x10];
	v13 =	vor.u32 v8, v12;
	[tilespmem:s15+$0xFFFFFFE0] =	vst v10  }
0x3e: {  	s19 =	simm.s32 $0x2780;
	v12 =	vshll.u32 v4, $0x10;
	s16 =	simm.s32 $0x4E40;
	v10 =	vld [tilespmem:s18+$0x10];
	[tilespmem:s15+$0x20] =	vst v13;
	s18 =	simm.s32 $0x70  }
.LBB2_6:
0x3f: {  	s17 =	sadd.s32 $0x5, s17;
	[tilespmem:v8+s11+$0x0] =	vst.idx.add.f32.msk $0xffff, v1;
	s15 =	sadd.s32 $0x50, s15  }
0x40: {  	p0 =	slt.u32 s17, $0x26C;
	[tilespmem:v9+s12+$0x0] =	vst.idx.add.f32.msk $0xffff, v1  }
0x41: {  	v13 =	vld [tilespmem:s18+$0xFFFFFFE0]  }
0x42: {  	[tilespmem:v7+s11+$0x0] =	vst.idx.add.f32.msk $0xffff, v1  }
0x43: {  	v8 =	vld [tilespmem:s18+$0x20];
	v7 =	vshll.u32 v10, $0x10  }
0x44: {  	[tilespmem:v5+s12+$0x0] =	vst.idx.add.f32.msk $0xffff, v1;
	v5 =	vor.u32 v6, v7  }
0x45: {  	v14 =	vor.u32 v3, v12;
	v9 =	vld [tilespmem:s19+$0x20];
	[tilespmem:s16+$0x10] =	vst v5  }
0x46: {  	v12 =	vshll.u32 v2, $0x10;
	v5 =	vld [tilespmem:s19+$0xFFFFFFE0];
	[tilespmem:s16+$0xFFFFFFF0] =	vst v14;
	v7 =	vmov v13  }
0x47: {  	v12 =	vor.u32 v11, v12;
	[tilespmem:v3+s11+$0x0] =	vst.idx.add.f32.msk $0xffff, v1  }
0x48: {  	v3 =	vld [tilespmem:s18+$0xFFFFFFF0];
	[tilespmem:s16+$0x0] =	vst v12;
	s16 =	smov.u32 s15  }
0x49: {  	[tilespmem:v11+s11+$0x0] =	vst.idx.add.f32.msk $0xffff, v1  }
0x4a: {  	[tilespmem:v6+s11+$0x0] =	vst.idx.add.f32.msk $0xffff, v1  }
0x4b: {  	[tilespmem:v2+s12+$0x0] =	vst.idx.add.f32.msk $0xffff, v1  }
0x4c: {  	[tilespmem:v10+s12+$0x0] =	vst.idx.add.f32.msk $0xffff, v1  }
0x4d: {  	v13 =	vld [tilespmem:s19+$0xFFFFFFF0]  }
.Ltmp2:
0x4e: {  	v2 =	vld [tilespmem:s19+$0x0];
	(pc) =	sbr.rel @p0 .LBB2_6-.Ltmp2, $4  }
0x4f: {  	v6 =	vshll.u32 v5, $0x10;
	[tilespmem:v4+s12+$0x0] =	vst.idx.add.f32.msk $0xffff, v1  }
0x50: {  	v15 =	vor.u32 v7, v6;
	v10 =	vshll.u32 v9, $0x10;
	v6 =	vld [tilespmem:s18+$0x10]  }
0x51: {  	v14 =	vor.u32 v8, v10;
	[tilespmem:s15+$0xFFFFFFE0] =	vst v15;
	v11 =	vld [tilespmem:s18+$0x0]  }
0x52: {  	s18 =	sadd.s32 $0x50, s18;
	v12 =	vshll.u32 v13, $0x10;
	v10 =	vld [tilespmem:s19+$0x10];
	[tilespmem:s15+$0x20] =	vst v14;
	s19 =	sadd.s32 $0x50, s19;
	v4 =	vmov v13  }
0x53: {  	_ =	sdelay $0x3  }
0x54: {  	[tilespmem:v8+s11+$0x0] =	vst.idx.add.f32.msk $0xffff, v1  }
0x55: {  	[tilespmem:v7+s11+$0x0] =	vst.idx.add.f32.msk $0xffff, v1  }
0x56: {  	[tilespmem:v9+s12+$0x0] =	vst.idx.add.f32.msk $0xffff, v1  }
0x57: {  	v62 =	vor.u32 v3, v12;
	[tilespmem:v5+s12+$0x0] =	vst.idx.add.f32.msk $0xffff, v1  }
0x58: {  	[tilespmem:s16+$0xFFFFFFF0] =	vst v62  }
0x59: {  	v63 =	vshll.u32 v2, $0x10;
	[tilespmem:v3+s11+$0x0] =	vst.idx.add.f32.msk $0xffff, v1  }
0x5a: {  	v3 =	vor.u32 v11, v63;
	[tilespmem:v4+s12+$0x0] =	vst.idx.add.f32.msk $0xffff, v1  }
0x5b: {  	v60 =	vshll.u32 v10, $0x10;
	[tilespmem:s16+$0x0] =	vst v3  }
0x5c: {  	v61 =	vor.u32 v6, v60;
	[tilespmem:v11+s11+$0x0] =	vst.idx.add.f32.msk $0xffff, v1  }
0x5d: {  	[tilespmem:s16+$0x10] =	vst v61  }
0x5e: {  	[tilespmem:v2+s12+$0x0] =	vst.idx.add.f32.msk $0xffff, v1  }
0x5f: {  	[tilespmem:v6+s11+$0x0] =	vst.idx.add.f32.msk $0xffff, v1  }
0x60: {  	[tilespmem:v10+s12+$0x0] =	vst.idx.add.f32.msk $0xffff, v1  }
0x61: {  	[hbm4b:s5+s2] =	stream.linear.scatter [tilespmem:s13], [sflag:$0x1], $0x2710, $0x38;
	[tilespmem:$0xC350] =	vst v63  }
0x62: {  	_ =	swait.ge [sflag:s9], $0x2710  }
0x63: {  	[sflag:s9] =	ssyncset.done $0x0  }
0x64: {  	[sflag:s9] =	ssyncadd.s32 $0xFFFFD8F0  }
0x65: {  	[hbm4b:s6+s2] =	stream.linear.scatter [tilespmem:s11], [sflag:$0x1], $0x2710, $0x38;
	[tilespmem:$0xC350] =	vst v63  }
0x66: {  	s14 =	sadd.s32 $0x1, s14;
	_ =	swait.ge [sflag:s9], $0x2710  }
0x67: {  	p0 =	sne.s32 s14, s8;
	[sflag:s9] =	ssyncset.done $0x0  }
.Ltmp3:
0x68: {  	[sflag:s9] =	ssyncadd.s32 $0xFFFFD8F0;
	(pc) =	sbr.rel @p0 .LBB2_1-.Ltmp3, $4  }
0x69: {  	[hbm4b:s7+s2] =	stream.linear.scatter [tilespmem:s12], [sflag:$0x1], $0x2710, $0x38;
	[tilespmem:$0xC350] =	vst v63  }
0x6a: {  	_ =	swait.ge [sflag:s9], $0x2710  }
0x6b: {  	[sflag:s9] =	ssyncset.done $0x0  }
0x6c: {  	[sflag:s9] =	ssyncadd.s32 $0xFFFFD8F0  }
0x6d: {  	_ =	sfence.sel $0x180000  }
0x6e: {  	[bflag:$0x0] =	sbarrier.arrive $0xFFFF  }
0x6f: {  	p0 =	sne.s32 s0, $0x0;
	_ =	strace $0x90000047  }
0x70: {  	s0 =	sadd.s32 @!p0 $0x100000, s1;
	[bflag:$0x2] =	sbarrier.arrive $0xFFFF  }
0x71: {  	[sflag:s0] =	ssyncadd.tile.s32 @!p0 $0x1;
	_ =	shalt  }
.Lfunc_end2:
_tile_overlayer_lowered:
.L_overlay_start_2:
0x72: {  	(tag) =	ssettag $0x2  }
0x73: {  	s0 =	rddreg [dreg:$0x0];
	s2 =	stileid.u32  }
0x74: {  	s1 =	rddreg [dreg:$0x1];
	p0 =	sne.s32 s2, $0x0  }
0x75: {  	s3 =	rddreg [dreg:$0x2];
	[bflag:$0x3] =	sbarrier.arrive $0xFFFF;
	s2 =	simm.s32 @!p0 $0x1C01  }
0x76: {  	[timem:s3], [sflag:s2] =	dma.local @!p0 [hbm:s0], s1  }
0x77: {  	s0 =	simm.s32 @!p0 $0x1  }
0x78: {  	_ =	swait.ge @!p0 [sflag:s0], s1  }
0x79: {  	s1 =	ssub.s32 @!p0 $0x0, s1;
	[sflag:s0] =	ssyncset.done @!p0 $0x0  }
0x7a: {  	[sflag:s0] =	ssyncadd.s32 @!p0 s1  }
0x7b: {  	[bflag:$0x3] =	sbarrier.arrive $0xFFFF  }
0x7c: {  	_ =	shalt  }

</sc_bundles>
